<compile_context>
chip_gen: v7x
topology: tpu7x:2x2x1
jax: 0.10.2.dev20260603
libtpu: 0.0.44.dev20260713+nightly
codegen_flags: <defaults>
</compile_context>

<pallas_src>
import functools

import jax
import jax.numpy as jnp
from jax import lax
from jax.experimental import pallas as pl
from jax.experimental.pallas import tpu as pltpu
from jax.experimental.pallas import tpu_sc as plsc

N_NODES = 10000
NPAD = 10240
E = 320000
NC, NS = 2, 16
NW = NC * NS
C, B = 80, 128
EPAD = NW * C * B
RPT = NPAD // NS
ZR = 128
DH = 64
D2 = 48
DD = 16

_MESH = plsc.VectorSubcoreMesh(core_axis_name="core", subcore_axis_name="subcore")



def _pipelined_edges(g_p, src_v, dst_v, rows_v, acc, gsems, ssems, n_chunks):
    pltpu.async_copy(g_p.at[src_v.at[0]], rows_v.at[0], gsems[0])
    pltpu.async_copy(g_p.at[src_v.at[1]], rows_v.at[1], gsems[1])

    @pl.loop(0, n_chunks, step=4)
    def _(j):
        for slot in range(4):
            jj = j + slot
            ns = (slot + 2) % 4
            pltpu.make_async_copy(
                g_p.at[src_v.at[jj]], rows_v.at[slot], gsems[slot]).wait()
            pltpu.async_copy(
                rows_v.at[slot], acc.at[dst_v.at[jj]], ssems[slot], add=True)

            @pl.when(jj + 2 < n_chunks)
            def _():
                @pl.when(jj >= 2)
                def _():
                    pltpu.make_async_copy(
                        rows_v.at[ns], acc.at[dst_v.at[jj - 2]],
                        ssems[ns]).wait()
                pltpu.async_copy(
                    g_p.at[src_v.at[jj + 2]], rows_v.at[ns], gsems[ns])

    for k in range(4):
        jj = n_chunks - 4 + k
        pltpu.make_async_copy(
            rows_v.at[jj % 4], acc.at[dst_v.at[jj]], ssems[jj % 4]).wait()


def _make_propagate(D, n_phases):

    out_t = [jax.ShapeDtypeStruct((NC, NPAD, D), jnp.float32)] * n_phases

    @functools.partial(
        pl.kernel,
        out_type=out_t if n_phases > 1 else out_t[0],
        mesh=_MESH,
        compiler_params=pltpu.CompilerParams(use_tc_tiling_on_sc=False),
        scratch_types=[
            pltpu.VMEM((C, B), jnp.int32),
            pltpu.VMEM((C, B), jnp.int32),
            pltpu.VMEM((4, B, D), jnp.float32),
            pltpu.VMEM((ZR, D), jnp.float32),
            pltpu.VMEM_SHARED((NPAD, D), jnp.float32),
        ] + [pltpu.SemaphoreType.DMA] * 8,
    )
    def prop(*refs):
        g_hbm = refs[:n_phases]
        src_hbm, dst_hbm = refs[n_phases], refs[n_phases + 1]
        out_hbm = refs[n_phases + 2:2 * n_phases + 2]
        (src_v, dst_v, rows_v, zbuf, acc, *sems) = refs[2 * n_phases + 2:]
        gsems, ssems = sems[:4], sems[4:]

        cid = lax.axis_index("core")
        sid = lax.axis_index("subcore")
        wid = sid * NC + cid

        @pl.loop(0, ZR)
        def _(r):
            @pl.loop(0, D, step=16)
            def _(k):
                zbuf[r, pl.ds(k, 16)] = jnp.zeros((16,), jnp.float32)

        pltpu.sync_copy(src_hbm.at[wid], src_v)
        pltpu.sync_copy(dst_hbm.at[wid], dst_v)

        for phase in range(n_phases):
            g_p = g_hbm[phase]
            out_p = out_hbm[phase]

            @pl.loop(0, RPT, step=ZR)
            def _(r0):
                pltpu.sync_copy(zbuf, acc.at[pl.ds(sid * RPT + r0, ZR)])

            plsc.subcore_barrier()

            _pipelined_edges(g_p, src_v, dst_v, rows_v, acc, gsems, ssems, C)

            plsc.subcore_barrier()
            pltpu.sync_copy(
                acc.at[pl.ds(sid * RPT, RPT)],
                out_p.at[cid, pl.ds(sid * RPT, RPT)],
            )

    return prop


_prop_l2 = _make_propagate(D2, 1)

C1 = 160
E1PAD = NS * C1 * B


@functools.partial(
    pl.kernel,
    out_type=jax.ShapeDtypeStruct((NC, NPAD, DH), jnp.float32),
    mesh=_MESH,
    compiler_params=pltpu.CompilerParams(use_tc_tiling_on_sc=False),
    scratch_types=[
        pltpu.VMEM((C1, B), jnp.int32),
        pltpu.VMEM((C1, B), jnp.int32),
        pltpu.VMEM((4, B, DH), jnp.float32),
        pltpu.VMEM((ZR, DH), jnp.float32),
        pltpu.VMEM_SHARED((NPAD, DH), jnp.float32),
    ] + [pltpu.SemaphoreType.DMA] * 8,
)
def _prop_l1(g_hbm, src_hbm, dst_hbm, out_hbm, src_v, dst_v, rows_v, zbuf,
             acc, *sems):
    cid = lax.axis_index("core")
    sid = lax.axis_index("subcore")

    @pl.loop(0, ZR)
    def _(r):
        @pl.loop(0, DH, step=16)
        def _(k):
            zbuf[r, pl.ds(k, 16)] = jnp.zeros((16,), jnp.float32)

    pltpu.sync_copy(src_hbm.at[sid], src_v)
    pltpu.sync_copy(dst_hbm.at[sid], dst_v)
    g_p = g_hbm.at[cid]

    @pl.loop(0, RPT, step=ZR)
    def _(r0):
        pltpu.sync_copy(zbuf, acc.at[pl.ds(sid * RPT + r0, ZR)])

    gsems, ssems = sems[:4], sems[4:]
    plsc.subcore_barrier()

    _pipelined_edges(g_p, src_v, dst_v, rows_v, acc, gsems, ssems, C1)

    plsc.subcore_barrier()
    pltpu.sync_copy(
        acc.at[pl.ds(sid * RPT, RPT)],
        out_hbm.at[cid, pl.ds(sid * RPT, RPT)],
    )


@functools.partial(
    pl.kernel,
    out_type=jax.ShapeDtypeStruct((NC, NPAD, DD), jnp.float32),
    mesh=_MESH,
    compiler_params=pltpu.CompilerParams(use_tc_tiling_on_sc=False),
    scratch_types=[
        pltpu.VMEM((C, B), jnp.int32),
        pltpu.VMEM((B, DD), jnp.float32),
        pltpu.VMEM((ZR, DD), jnp.float32),
        pltpu.VMEM_SHARED((NPAD, DD), jnp.float32),
    ],
)
def _degree(dst_hbm, out_hbm, dst_v, ones_v, zbuf, acc):
    cid = lax.axis_index("core")
    sid = lax.axis_index("subcore")
    wid = sid * NC + cid

    @pl.loop(0, ZR)
    def _(r):
        zbuf[r, pl.ds(0, 16)] = jnp.zeros((16,), jnp.float32)

    @pl.loop(0, B)
    def _(r):
        ones_v[r, pl.ds(0, 16)] = jnp.full((16,), 1.0 / 16.0, jnp.float32)

    @pl.loop(0, RPT, step=ZR)
    def _(r0):
        pltpu.sync_copy(zbuf, acc.at[pl.ds(sid * RPT + r0, ZR)])

    pltpu.sync_copy(dst_hbm.at[wid], dst_v)
    plsc.subcore_barrier()

    @pl.loop(0, C)
    def _(j):
        pltpu.sync_copy(ones_v, acc.at[dst_v.at[j]], add=True)

    plsc.subcore_barrier()
    pltpu.sync_copy(
        acc.at[pl.ds(sid * RPT, RPT)],
        out_hbm.at[cid, pl.ds(sid * RPT, RPT)],
    )


RB = 2048


def _dis_from_parts(d):
    deg = jnp.sum(d[0], axis=1) + jnp.sum(d[1], axis=1) + 1.0
    return lax.rsqrt(deg)


def _tc_first(x_ref, w_ref, d_ref, o_ref):
    dis = _dis_from_parts(d_ref[...])
    y = jnp.dot(x_ref[...], w_ref[...], preferred_element_type=jnp.float32,
                precision=lax.Precision.HIGHEST)
    g = y * dis[:, None]
    o_ref[0] = g[:, :DH]
    o_ref[1] = g[:, DH:]


def _tc_mid(p_ref, g_ref, d_ref, b_ref, w_ref, o_ref):
    dis = _dis_from_parts(d_ref[...])[:, None]
    sa = p_ref[0] + g_ref[0]
    sb = p_ref[1] + g_ref[1]
    s = jnp.concatenate([sa, sb], axis=1)
    h = jnp.maximum(dis * s + b_ref[...], 0.0)
    y = jnp.dot(h, w_ref[...], preferred_element_type=jnp.float32,
                precision=lax.Precision.HIGHEST)
    o_ref[...] = y * dis


def _tc_last(p_ref, g_ref, d_ref, b_ref, o_ref):
    dis = _dis_from_parts(d_ref[...])[:, None]
    s = p_ref[0] + p_ref[1] + g_ref[...]
    o_ref[...] = dis * s + b_ref[...]


def _row_spec(d):
    return pl.BlockSpec((RB, d), lambda i: (i, 0))


def _part_spec(d):
    return pl.BlockSpec((NC, RB, d), lambda i: (0, i, 0))


def _full_spec(shape):
    return pl.BlockSpec(shape, lambda i: tuple(0 for _ in shape))


@jax.jit
def kernel(x, edge_index, W1, b1, W2, b2):
    ei = edge_index.astype(jnp.int32)
    pad_src = N_NODES + jnp.arange(EPAD - E, dtype=jnp.int32) % (NPAD - N_NODES)
    pad_dst = N_NODES + jnp.arange(EPAD - E, dtype=jnp.int32) % (NPAD - N_NODES)
    src = jnp.concatenate([ei[0], pad_src]).reshape(NW, C, B)
    dst = jnp.concatenate([ei[1], pad_dst]).reshape(NW, C, B)
    pad1_src = N_NODES + jnp.arange(E1PAD - E, dtype=jnp.int32) % (NPAD - N_NODES)
    pad1_dst = N_NODES + jnp.arange(E1PAD - E, dtype=jnp.int32) % (NPAD - N_NODES)
    src1 = jnp.concatenate([ei[0], pad1_src]).reshape(NS, C1, B)
    dst1 = jnp.concatenate([ei[1], pad1_dst]).reshape(NS, C1, B)
    xp = jnp.pad(x, ((0, NPAD - N_NODES), (0, 0)))
    w2p = jnp.pad(W2, ((0, 0), (0, D2 - W2.shape[1])))
    b1r = b1.reshape(1, 2 * DH)
    b2r = jnp.pad(b2, (0, D2 - b2.shape[0])).reshape(1, D2)

    degp = _degree(dst)

    nblk = NPAD // RB

    g1 = pl.pallas_call(
        _tc_first,
        grid=(nblk,),
        in_specs=[_row_spec(2 * DH), _full_spec((2 * DH, 2 * DH)), _part_spec(DD)],
        out_specs=_part_spec(DH),
        out_shape=jax.ShapeDtypeStruct((NC, NPAD, DH), jnp.float32),
    )(xp, W1, degp)

    p1 = _prop_l1(g1, src1, dst1)

    g2 = pl.pallas_call(
        _tc_mid,
        grid=(nblk,),
        in_specs=[_part_spec(DH), _part_spec(DH),
                  _part_spec(DD), _full_spec((1, 2 * DH)), _full_spec((2 * DH, D2))],
        out_specs=_row_spec(D2),
        out_shape=jax.ShapeDtypeStruct((NPAD, D2), jnp.float32),
    )(p1, g1, degp, b1r, w2p)

    p2 = _prop_l2(g2, src, dst)

    outp = pl.pallas_call(
        _tc_last,
        grid=(nblk,),
        in_specs=[_part_spec(D2), _row_spec(D2), _part_spec(DD),
                  _full_spec((1, D2))],
        out_specs=_row_spec(D2),
        out_shape=jax.ShapeDtypeStruct((NPAD, D2), jnp.float32),
    )(p2, g2, degp, b2r)

    return outp[:N_NODES, :40]

# --- scband reference (transcript-rebuilt; emitter-appended) ---
"""Pipeline reference for scband-gcn-60859686584882 (READ-ONLY COPY).

The authoritative reference and input builder live on the scoring server;
editing this copy changes nothing except your own understanding.
"""

import jax, jax.numpy as jnp
import numpy as np

N_NODES = 10000


def gcn_conv(x, edge_index, W, b, num_nodes):
    # PyG GCNConv: linear transform first, then symmetric-normalized propagation
    x = x @ W
    src = edge_index[0]
    dst = edge_index[1]
    # add self loops
    loop = jnp.arange(num_nodes, dtype=edge_index.dtype)
    src = jnp.concatenate([src, loop])
    dst = jnp.concatenate([dst, loop])
    # degree (on destination nodes, including self loops)
    deg = jnp.zeros((num_nodes,), dtype=x.dtype).at[dst].add(1.0)
    deg_inv_sqrt = jnp.where(deg > 0, 1.0 / jnp.sqrt(deg), 0.0)
    norm = deg_inv_sqrt[src] * deg_inv_sqrt[dst]
    # gather messages, scale, scatter-add by dst
    msgs = x[src] * norm[:, None]
    out = jax.ops.segment_sum(msgs, dst, num_segments=num_nodes)
    return out + b


def setup_inputs(seed: int = 0) -> dict:
    key = jax.random.key(seed)
    k1, k2, k3, k4, k5, k6 = jax.random.split(key, 6)
    x = jax.random.normal(k1, (N_NODES, 128), dtype=jnp.float32)
    edge_index = jax.random.randint(k2, (2, 320000), 0, N_NODES, dtype=jnp.int64)
    # conv1: 128 -> 128, conv2: 128 -> 40
    W1 = jax.random.normal(k3, (128, 128), dtype=jnp.float32) * (1.0 / np.sqrt(128))
    b1 = jnp.zeros((128,), dtype=jnp.float32)
    W2 = jax.random.normal(k4, (128, 40), dtype=jnp.float32) * (1.0 / np.sqrt(128))
    b2 = jnp.zeros((40,), dtype=jnp.float32)
    return {"x": x, "edge_index": edge_index, "W1": W1, "b1": b1, "W2": W2, "b2": b2}


def reference(x, edge_index, W1, b1, W2, b2):
    # dropout layers are identity in eval mode (training=False)
    h = gcn_conv(x, edge_index, W1, b1, N_NODES)
    h = jax.nn.relu(h)
    out = gcn_conv(h, edge_index, W2, b2, N_NODES)
    return out

if __name__ == "__main__":
    import jax
    _d = setup_inputs()
    print(jax.jit(kernel)(*tuple(_d.values())))

</pallas_src>

<mosaic_0001>
#map = affine_map<(d0, d1) -> (0, 0, 0)>
module attributes {stable_mosaic.version = 14 : i64} {
  func.func @_degree(%arg0: i32, %arg1: i32, %arg2: memref<32x80x128xi32, #tpu.memory_space<hbm>>, %arg3: memref<2x10240x16xf32, #tpu.memory_space<hbm>>, %arg4: memref<80x128xi32, #tpu.memory_space<vmem>>, %arg5: memref<128x16xf32, #tpu.memory_space<vmem>>, %arg6: memref<128x16xf32, #tpu.memory_space<vmem>>, %arg7: memref<10240x16xf32, #tpu.memory_space<vmem_shared>>) attributes {dimension_semantics = [#tpu.dimension_semantics<core_parallel>, #tpu.dimension_semantics<subcore_parallel>], iteration_bounds = array<i64: 2, 16>, scalar_prefetch = 0 : i64, scratch_operands = 4 : i64, tpu.core_type = #tpu.core_type<sc_vector_subcore>, window_params = [{transform_indices = #map}, {transform_indices = #map}]} {
    %mul3A = arith.constant 2 : i32
    %mul3A_0 = arith.muli %arg1, %mul3A : i32
    %add3A = arith.addi %mul3A_0, %arg0 : i32
    %scan3A = arith.constant 0 : i32
    %scan3A_1 = arith.constant 128 : i32
    %scan3A_2 = arith.addi %scan3A, %scan3A_1 : i32
    %scan3A_3 = arith.constant 1 : i32
    scf.for %scan3A_25 = %scan3A to %scan3A_2 step %scan3A_3  : i32 {
      %mul3A_26 = arith.constant 1 : i32
      %mul3A_27 = arith.muli %scan3A_25, %mul3A_26 : i32
      %add3A_28 = arith.constant 0 : i32
      %add3A_29 = arith.addi %add3A_28, %mul3A_27 : i32
      %broadcast_in_dim3A = arith.constant 0.000000e+00 : f32
      %broadcast_in_dim3A_30 = vector.broadcast %broadcast_in_dim3A : f32 to vector<16xf32>
      %swap3A = arith.index_cast %add3A_29 : i32 to index
      %swap3A_31 = arith.constant 0 : index
      %swap3A_32 = tpu.vector_load %arg6[%swap3A, %swap3A_31] {strides = array<i32>} : memref<128x16xf32, #tpu.memory_space<vmem>>, vector<1x16xf32>,
      %swap3A_33 = vector.shape_cast %swap3A_32 : vector<1x16xf32> to vector<16xf32>
      %swap3A_34 = vector.shape_cast %broadcast_in_dim3A_30 : vector<16xf32> to vector<1x16xf32>
      tpu.vector_store %arg6[%swap3A, %swap3A_31], %swap3A_34 {strides = array<i32>} : memref<128x16xf32, #tpu.memory_space<vmem>>, vector<1x16xf32>,
    }
    %scan3A_4 = arith.constant 128 : i32
    %scan3A_5 = arith.constant 0 : i32
    %scan3A_6 = arith.constant 128 : i32
    %scan3A_7 = arith.addi %scan3A_5, %scan3A_6 : i32
    %scan3A_8 = arith.constant 1 : i32
    scf.for %scan3A_25 = %scan3A_5 to %scan3A_7 step %scan3A_8  : i32 {
      %mul3A_26 = arith.constant 1 : i32
      %mul3A_27 = arith.muli %scan3A_25, %mul3A_26 : i32
      %add3A_28 = arith.constant 0 : i32
      %add3A_29 = arith.addi %add3A_28, %mul3A_27 : i32
      %broadcast_in_dim3A = arith.constant 6.250000e-02 : f32
      %broadcast_in_dim3A_30 = vector.broadcast %broadcast_in_dim3A : f32 to vector<16xf32>
      %swap3A = arith.index_cast %add3A_29 : i32 to index
      %swap3A_31 = arith.constant 0 : index
      %swap3A_32 = tpu.vector_load %arg5[%swap3A, %swap3A_31] {strides = array<i32>} : memref<128x16xf32, #tpu.memory_space<vmem>>, vector<1x16xf32>,
      %swap3A_33 = vector.shape_cast %swap3A_32 : vector<1x16xf32> to vector<16xf32>
      %swap3A_34 = vector.shape_cast %broadcast_in_dim3A_30 : vector<16xf32> to vector<1x16xf32>
      tpu.vector_store %arg5[%swap3A, %swap3A_31], %swap3A_34 {strides = array<i32>} : memref<128x16xf32, #tpu.memory_space<vmem>>, vector<1x16xf32>,
    }
    %scan3A_9 = arith.constant 128 : i32
    %scan3A_10 = arith.constant 0 : i32
    %scan3A_11 = arith.constant 5 : i32
    %scan3A_12 = arith.addi %scan3A_10, %scan3A_11 : i32
    %scan3A_13 = arith.constant 1 : i32
    scf.for %scan3A_25 = %scan3A_10 to %scan3A_12 step %scan3A_13  : i32 {
      %mul3A_26 = arith.constant 128 : i32
      %mul3A_27 = arith.muli %scan3A_25, %mul3A_26 : i32
      %add3A_28 = arith.constant 0 : i32
      %add3A_29 = arith.addi %add3A_28, %mul3A_27 : i32
      %mul3A_30 = arith.constant 640 : i32
      %mul3A_31 = arith.muli %arg1, %mul3A_30 : i32
      %add3A_32 = arith.addi %mul3A_31, %add3A_29 : i32
      "tpu.region"() ({
        %run_scoped3A = tpu.sem_alloc : memref<!tpu.dma_semaphore, #tpu.memory_space<semaphore_mem>>
        %dma_start3A = arith.constant 0 : i32
        %dma_start3A_33 = tpu.memref_slice %arg7[%add3A_32, %dma_start3A] : memref<10240x16xf32, #tpu.memory_space<vmem_shared>> -> memref<128x16xf32, #tpu.memory_space<vmem_shared>>
        %dma_start3A_34 = arith.constant 0 : i32
        %dma_start3A_35 = tpu.memref_slice %arg7[%add3A_32, %dma_start3A_34] : memref<10240x16xf32, #tpu.memory_space<vmem_shared>> -> memref<128x16xf32, #tpu.memory_space<vmem_shared>>
        tpu.enqueue_dma source(%arg6 : memref<128x16xf32, #tpu.memory_space<vmem>>) target(%dma_start3A_35 : memref<128x16xf32, #tpu.memory_space<vmem_shared>>) target_semaphore(%run_scoped3A : memref<!tpu.dma_semaphore, #tpu.memory_space<semaphore_mem>>)
        %dma_wait3A = arith.constant 0 : i32
        %dma_wait3A_36 = tpu.memref_slice %arg7[%add3A_32, %dma_wait3A] : memref<10240x16xf32, #tpu.memory_space<vmem_shared>> -> memref<128x16xf32, #tpu.memory_space<vmem_shared>>
        %dma_wait3A_37 = arith.constant 0 : i32
        %dma_wait3A_38 = tpu.memref_slice %arg7[%add3A_32, %dma_wait3A_37] : memref<10240x16xf32, #tpu.memory_space<vmem_shared>> -> memref<128x16xf32, #tpu.memory_space<vmem_shared>>
        tpu.wait_dma2 semaphore(%run_scoped3A : memref<!tpu.dma_semaphore, #tpu.memory_space<semaphore_mem>>) src(%arg6 : memref<128x16xf32, #tpu.memory_space<vmem>>) dst(%dma_wait3A_38 : memref<128x16xf32, #tpu.memory_space<vmem_shared>>)
        tpu.yield
      }) : () -> ()
    }
    %scan3A_14 = arith.constant 5 : i32
    "tpu.region"() ({
      %run_scoped3A = tpu.sem_alloc : memref<!tpu.dma_semaphore, #tpu.memory_space<semaphore_mem>>
      %dma_start3A = arith.constant 0 : i32
      %dma_start3A_25 = arith.constant 0 : i32
      %dma_start3A_26 = tpu.memref_slice %arg2[%add3A, %dma_start3A, %dma_start3A_25] : memref<32x80x128xi32, #tpu.memory_space<hbm>> -> memref<1x80x128xi32, #tpu.memory_space<hbm>>
      %dma_start3A_27 = tpu.memref_squeeze %dma_start3A_26 : memref<1x80x128xi32, #tpu.memory_space<hbm>> -> memref<80x128xi32, #tpu.memory_space<hbm>>
      %dma_start3A_28 = arith.constant 0 : i32
      %dma_start3A_29 = arith.constant 0 : i32
      %dma_start3A_30 = tpu.memref_slice %arg2[%add3A, %dma_start3A_28, %dma_start3A_29] : memref<32x80x128xi32, #tpu.memory_space<hbm>> -> memref<1x80x128xi32, #tpu.memory_space<hbm>>
      %dma_start3A_31 = tpu.memref_squeeze %dma_start3A_30 : memref<1x80x128xi32, #tpu.memory_space<hbm>> -> memref<80x128xi32, #tpu.memory_space<hbm>>
      tpu.enqueue_dma source(%dma_start3A_31 : memref<80x128xi32, #tpu.memory_space<hbm>>) target(%arg4 : memref<80x128xi32, #tpu.memory_space<vmem>>) target_semaphore(%run_scoped3A : memref<!tpu.dma_semaphore, #tpu.memory_space<semaphore_mem>>)
      %dma_wait3A = arith.constant 0 : i32
      %dma_wait3A_32 = arith.constant 0 : i32
      %dma_wait3A_33 = tpu.memref_slice %arg2[%add3A, %dma_wait3A, %dma_wait3A_32] : memref<32x80x128xi32, #tpu.memory_space<hbm>> -> memref<1x80x128xi32, #tpu.memory_space<hbm>>
      %dma_wait3A_34 = tpu.memref_squeeze %dma_wait3A_33 : memref<1x80x128xi32, #tpu.memory_space<hbm>> -> memref<80x128xi32, #tpu.memory_space<hbm>>
      %dma_wait3A_35 = arith.constant 0 : i32
      %dma_wait3A_36 = arith.constant 0 : i32
      %dma_wait3A_37 = tpu.memref_slice %arg2[%add3A, %dma_wait3A_35, %dma_wait3A_36] : memref<32x80x128xi32, #tpu.memory_space<hbm>> -> memref<1x80x128xi32, #tpu.memory_space<hbm>>
      %dma_wait3A_38 = tpu.memref_squeeze %dma_wait3A_37 : memref<1x80x128xi32, #tpu.memory_space<hbm>> -> memref<80x128xi32, #tpu.memory_space<hbm>>
      tpu.wait_dma2 semaphore(%run_scoped3A : memref<!tpu.dma_semaphore, #tpu.memory_space<semaphore_mem>>) src(%dma_wait3A_38 : memref<80x128xi32, #tpu.memory_space<hbm>>) dst(%arg4 : memref<80x128xi32, #tpu.memory_space<vmem>>)
      tpu.yield
    }) : () -> ()
    %barrier3A = arith.constant 0 : index
    tpu.barrier barrier_id(%barrier3A)
    %scan3A_15 = arith.constant 0 : i32
    %scan3A_16 = arith.constant 80 : i32
    %scan3A_17 = arith.addi %scan3A_15, %scan3A_16 : i32
    %scan3A_18 = arith.constant 1 : i32
    scf.for %scan3A_25 = %scan3A_15 to %scan3A_17 step %scan3A_18  : i32 {
      %mul3A_26 = arith.constant 1 : i32
      %mul3A_27 = arith.muli %scan3A_25, %mul3A_26 : i32
      %add3A_28 = arith.constant 0 : i32
      %add3A_29 = arith.addi %add3A_28, %mul3A_27 : i32
      "tpu.region"() ({
        %run_scoped3A = tpu.sem_alloc : memref<!tpu.dma_semaphore, #tpu.memory_space<semaphore_mem>>
        %dma_start3A = arith.constant 0 : i32
        %dma_start3A_30 = tpu.memref_slice %arg4[%add3A_29, %dma_start3A] : memref<80x128xi32, #tpu.memory_space<vmem>> -> memref<1x128xi32, #tpu.memory_space<vmem>>
        %dma_start3A_31 = tpu.memref_squeeze %dma_start3A_30 : memref<1x128xi32, #tpu.memory_space<vmem>> -> memref<128xi32, #tpu.memory_space<vmem>>
        %dma_start3A_32 = arith.constant 0 : i32
        %dma_start3A_33 = arith.constant 0 : i32
        %dma_start3A_34 = tpu.memref_slice %arg7[%dma_start3A_32, %dma_start3A_33] : memref<10240x16xf32, #tpu.memory_space<vmem_shared>> -> memref<10240x16xf32, #tpu.memory_space<vmem_shared>>
        tpu.enqueue_indirect_dma source(%arg5 : memref<128x16xf32, #tpu.memory_space<vmem>>) target(%dma_start3A_34 : memref<10240x16xf32, #tpu.memory_space<vmem_shared>>) offsets(%dma_start3A_31 : memref<128xi32, #tpu.memory_space<vmem>>) semaphore(%run_scoped3A : memref<!tpu.dma_semaphore, #tpu.memory_space<semaphore_mem>>) {add = true}
        %dma_wait3A = arith.constant 0 : i32
        %dma_wait3A_35 = tpu.memref_slice %arg4[%add3A_29, %dma_wait3A] : memref<80x128xi32, #tpu.memory_space<vmem>> -> memref<1x128xi32, #tpu.memory_space<vmem>>
        %dma_wait3A_36 = tpu.memref_squeeze %dma_wait3A_35 : memref<1x128xi32, #tpu.memory_space<vmem>> -> memref<128xi32, #tpu.memory_space<vmem>>
        %dma_wait3A_37 = arith.constant 0 : i32
        %dma_wait3A_38 = arith.constant 0 : i32
        %dma_wait3A_39 = tpu.memref_slice %arg7[%dma_wait3A_37, %dma_wait3A_38] : memref<10240x16xf32, #tpu.memory_space<vmem_shared>> -> memref<10240x16xf32, #tpu.memory_space<vmem_shared>>
        tpu.wait_indirect_dma semaphore(%run_scoped3A : memref<!tpu.dma_semaphore, #tpu.memory_space<semaphore_mem>>) src(%arg5 : memref<128x16xf32, #tpu.memory_space<vmem>>) dst(%dma_wait3A_39 : memref<10240x16xf32, #tpu.memory_space<vmem_shared>>)
        tpu.yield
      }) : () -> ()
    }
    %scan3A_19 = arith.constant 80 : i32
    %barrier3A_20 = arith.constant 0 : index
    tpu.barrier barrier_id(%barrier3A_20)
    %mul3A_21 = arith.constant 640 : i32
    %mul3A_22 = arith.muli %arg1, %mul3A_21 : i32
    %mul3A_23 = arith.constant 640 : i32
    %mul3A_24 = arith.muli %arg1, %mul3A_23 : i32
    "tpu.region"() ({
      %run_scoped3A = tpu.sem_alloc : memref<!tpu.dma_semaphore, #tpu.memory_space<semaphore_mem>>
      %dma_start3A = arith.constant 0 : i32
      %dma_start3A_25 = tpu.memref_slice %arg3[%arg0, %mul3A_24, %dma_start3A] : memref<2x10240x16xf32, #tpu.memory_space<hbm>> -> memref<1x640x16xf32, #tpu.memory_space<hbm>>
      %dma_start3A_26 = tpu.memref_squeeze %dma_start3A_25 : memref<1x640x16xf32, #tpu.memory_space<hbm>> -> memref<640x16xf32, #tpu.memory_space<hbm>>
      %dma_start3A_27 = arith.constant 0 : i32
      %dma_start3A_28 = tpu.memref_slice %arg7[%mul3A_22, %dma_start3A_27] : memref<10240x16xf32, #tpu.memory_space<vmem_shared>> -> memref<640x16xf32, #tpu.memory_space<vmem_shared>>
      tpu.enqueue_dma source(%dma_start3A_28 : memref<640x16xf32, #tpu.memory_space<vmem_shared>>) target(%dma_start3A_26 : memref<640x16xf32, #tpu.memory_space<hbm>>) target_semaphore(%run_scoped3A : memref<!tpu.dma_semaphore, #tpu.memory_space<semaphore_mem>>)
      %dma_wait3A = arith.constant 0 : i32
      %dma_wait3A_29 = tpu.memref_slice %arg3[%arg0, %mul3A_24, %dma_wait3A] : memref<2x10240x16xf32, #tpu.memory_space<hbm>> -> memref<1x640x16xf32, #tpu.memory_space<hbm>>
      %dma_wait3A_30 = tpu.memref_squeeze %dma_wait3A_29 : memref<1x640x16xf32, #tpu.memory_space<hbm>> -> memref<640x16xf32, #tpu.memory_space<hbm>>
      %dma_wait3A_31 = arith.constant 0 : i32
      %dma_wait3A_32 = tpu.memref_slice %arg7[%mul3A_22, %dma_wait3A_31] : memref<10240x16xf32, #tpu.memory_space<vmem_shared>> -> memref<640x16xf32, #tpu.memory_space<vmem_shared>>
      tpu.wait_dma2 semaphore(%run_scoped3A : memref<!tpu.dma_semaphore, #tpu.memory_space<semaphore_mem>>) src(%dma_wait3A_32 : memref<640x16xf32, #tpu.memory_space<vmem_shared>>) dst(%dma_wait3A_30 : memref<640x16xf32, #tpu.memory_space<hbm>>)
      tpu.yield
    }) : () -> ()
    return
  }
}

#map = affine_map<(d0, d1) -> (0, 0)>
#map1 = affine_map<(d0, d1) -> (0, 0, 0)>
module attributes {stable_mosaic.version = 14 : i64} {
  func.func @prop(%arg0: i32, %arg1: i32, %arg2: memref<10240x48xf32, #tpu.memory_space<hbm>>, %arg3: memref<32x80x128xi32, #tpu.memory_space<hbm>>, %arg4: memref<32x80x128xi32, #tpu.memory_space<hbm>>, %arg5: memref<2x10240x48xf32, #tpu.memory_space<hbm>>, %arg6: memref<80x128xi32, #tpu.memory_space<vmem>>, %arg7: memref<80x128xi32, #tpu.memory_space<vmem>>, %arg8: memref<4x128x48xf32, #tpu.memory_space<vmem>>, %arg9: memref<128x48xf32, #tpu.memory_space<vmem>>, %arg10: memref<10240x48xf32, #tpu.memory_space<vmem_shared>>, %arg11: memref<!tpu.dma_semaphore, #tpu.memory_space<semaphore_mem>>, %arg12: memref<!tpu.dma_semaphore, #tpu.memory_space<semaphore_mem>>, %arg13: memref<!tpu.dma_semaphore, #tpu.memory_space<semaphore_mem>>, %arg14: memref<!tpu.dma_semaphore, #tpu.memory_space<semaphore_mem>>, %arg15: memref<!tpu.dma_semaphore, #tpu.memory_space<semaphore_mem>>, %arg16: memref<!tpu.dma_semaphore, #tpu.memory_space<semaphore_mem>>, %arg17: memref<!tpu.dma_semaphore, #tpu.memory_space<semaphore_mem>>, %arg18: memref<!tpu.dma_semaphore, #tpu.memory_space<semaphore_mem>>) attributes {dimension_semantics = [#tpu.dimension_semantics<core_parallel>, #tpu.dimension_semantics<subcore_parallel>], iteration_bounds = array<i64: 2, 16>, scalar_prefetch = 0 : i64, scratch_operands = 13 : i64, tpu.core_type = #tpu.core_type<sc_vector_subcore>, window_params = [{transform_indices = #map}, {transform_indices = #map1}, {transform_indices = #map1}, {transform_indices = #map1}]} {
    %mul3A = arith.constant 2 : i32
    %mul3A_0 = arith.muli %arg1, %mul3A : i32
    %add3A = arith.addi %mul3A_0, %arg0 : i32
    %scan3A = arith.constant 0 : i32
    %scan3A_1 = arith.constant 128 : i32
    %scan3A_2 = arith.addi %scan3A, %scan3A_1 : i32
    %scan3A_3 = arith.constant 1 : i32
    scf.for %scan3A_90 = %scan3A to %scan3A_2 step %scan3A_3  : i32 {
      %mul3A_91 = arith.constant 1 : i32
      %mul3A_92 = arith.muli %scan3A_90, %mul3A_91 : i32
      %add3A_93 = arith.constant 0 : i32
      %add3A_94 = arith.addi %add3A_93, %mul3A_92 : i32
      %scan3A_95 = arith.constant 0 : i32
      %scan3A_96 = arith.constant 3 : i32
      %scan3A_97 = arith.addi %scan3A_95, %scan3A_96 : i32
      %scan3A_98 = arith.constant 1 : i32
      scf.for %scan3A_100 = %scan3A_95 to %scan3A_97 step %scan3A_98  : i32 {
        %mul3A_101 = arith.constant 16 : i32
        %mul3A_102 = arith.muli %scan3A_100, %mul3A_101 : i32
        %add3A_103 = arith.constant 0 : i32
        %add3A_104 = arith.addi %add3A_103, %mul3A_102 : i32
        %broadcast_in_dim3A = arith.constant 0.000000e+00 : f32
        %broadcast_in_dim3A_105 = vector.broadcast %broadcast_in_dim3A : f32 to vector<16xf32>
        %swap3A = arith.index_cast %add3A_94 : i32 to index
        %swap3A_106 = arith.index_cast %add3A_104 : i32 to index
        %swap3A_107 = tpu.vector_load %arg9[%swap3A, %swap3A_106] {strides = array<i32>} : memref<128x48xf32, #tpu.memory_space<vmem>>, vector<1x16xf32>,
        %swap3A_108 = vector.shape_cast %swap3A_107 : vector<1x16xf32> to vector<16xf32>
        %swap3A_109 = vector.shape_cast %broadcast_in_dim3A_105 : vector<16xf32> to vector<1x16xf32>
        tpu.vector_store %arg9[%swap3A, %swap3A_106], %swap3A_109 {strides = array<i32>} : memref<128x48xf32, #tpu.memory_space<vmem>>, vector<1x16xf32>,
      }
      %scan3A_99 = arith.constant 3 : i32
    }
    %scan3A_4 = arith.constant 128 : i32
    "tpu.region"() ({
      %run_scoped3A = tpu.sem_alloc : memref<!tpu.dma_semaphore, #tpu.memory_space<semaphore_mem>>
      %dma_start3A_90 = arith.constant 0 : i32
      %dma_start3A_91 = arith.constant 0 : i32
      %dma_start3A_92 = tpu.memref_slice %arg3[%add3A, %dma_start3A_90, %dma_start3A_91] : memref<32x80x128xi32, #tpu.memory_space<hbm>> -> memref<1x80x128xi32, #tpu.memory_space<hbm>>
      %dma_start3A_93 = tpu.memref_squeeze %dma_start3A_92 : memref<1x80x128xi32, #tpu.memory_space<hbm>> -> memref<80x128xi32, #tpu.memory_space<hbm>>
      %dma_start3A_94 = arith.constant 0 : i32
      %dma_start3A_95 = arith.constant 0 : i32
      %dma_start3A_96 = tpu.memref_slice %arg3[%add3A, %dma_start3A_94, %dma_start3A_95] : memref<32x80x128xi32, #tpu.memory_space<hbm>> -> memref<1x80x128xi32, #tpu.memory_space<hbm>>
      %dma_start3A_97 = tpu.memref_squeeze %dma_start3A_96 : memref<1x80x128xi32, #tpu.memory_space<hbm>> -> memref<80x128xi32, #tpu.memory_space<hbm>>
      tpu.enqueue_dma source(%dma_start3A_97 : memref<80x128xi32, #tpu.memory_space<hbm>>) target(%arg6 : memref<80x128xi32, #tpu.memory_space<vmem>>) target_semaphore(%run_scoped3A : memref<!tpu.dma_semaphore, #tpu.memory_space<semaphore_mem>>)
      %dma_wait3A_98 = arith.constant 0 : i32
      %dma_wait3A_99 = arith.constant 0 : i32
      %dma_wait3A_100 = tpu.memref_slice %arg3[%add3A, %dma_wait3A_98, %dma_wait3A_99] : memref<32x80x128xi32, #tpu.memory_space<hbm>> -> memref<1x80x128xi32, #tpu.memory_space<hbm>>
      %dma_wait3A_101 = tpu.memref_squeeze %dma_wait3A_100 : memref<1x80x128xi32, #tpu.memory_space<hbm>> -> memref<80x128xi32, #tpu.memory_space<hbm>>
      %dma_wait3A_102 = arith.constant 0 : i32
      %dma_wait3A_103 = arith.constant 0 : i32
      %dma_wait3A_104 = tpu.memref_slice %arg3[%add3A, %dma_wait3A_102, %dma_wait3A_103] : memref<32x80x128xi32, #tpu.memory_space<hbm>> -> memref<1x80x128xi32, #tpu.memory_space<hbm>>
      %dma_wait3A_105 = tpu.memref_squeeze %dma_wait3A_104 : memref<1x80x128xi32, #tpu.memory_space<hbm>> -> memref<80x128xi32, #tpu.memory_space<hbm>>
      tpu.wait_dma2 semaphore(%run_scoped3A : memref<!tpu.dma_semaphore, #tpu.memory_space<semaphore_mem>>) src(%dma_wait3A_105 : memref<80x128xi32, #tpu.memory_space<hbm>>) dst(%arg6 : memref<80x128xi32, #tpu.memory_space<vmem>>)
      tpu.yield
    }) : () -> ()
    "tpu.region"() ({
      %run_scoped3A = tpu.sem_alloc : memref<!tpu.dma_semaphore, #tpu.memory_space<semaphore_mem>>
      %dma_start3A_90 = arith.constant 0 : i32
      %dma_start3A_91 = arith.constant 0 : i32
      %dma_start3A_92 = tpu.memref_slice %arg4[%add3A, %dma_start3A_90, %dma_start3A_91] : memref<32x80x128xi32, #tpu.memory_space<hbm>> -> memref<1x80x128xi32, #tpu.memory_space<hbm>>
      %dma_start3A_93 = tpu.memref_squeeze %dma_start3A_92 : memref<1x80x128xi32, #tpu.memory_space<hbm>> -> memref<80x128xi32, #tpu.memory_space<hbm>>
      %dma_start3A_94 = arith.constant 0 : i32
      %dma_start3A_95 = arith.constant 0 : i32
      %dma_start3A_96 = tpu.memref_slice %arg4[%add3A, %dma_start3A_94, %dma_start3A_95] : memref<32x80x128xi32, #tpu.memory_space<hbm>> -> memref<1x80x128xi32, #tpu.memory_space<hbm>>
      %dma_start3A_97 = tpu.memref_squeeze %dma_start3A_96 : memref<1x80x128xi32, #tpu.memory_space<hbm>> -> memref<80x128xi32, #tpu.memory_space<hbm>>
      tpu.enqueue_dma source(%dma_start3A_97 : memref<80x128xi32, #tpu.memory_space<hbm>>) target(%arg7 : memref<80x128xi32, #tpu.memory_space<vmem>>) target_semaphore(%run_scoped3A : memref<!tpu.dma_semaphore, #tpu.memory_space<semaphore_mem>>)
      %dma_wait3A_98 = arith.constant 0 : i32
      %dma_wait3A_99 = arith.constant 0 : i32
      %dma_wait3A_100 = tpu.memref_slice %arg4[%add3A, %dma_wait3A_98, %dma_wait3A_99] : memref<32x80x128xi32, #tpu.memory_space<hbm>> -> memref<1x80x128xi32, #tpu.memory_space<hbm>>
      %dma_wait3A_101 = tpu.memref_squeeze %dma_wait3A_100 : memref<1x80x128xi32, #tpu.memory_space<hbm>> -> memref<80x128xi32, #tpu.memory_space<hbm>>
      %dma_wait3A_102 = arith.constant 0 : i32
      %dma_wait3A_103 = arith.constant 0 : i32
      %dma_wait3A_104 = tpu.memref_slice %arg4[%add3A, %dma_wait3A_102, %dma_wait3A_103] : memref<32x80x128xi32, #tpu.memory_space<hbm>> -> memref<1x80x128xi32, #tpu.memory_space<hbm>>
      %dma_wait3A_105 = tpu.memref_squeeze %dma_wait3A_104 : memref<1x80x128xi32, #tpu.memory_space<hbm>> -> memref<80x128xi32, #tpu.memory_space<hbm>>
      tpu.wait_dma2 semaphore(%run_scoped3A : memref<!tpu.dma_semaphore, #tpu.memory_space<semaphore_mem>>) src(%dma_wait3A_105 : memref<80x128xi32, #tpu.memory_space<hbm>>) dst(%arg7 : memref<80x128xi32, #tpu.memory_space<vmem>>)
      tpu.yield
    }) : () -> ()
    %scan3A_5 = arith.constant 0 : i32
    %scan3A_6 = arith.constant 5 : i32
    %scan3A_7 = arith.addi %scan3A_5, %scan3A_6 : i32
    %scan3A_8 = arith.constant 1 : i32
    scf.for %scan3A_90 = %scan3A_5 to %scan3A_7 step %scan3A_8  : i32 {
      %mul3A_91 = arith.constant 128 : i32
      %mul3A_92 = arith.muli %scan3A_90, %mul3A_91 : i32
      %add3A_93 = arith.constant 0 : i32
      %add3A_94 = arith.addi %add3A_93, %mul3A_92 : i32
      %mul3A_95 = arith.constant 640 : i32
      %mul3A_96 = arith.muli %arg1, %mul3A_95 : i32
      %add3A_97 = arith.addi %mul3A_96, %add3A_94 : i32
      "tpu.region"() ({
        %run_scoped3A = tpu.sem_alloc : memref<!tpu.dma_semaphore, #tpu.memory_space<semaphore_mem>>
        %dma_start3A_98 = arith.constant 0 : i32
        %dma_start3A_99 = tpu.memref_slice %arg10[%add3A_97, %dma_start3A_98] : memref<10240x48xf32, #tpu.memory_space<vmem_shared>> -> memref<128x48xf32, #tpu.memory_space<vmem_shared>>
        %dma_start3A_100 = arith.constant 0 : i32
        %dma_start3A_101 = tpu.memref_slice %arg10[%add3A_97, %dma_start3A_100] : memref<10240x48xf32, #tpu.memory_space<vmem_shared>> -> memref<128x48xf32, #tpu.memory_space<vmem_shared>>
        tpu.enqueue_dma source(%arg9 : memref<128x48xf32, #tpu.memory_space<vmem>>) target(%dma_start3A_101 : memref<128x48xf32, #tpu.memory_space<vmem_shared>>) target_semaphore(%run_scoped3A : memref<!tpu.dma_semaphore, #tpu.memory_space<semaphore_mem>>)
        %dma_wait3A_102 = arith.constant 0 : i32
        %dma_wait3A_103 = tpu.memref_slice %arg10[%add3A_97, %dma_wait3A_102] : memref<10240x48xf32, #tpu.memory_space<vmem_shared>> -> memref<128x48xf32, #tpu.memory_space<vmem_shared>>
        %dma_wait3A_104 = arith.constant 0 : i32
        %dma_wait3A_105 = tpu.memref_slice %arg10[%add3A_97, %dma_wait3A_104] : memref<10240x48xf32, #tpu.memory_space<vmem_shared>> -> memref<128x48xf32, #tpu.memory_space<vmem_shared>>
        tpu.wait_dma2 semaphore(%run_scoped3A : memref<!tpu.dma_semaphore, #tpu.memory_space<semaphore_mem>>) src(%arg9 : memref<128x48xf32, #tpu.memory_space<vmem>>) dst(%dma_wait3A_105 : memref<128x48xf32, #tpu.memory_space<vmem_shared>>)
        tpu.yield
      }) : () -> ()
    }
    %scan3A_9 = arith.constant 5 : i32
    %barrier3A = arith.constant 0 : index
    tpu.barrier barrier_id(%barrier3A)
    %dma_start3A = arith.constant 0 : i32
    %dma_start3A_10 = arith.constant 0 : i32
    %dma_start3A_11 = arith.constant 0 : i32
    %dma_start3A_12 = arith.constant 0 : i32
    %dma_start3A_13 = tpu.memref_slice %arg8[%dma_start3A_10, %dma_start3A_11, %dma_start3A_12] : memref<4x128x48xf32, #tpu.memory_space<vmem>> -> memref<1x128x48xf32, #tpu.memory_space<vmem>>
    %dma_start3A_14 = tpu.memref_squeeze %dma_start3A_13 : memref<1x128x48xf32, #tpu.memory_space<vmem>> -> memref<128x48xf32, #tpu.memory_space<vmem>>
    %dma_start3A_15 = arith.constant 0 : i32
    %dma_start3A_16 = tpu.memref_slice %arg6[%dma_start3A, %dma_start3A_15] : memref<80x128xi32, #tpu.memory_space<vmem>> -> memref<1x128xi32, #tpu.memory_space<vmem>>
    %dma_start3A_17 = tpu.memref_squeeze %dma_start3A_16 : memref<1x128xi32, #tpu.memory_space<vmem>> -> memref<128xi32, #tpu.memory_space<vmem>>
    %dma_start3A_18 = arith.constant 0 : i32
    %dma_start3A_19 = arith.constant 0 : i32
    %dma_start3A_20 = tpu.memref_slice %arg2[%dma_start3A_18, %dma_start3A_19] : memref<10240x48xf32, #tpu.memory_space<hbm>> -> memref<10240x48xf32, #tpu.memory_space<hbm>>
    tpu.enqueue_indirect_dma source(%dma_start3A_20 : memref<10240x48xf32, #tpu.memory_space<hbm>>) target(%dma_start3A_14 : memref<128x48xf32, #tpu.memory_space<vmem>>) offsets(%dma_start3A_17 : memref<128xi32, #tpu.memory_space<vmem>>) semaphore(%arg11 : memref<!tpu.dma_semaphore, #tpu.memory_space<semaphore_mem>>)
    %dma_start3A_21 = arith.constant 1 : i32
    %dma_start3A_22 = arith.constant 1 : i32
    %dma_start3A_23 = arith.constant 0 : i32
    %dma_start3A_24 = arith.constant 0 : i32
    %dma_start3A_25 = tpu.memref_slice %arg8[%dma_start3A_22, %dma_start3A_23, %dma_start3A_24] : memref<4x128x48xf32, #tpu.memory_space<vmem>> -> memref<1x128x48xf32, #tpu.memory_space<vmem>>
    %dma_start3A_26 = tpu.memref_squeeze %dma_start3A_25 : memref<1x128x48xf32, #tpu.memory_space<vmem>> -> memref<128x48xf32, #tpu.memory_space<vmem>>
    %dma_start3A_27 = arith.constant 0 : i32
    %dma_start3A_28 = tpu.memref_slice %arg6[%dma_start3A_21, %dma_start3A_27] : memref<80x128xi32, #tpu.memory_space<vmem>> -> memref<1x128xi32, #tpu.memory_space<vmem>>
    %dma_start3A_29 = tpu.memref_squeeze %dma_start3A_28 : memref<1x128xi32, #tpu.memory_space<vmem>> -> memref<128xi32, #tpu.memory_space<vmem>>
    %dma_start3A_30 = arith.constant 0 : i32
    %dma_start3A_31 = arith.constant 0 : i32
    %dma_start3A_32 = tpu.memref_slice %arg2[%dma_start3A_30, %dma_start3A_31] : memref<10240x48xf32, #tpu.memory_space<hbm>> -> memref<10240x48xf32, #tpu.memory_space<hbm>>
    tpu.enqueue_indirect_dma source(%dma_start3A_32 : memref<10240x48xf32, #tpu.memory_space<hbm>>) target(%dma_start3A_26 : memref<128x48xf32, #tpu.memory_space<vmem>>) offsets(%dma_start3A_29 : memref<128xi32, #tpu.memory_space<vmem>>) semaphore(%arg12 : memref<!tpu.dma_semaphore, #tpu.memory_space<semaphore_mem>>)
    %scan3A_33 = arith.constant 0 : i32
    %scan3A_34 = arith.constant 20 : i32
    %scan3A_35 = arith.addi %scan3A_33, %scan3A_34 : i32
    %scan3A_36 = arith.constant 1 : i32
    scf.for %scan3A_90 = %scan3A_33 to %scan3A_35 step %scan3A_36  : i32 {
      %mul3A_91 = arith.constant 4 : i32
      %mul3A_92 = arith.muli %scan3A_90, %mul3A_91 : i32
      %add3A_93 = arith.constant 0 : i32
      %add3A_94 = arith.addi %add3A_93, %mul3A_92 : i32
      %add3A_95 = arith.constant 0 : i32
      %add3A_96 = arith.addi %add3A_94, %add3A_95 : i32
      %dma_wait3A_97 = arith.constant 0 : i32
      %dma_wait3A_98 = arith.constant 0 : i32
      %dma_wait3A_99 = arith.constant 0 : i32
      %dma_wait3A_100 = tpu.memref_slice %arg8[%dma_wait3A_97, %dma_wait3A_98, %dma_wait3A_99] : memref<4x128x48xf32, #tpu.memory_space<vmem>> -> memref<1x128x48xf32, #tpu.memory_space<vmem>>
      %dma_wait3A_101 = tpu.memref_squeeze %dma_wait3A_100 : memref<1x128x48xf32, #tpu.memory_space<vmem>> -> memref<128x48xf32, #tpu.memory_space<vmem>>
      %dma_wait3A_102 = arith.constant 0 : i32
      %dma_wait3A_103 = tpu.memref_slice %arg6[%add3A_96, %dma_wait3A_102] : memref<80x128xi32, #tpu.memory_space<vmem>> -> memref<1x128xi32, #tpu.memory_space<vmem>>
      %dma_wait3A_104 = tpu.memref_squeeze %dma_wait3A_103 : memref<1x128xi32, #tpu.memory_space<vmem>> -> memref<128xi32, #tpu.memory_space<vmem>>
      %dma_wait3A_105 = arith.constant 0 : i32
      %dma_wait3A_106 = arith.constant 0 : i32
      %dma_wait3A_107 = tpu.memref_slice %arg2[%dma_wait3A_105, %dma_wait3A_106] : memref<10240x48xf32, #tpu.memory_space<hbm>> -> memref<10240x48xf32, #tpu.memory_space<hbm>>
      tpu.wait_indirect_dma semaphore(%arg11 : memref<!tpu.dma_semaphore, #tpu.memory_space<semaphore_mem>>) src(%dma_wait3A_107 : memref<10240x48xf32, #tpu.memory_space<hbm>>) dst(%dma_wait3A_101 : memref<128x48xf32, #tpu.memory_space<vmem>>)
      %dma_start3A_108 = arith.constant 0 : i32
      %dma_start3A_109 = arith.constant 0 : i32
      %dma_start3A_110 = arith.constant 0 : i32
      %dma_start3A_111 = tpu.memref_slice %arg8[%dma_start3A_108, %dma_start3A_109, %dma_start3A_110] : memref<4x128x48xf32, #tpu.memory_space<vmem>> -> memref<1x128x48xf32, #tpu.memory_space<vmem>>
      %dma_start3A_112 = tpu.memref_squeeze %dma_start3A_111 : memref<1x128x48xf32, #tpu.memory_space<vmem>> -> memref<128x48xf32, #tpu.memory_space<vmem>>
      %dma_start3A_113 = arith.constant 0 : i32
      %dma_start3A_114 = tpu.memref_slice %arg7[%add3A_96, %dma_start3A_113] : memref<80x128xi32, #tpu.memory_space<vmem>> -> memref<1x128xi32, #tpu.memory_space<vmem>>
      %dma_start3A_115 = tpu.memref_squeeze %dma_start3A_114 : memref<1x128xi32, #tpu.memory_space<vmem>> -> memref<128xi32, #tpu.memory_space<vmem>>
      %dma_start3A_116 = arith.constant 0 : i32
      %dma_start3A_117 = arith.constant 0 : i32
      %dma_start3A_118 = tpu.memref_slice %arg10[%dma_start3A_116, %dma_start3A_117] : memref<10240x48xf32, #tpu.memory_space<vmem_shared>> -> memref<10240x48xf32, #tpu.memory_space<vmem_shared>>
      tpu.enqueue_indirect_dma source(%dma_start3A_112 : memref<128x48xf32, #tpu.memory_space<vmem>>) target(%dma_start3A_118 : memref<10240x48xf32, #tpu.memory_space<vmem_shared>>) offsets(%dma_start3A_115 : memref<128xi32, #tpu.memory_space<vmem>>) semaphore(%arg15 : memref<!tpu.dma_semaphore, #tpu.memory_space<semaphore_mem>>) {add = true}
      %add3A_119 = arith.constant 2 : i32
      %add3A_120 = arith.addi %add3A_96, %add3A_119 : i32
      %lt3A = arith.constant 80 : i32
      %lt3A_121 = arith.cmpi slt, %add3A_120, %lt3A : i32
      %convert_element_type3A = arith.extui %lt3A_121 : i1 to i32
      %cond3A = arith.constant 0 : i32
      %cond3A_122 = arith.cmpi ne, %convert_element_type3A, %cond3A : i32
      scf.if %cond3A_122 {
        %ge3A = arith.constant 2 : i32
        %ge3A_216 = arith.cmpi sge, %add3A_96, %ge3A : i32
        %convert_element_type3A_217 = arith.extui %ge3A_216 : i1 to i32
        %cond3A_218 = arith.constant 0 : i32
        %cond3A_219 = arith.cmpi ne, %convert_element_type3A_217, %cond3A_218 : i32
        scf.if %cond3A_219 {
          %sub3A = arith.constant 2 : i32
          %sub3A_233 = arith.subi %add3A_96, %sub3A : i32
          %dma_wait3A_234 = arith.constant 2 : i32
          %dma_wait3A_235 = arith.constant 0 : i32
          %dma_wait3A_236 = arith.constant 0 : i32
          %dma_wait3A_237 = tpu.memref_slice %arg8[%dma_wait3A_234, %dma_wait3A_235, %dma_wait3A_236] : memref<4x128x48xf32, #tpu.memory_space<vmem>> -> memref<1x128x48xf32, #tpu.memory_space<vmem>>
          %dma_wait3A_238 = tpu.memref_squeeze %dma_wait3A_237 : memref<1x128x48xf32, #tpu.memory_space<vmem>> -> memref<128x48xf32, #tpu.memory_space<vmem>>
          %dma_wait3A_239 = arith.constant 0 : i32
          %dma_wait3A_240 = tpu.memref_slice %arg7[%sub3A_233, %dma_wait3A_239] : memref<80x128xi32, #tpu.memory_space<vmem>> -> memref<1x128xi32, #tpu.memory_space<vmem>>
          %dma_wait3A_241 = tpu.memref_squeeze %dma_wait3A_240 : memref<1x128xi32, #tpu.memory_space<vmem>> -> memref<128xi32, #tpu.memory_space<vmem>>
          %dma_wait3A_242 = arith.constant 0 : i32
          %dma_wait3A_243 = arith.constant 0 : i32
          %dma_wait3A_244 = tpu.memref_slice %arg10[%dma_wait3A_242, %dma_wait3A_243] : memref<10240x48xf32, #tpu.memory_space<vmem_shared>> -> memref<10240x48xf32, #tpu.memory_space<vmem_shared>>
          tpu.wait_indirect_dma semaphore(%arg17 : memref<!tpu.dma_semaphore, #tpu.memory_space<semaphore_mem>>) src(%dma_wait3A_238 : memref<128x48xf32, #tpu.memory_space<vmem>>) dst(%dma_wait3A_244 : memref<10240x48xf32, #tpu.memory_space<vmem_shared>>)
        } else {
        }
        %add3A_220 = arith.constant 2 : i32
        %add3A_221 = arith.addi %add3A_96, %add3A_220 : i32
        %dma_start3A_222 = arith.constant 2 : i32
        %dma_start3A_223 = arith.constant 0 : i32
        %dma_start3A_224 = arith.constant 0 : i32
        %dma_start3A_225 = tpu.memref_slice %arg8[%dma_start3A_222, %dma_start3A_223, %dma_start3A_224] : memref<4x128x48xf32, #tpu.memory_space<vmem>> -> memref<1x128x48xf32, #tpu.memory_space<vmem>>
        %dma_start3A_226 = tpu.memref_squeeze %dma_start3A_225 : memref<1x128x48xf32, #tpu.memory_space<vmem>> -> memref<128x48xf32, #tpu.memory_space<vmem>>
        %dma_start3A_227 = arith.constant 0 : i32
        %dma_start3A_228 = tpu.memref_slice %arg6[%add3A_221, %dma_start3A_227] : memref<80x128xi32, #tpu.memory_space<vmem>> -> memref<1x128xi32, #tpu.memory_space<vmem>>
        %dma_start3A_229 = tpu.memref_squeeze %dma_start3A_228 : memref<1x128xi32, #tpu.memory_space<vmem>> -> memref<128xi32, #tpu.memory_space<vmem>>
        %dma_start3A_230 = arith.constant 0 : i32
        %dma_start3A_231 = arith.constant 0 : i32
        %dma_start3A_232 = tpu.memref_slice %arg2[%dma_start3A_230, %dma_start3A_231] : memref<10240x48xf32, #tpu.memory_space<hbm>> -> memref<10240x48xf32, #tpu.memory_space<hbm>>
        tpu.enqueue_indirect_dma source(%dma_start3A_232 : memref<10240x48xf32, #tpu.memory_space<hbm>>) target(%dma_start3A_226 : memref<128x48xf32, #tpu.memory_space<vmem>>) offsets(%dma_start3A_229 : memref<128xi32, #tpu.memory_space<vmem>>) semaphore(%arg13 : memref<!tpu.dma_semaphore, #tpu.memory_space<semaphore_mem>>)
      } else {
      }
      %add3A_123 = arith.constant 1 : i32
      %add3A_124 = arith.addi %add3A_94, %add3A_123 : i32
      %dma_wait3A_125 = arith.constant 1 : i32
      %dma_wait3A_126 = arith.constant 0 : i32
      %dma_wait3A_127 = arith.constant 0 : i32
      %dma_wait3A_128 = tpu.memref_slice %arg8[%dma_wait3A_125, %dma_wait3A_126, %dma_wait3A_127] : memref<4x128x48xf32, #tpu.memory_space<vmem>> -> memref<1x128x48xf32, #tpu.memory_space<vmem>>
      %dma_wait3A_129 = tpu.memref_squeeze %dma_wait3A_128 : memref<1x128x48xf32, #tpu.memory_space<vmem>> -> memref<128x48xf32, #tpu.memory_space<vmem>>
      %dma_wait3A_130 = arith.constant 0 : i32
      %dma_wait3A_131 = tpu.memref_slice %arg6[%add3A_124, %dma_wait3A_130] : memref<80x128xi32, #tpu.memory_space<vmem>> -> memref<1x128xi32, #tpu.memory_space<vmem>>
      %dma_wait3A_132 = tpu.memref_squeeze %dma_wait3A_131 : memref<1x128xi32, #tpu.memory_space<vmem>> -> memref<128xi32, #tpu.memory_space<vmem>>
      %dma_wait3A_133 = arith.constant 0 : i32
      %dma_wait3A_134 = arith.constant 0 : i32
      %dma_wait3A_135 = tpu.memref_slice %arg2[%dma_wait3A_133, %dma_wait3A_134] : memref<10240x48xf32, #tpu.memory_space<hbm>> -> memref<10240x48xf32, #tpu.memory_space<hbm>>
      tpu.wait_indirect_dma semaphore(%arg12 : memref<!tpu.dma_semaphore, #tpu.memory_space<semaphore_mem>>) src(%dma_wait3A_135 : memref<10240x48xf32, #tpu.memory_space<hbm>>) dst(%dma_wait3A_129 : memref<128x48xf32, #tpu.memory_space<vmem>>)
      %dma_start3A_136 = arith.constant 1 : i32
      %dma_start3A_137 = arith.constant 0 : i32
      %dma_start3A_138 = arith.constant 0 : i32
      %dma_start3A_139 = tpu.memref_slice %arg8[%dma_start3A_136, %dma_start3A_137, %dma_start3A_138] : memref<4x128x48xf32, #tpu.memory_space<vmem>> -> memref<1x128x48xf32, #tpu.memory_space<vmem>>
      %dma_start3A_140 = tpu.memref_squeeze %dma_start3A_139 : memref<1x128x48xf32, #tpu.memory_space<vmem>> -> memref<128x48xf32, #tpu.memory_space<vmem>>
      %dma_start3A_141 = arith.constant 0 : i32
      %dma_start3A_142 = tpu.memref_slice %arg7[%add3A_124, %dma_start3A_141] : memref<80x128xi32, #tpu.memory_space<vmem>> -> memref<1x128xi32, #tpu.memory_space<vmem>>
      %dma_start3A_143 = tpu.memref_squeeze %dma_start3A_142 : memref<1x128xi32, #tpu.memory_space<vmem>> -> memref<128xi32, #tpu.memory_space<vmem>>
      %dma_start3A_144 = arith.constant 0 : i32
      %dma_start3A_145 = arith.constant 0 : i32
      %dma_start3A_146 = tpu.memref_slice %arg10[%dma_start3A_144, %dma_start3A_145] : memref<10240x48xf32, #tpu.memory_space<vmem_shared>> -> memref<10240x48xf32, #tpu.memory_space<vmem_shared>>
      tpu.enqueue_indirect_dma source(%dma_start3A_140 : memref<128x48xf32, #tpu.memory_space<vmem>>) target(%dma_start3A_146 : memref<10240x48xf32, #tpu.memory_space<vmem_shared>>) offsets(%dma_start3A_143 : memref<128xi32, #tpu.memory_space<vmem>>) semaphore(%arg16 : memref<!tpu.dma_semaphore, #tpu.memory_space<semaphore_mem>>) {add = true}
      %add3A_147 = arith.constant 2 : i32
      %add3A_148 = arith.addi %add3A_124, %add3A_147 : i32
      %lt3A_149 = arith.constant 80 : i32
      %lt3A_150 = arith.cmpi slt, %add3A_148, %lt3A_149 : i32
      %convert_element_type3A_151 = arith.extui %lt3A_150 : i1 to i32
      %cond3A_152 = arith.constant 0 : i32
      %cond3A_153 = arith.cmpi ne, %convert_element_type3A_151, %cond3A_152 : i32
      scf.if %cond3A_153 {
        %ge3A = arith.constant 2 : i32
        %ge3A_216 = arith.cmpi sge, %add3A_124, %ge3A : i32
        %convert_element_type3A_217 = arith.extui %ge3A_216 : i1 to i32
        %cond3A_218 = arith.constant 0 : i32
        %cond3A_219 = arith.cmpi ne, %convert_element_type3A_217, %cond3A_218 : i32
        scf.if %cond3A_219 {
          %sub3A = arith.constant 2 : i32
          %sub3A_233 = arith.subi %add3A_124, %sub3A : i32
          %dma_wait3A_234 = arith.constant 3 : i32
          %dma_wait3A_235 = arith.constant 0 : i32
          %dma_wait3A_236 = arith.constant 0 : i32
          %dma_wait3A_237 = tpu.memref_slice %arg8[%dma_wait3A_234, %dma_wait3A_235, %dma_wait3A_236] : memref<4x128x48xf32, #tpu.memory_space<vmem>> -> memref<1x128x48xf32, #tpu.memory_space<vmem>>
          %dma_wait3A_238 = tpu.memref_squeeze %dma_wait3A_237 : memref<1x128x48xf32, #tpu.memory_space<vmem>> -> memref<128x48xf32, #tpu.memory_space<vmem>>
          %dma_wait3A_239 = arith.constant 0 : i32
          %dma_wait3A_240 = tpu.memref_slice %arg7[%sub3A_233, %dma_wait3A_239] : memref<80x128xi32, #tpu.memory_space<vmem>> -> memref<1x128xi32, #tpu.memory_space<vmem>>
          %dma_wait3A_241 = tpu.memref_squeeze %dma_wait3A_240 : memref<1x128xi32, #tpu.memory_space<vmem>> -> memref<128xi32, #tpu.memory_space<vmem>>
          %dma_wait3A_242 = arith.constant 0 : i32
          %dma_wait3A_243 = arith.constant 0 : i32
          %dma_wait3A_244 = tpu.memref_slice %arg10[%dma_wait3A_242, %dma_wait3A_243] : memref<10240x48xf32, #tpu.memory_space<vmem_shared>> -> memref<10240x48xf32, #tpu.memory_space<vmem_shared>>
          tpu.wait_indirect_dma semaphore(%arg18 : memref<!tpu.dma_semaphore, #tpu.memory_space<semaphore_mem>>) src(%dma_wait3A_238 : memref<128x48xf32, #tpu.memory_space<vmem>>) dst(%dma_wait3A_244 : memref<10240x48xf32, #tpu.memory_space<vmem_shared>>)
        } else {
        }
        %add3A_220 = arith.constant 2 : i32
        %add3A_221 = arith.addi %add3A_124, %add3A_220 : i32
        %dma_start3A_222 = arith.constant 3 : i32
        %dma_start3A_223 = arith.constant 0 : i32
        %dma_start3A_224 = arith.constant 0 : i32
        %dma_start3A_225 = tpu.memref_slice %arg8[%dma_start3A_222, %dma_start3A_223, %dma_start3A_224] : memref<4x128x48xf32, #tpu.memory_space<vmem>> -> memref<1x128x48xf32, #tpu.memory_space<vmem>>
        %dma_start3A_226 = tpu.memref_squeeze %dma_start3A_225 : memref<1x128x48xf32, #tpu.memory_space<vmem>> -> memref<128x48xf32, #tpu.memory_space<vmem>>
        %dma_start3A_227 = arith.constant 0 : i32
        %dma_start3A_228 = tpu.memref_slice %arg6[%add3A_221, %dma_start3A_227] : memref<80x128xi32, #tpu.memory_space<vmem>> -> memref<1x128xi32, #tpu.memory_space<vmem>>
        %dma_start3A_229 = tpu.memref_squeeze %dma_start3A_228 : memref<1x128xi32, #tpu.memory_space<vmem>> -> memref<128xi32, #tpu.memory_space<vmem>>
        %dma_start3A_230 = arith.constant 0 : i32
        %dma_start3A_231 = arith.constant 0 : i32
        %dma_start3A_232 = tpu.memref_slice %arg2[%dma_start3A_230, %dma_start3A_231] : memref<10240x48xf32, #tpu.memory_space<hbm>> -> memref<10240x48xf32, #tpu.memory_space<hbm>>
        tpu.enqueue_indirect_dma source(%dma_start3A_232 : memref<10240x48xf32, #tpu.memory_space<hbm>>) target(%dma_start3A_226 : memref<128x48xf32, #tpu.memory_space<vmem>>) offsets(%dma_start3A_229 : memref<128xi32, #tpu.memory_space<vmem>>) semaphore(%arg14 : memref<!tpu.dma_semaphore, #tpu.memory_space<semaphore_mem>>)
      } else {
      }
      %add3A_154 = arith.constant 2 : i32
      %add3A_155 = arith.addi %add3A_94, %add3A_154 : i32
      %dma_wait3A_156 = arith.constant 2 : i32
      %dma_wait3A_157 = arith.constant 0 : i32
      %dma_wait3A_158 = arith.constant 0 : i32
      %dma_wait3A_159 = tpu.memref_slice %arg8[%dma_wait3A_156, %dma_wait3A_157, %dma_wait3A_158] : memref<4x128x48xf32, #tpu.memory_space<vmem>> -> memref<1x128x48xf32, #tpu.memory_space<vmem>>
      %dma_wait3A_160 = tpu.memref_squeeze %dma_wait3A_159 : memref<1x128x48xf32, #tpu.memory_space<vmem>> -> memref<128x48xf32, #tpu.memory_space<vmem>>
      %dma_wait3A_161 = arith.constant 0 : i32
      %dma_wait3A_162 = tpu.memref_slice %arg6[%add3A_155, %dma_wait3A_161] : memref<80x128xi32, #tpu.memory_space<vmem>> -> memref<1x128xi32, #tpu.memory_space<vmem>>
      %dma_wait3A_163 = tpu.memref_squeeze %dma_wait3A_162 : memref<1x128xi32, #tpu.memory_space<vmem>> -> memref<128xi32, #tpu.memory_space<vmem>>
      %dma_wait3A_164 = arith.constant 0 : i32
      %dma_wait3A_165 = arith.constant 0 : i32
      %dma_wait3A_166 = tpu.memref_slice %arg2[%dma_wait3A_164, %dma_wait3A_165] : memref<10240x48xf32, #tpu.memory_space<hbm>> -> memref<10240x48xf32, #tpu.memory_space<hbm>>
      tpu.wait_indirect_dma semaphore(%arg13 : memref<!tpu.dma_semaphore, #tpu.memory_space<semaphore_mem>>) src(%dma_wait3A_166 : memref<10240x48xf32, #tpu.memory_space<hbm>>) dst(%dma_wait3A_160 : memref<128x48xf32, #tpu.memory_space<vmem>>)
      %dma_start3A_167 = arith.constant 2 : i32
      %dma_start3A_168 = arith.constant 0 : i32
      %dma_start3A_169 = arith.constant 0 : i32
      %dma_start3A_170 = tpu.memref_slice %arg8[%dma_start3A_167, %dma_start3A_168, %dma_start3A_169] : memref<4x128x48xf32, #tpu.memory_space<vmem>> -> memref<1x128x48xf32, #tpu.memory_space<vmem>>
      %dma_start3A_171 = tpu.memref_squeeze %dma_start3A_170 : memref<1x128x48xf32, #tpu.memory_space<vmem>> -> memref<128x48xf32, #tpu.memory_space<vmem>>
      %dma_start3A_172 = arith.constant 0 : i32
      %dma_start3A_173 = tpu.memref_slice %arg7[%add3A_155, %dma_start3A_172] : memref<80x128xi32, #tpu.memory_space<vmem>> -> memref<1x128xi32, #tpu.memory_space<vmem>>
      %dma_start3A_174 = tpu.memref_squeeze %dma_start3A_173 : memref<1x128xi32, #tpu.memory_space<vmem>> -> memref<128xi32, #tpu.memory_space<vmem>>
      %dma_start3A_175 = arith.constant 0 : i32
      %dma_start3A_176 = arith.constant 0 : i32
      %dma_start3A_177 = tpu.memref_slice %arg10[%dma_start3A_175, %dma_start3A_176] : memref<10240x48xf32, #tpu.memory_space<vmem_shared>> -> memref<10240x48xf32, #tpu.memory_space<vmem_shared>>
      tpu.enqueue_indirect_dma source(%dma_start3A_171 : memref<128x48xf32, #tpu.memory_space<vmem>>) target(%dma_start3A_177 : memref<10240x48xf32, #tpu.memory_space<vmem_shared>>) offsets(%dma_start3A_174 : memref<128xi32, #tpu.memory_space<vmem>>) semaphore(%arg17 : memref<!tpu.dma_semaphore, #tpu.memory_space<semaphore_mem>>) {add = true}
      %add3A_178 = arith.constant 2 : i32
      %add3A_179 = arith.addi %add3A_155, %add3A_178 : i32
      %lt3A_180 = arith.constant 80 : i32
      %lt3A_181 = arith.cmpi slt, %add3A_179, %lt3A_180 : i32
      %convert_element_type3A_182 = arith.extui %lt3A_181 : i1 to i32
      %cond3A_183 = arith.constant 0 : i32
      %cond3A_184 = arith.cmpi ne, %convert_element_type3A_182, %cond3A_183 : i32
      scf.if %cond3A_184 {
        %ge3A = arith.constant 2 : i32
        %ge3A_216 = arith.cmpi sge, %add3A_155, %ge3A : i32
        %convert_element_type3A_217 = arith.extui %ge3A_216 : i1 to i32
        %cond3A_218 = arith.constant 0 : i32
        %cond3A_219 = arith.cmpi ne, %convert_element_type3A_217, %cond3A_218 : i32
        scf.if %cond3A_219 {
          %sub3A = arith.constant 2 : i32
          %sub3A_233 = arith.subi %add3A_155, %sub3A : i32
          %dma_wait3A_234 = arith.constant 0 : i32
          %dma_wait3A_235 = arith.constant 0 : i32
          %dma_wait3A_236 = arith.constant 0 : i32
          %dma_wait3A_237 = tpu.memref_slice %arg8[%dma_wait3A_234, %dma_wait3A_235, %dma_wait3A_236] : memref<4x128x48xf32, #tpu.memory_space<vmem>> -> memref<1x128x48xf32, #tpu.memory_space<vmem>>
          %dma_wait3A_238 = tpu.memref_squeeze %dma_wait3A_237 : memref<1x128x48xf32, #tpu.memory_space<vmem>> -> memref<128x48xf32, #tpu.memory_space<vmem>>
          %dma_wait3A_239 = arith.constant 0 : i32
          %dma_wait3A_240 = tpu.memref_slice %arg7[%sub3A_233, %dma_wait3A_239] : memref<80x128xi32, #tpu.memory_space<vmem>> -> memref<1x128xi32, #tpu.memory_space<vmem>>
          %dma_wait3A_241 = tpu.memref_squeeze %dma_wait3A_240 : memref<1x128xi32, #tpu.memory_space<vmem>> -> memref<128xi32, #tpu.memory_space<vmem>>
          %dma_wait3A_242 = arith.constant 0 : i32
          %dma_wait3A_243 = arith.constant 0 : i32
          %dma_wait3A_244 = tpu.memref_slice %arg10[%dma_wait3A_242, %dma_wait3A_243] : memref<10240x48xf32, #tpu.memory_space<vmem_shared>> -> memref<10240x48xf32, #tpu.memory_space<vmem_shared>>
          tpu.wait_indirect_dma semaphore(%arg15 : memref<!tpu.dma_semaphore, #tpu.memory_space<semaphore_mem>>) src(%dma_wait3A_238 : memref<128x48xf32, #tpu.memory_space<vmem>>) dst(%dma_wait3A_244 : memref<10240x48xf32, #tpu.memory_space<vmem_shared>>)
        } else {
        }
        %add3A_220 = arith.constant 2 : i32
        %add3A_221 = arith.addi %add3A_155, %add3A_220 : i32
        %dma_start3A_222 = arith.constant 0 : i32
        %dma_start3A_223 = arith.constant 0 : i32
        %dma_start3A_224 = arith.constant 0 : i32
        %dma_start3A_225 = tpu.memref_slice %arg8[%dma_start3A_222, %dma_start3A_223, %dma_start3A_224] : memref<4x128x48xf32, #tpu.memory_space<vmem>> -> memref<1x128x48xf32, #tpu.memory_space<vmem>>
        %dma_start3A_226 = tpu.memref_squeeze %dma_start3A_225 : memref<1x128x48xf32, #tpu.memory_space<vmem>> -> memref<128x48xf32, #tpu.memory_space<vmem>>
        %dma_start3A_227 = arith.constant 0 : i32
        %dma_start3A_228 = tpu.memref_slice %arg6[%add3A_221, %dma_start3A_227] : memref<80x128xi32, #tpu.memory_space<vmem>> -> memref<1x128xi32, #tpu.memory_space<vmem>>
        %dma_start3A_229 = tpu.memref_squeeze %dma_start3A_228 : memref<1x128xi32, #tpu.memory_space<vmem>> -> memref<128xi32, #tpu.memory_space<vmem>>
        %dma_start3A_230 = arith.constant 0 : i32
        %dma_start3A_231 = arith.constant 0 : i32
        %dma_start3A_232 = tpu.memref_slice %arg2[%dma_start3A_230, %dma_start3A_231] : memref<10240x48xf32, #tpu.memory_space<hbm>> -> memref<10240x48xf32, #tpu.memory_space<hbm>>
        tpu.enqueue_indirect_dma source(%dma_start3A_232 : memref<10240x48xf32, #tpu.memory_space<hbm>>) target(%dma_start3A_226 : memref<128x48xf32, #tpu.memory_space<vmem>>) offsets(%dma_start3A_229 : memref<128xi32, #tpu.memory_space<vmem>>) semaphore(%arg11 : memref<!tpu.dma_semaphore, #tpu.memory_space<semaphore_mem>>)
      } else {
      }
      %add3A_185 = arith.constant 3 : i32
      %add3A_186 = arith.addi %add3A_94, %add3A_185 : i32
      %dma_wait3A_187 = arith.constant 3 : i32
      %dma_wait3A_188 = arith.constant 0 : i32
      %dma_wait3A_189 = arith.constant 0 : i32
      %dma_wait3A_190 = tpu.memref_slice %arg8[%dma_wait3A_187, %dma_wait3A_188, %dma_wait3A_189] : memref<4x128x48xf32, #tpu.memory_space<vmem>> -> memref<1x128x48xf32, #tpu.memory_space<vmem>>
      %dma_wait3A_191 = tpu.memref_squeeze %dma_wait3A_190 : memref<1x128x48xf32, #tpu.memory_space<vmem>> -> memref<128x48xf32, #tpu.memory_space<vmem>>
      %dma_wait3A_192 = arith.constant 0 : i32
      %dma_wait3A_193 = tpu.memref_slice %arg6[%add3A_186, %dma_wait3A_192] : memref<80x128xi32, #tpu.memory_space<vmem>> -> memref<1x128xi32, #tpu.memory_space<vmem>>
      %dma_wait3A_194 = tpu.memref_squeeze %dma_wait3A_193 : memref<1x128xi32, #tpu.memory_space<vmem>> -> memref<128xi32, #tpu.memory_space<vmem>>
      %dma_wait3A_195 = arith.constant 0 : i32
      %dma_wait3A_196 = arith.constant 0 : i32
      %dma_wait3A_197 = tpu.memref_slice %arg2[%dma_wait3A_195, %dma_wait3A_196] : memref<10240x48xf32, #tpu.memory_space<hbm>> -> memref<10240x48xf32, #tpu.memory_space<hbm>>
      tpu.wait_indirect_dma semaphore(%arg14 : memref<!tpu.dma_semaphore, #tpu.memory_space<semaphore_mem>>) src(%dma_wait3A_197 : memref<10240x48xf32, #tpu.memory_space<hbm>>) dst(%dma_wait3A_191 : memref<128x48xf32, #tpu.memory_space<vmem>>)
      %dma_start3A_198 = arith.constant 3 : i32
      %dma_start3A_199 = arith.constant 0 : i32
      %dma_start3A_200 = arith.constant 0 : i32
      %dma_start3A_201 = tpu.memref_slice %arg8[%dma_start3A_198, %dma_start3A_199, %dma_start3A_200] : memref<4x128x48xf32, #tpu.memory_space<vmem>> -> memref<1x128x48xf32, #tpu.memory_space<vmem>>
      %dma_start3A_202 = tpu.memref_squeeze %dma_start3A_201 : memref<1x128x48xf32, #tpu.memory_space<vmem>> -> memref<128x48xf32, #tpu.memory_space<vmem>>
      %dma_start3A_203 = arith.constant 0 : i32
      %dma_start3A_204 = tpu.memref_slice %arg7[%add3A_186, %dma_start3A_203] : memref<80x128xi32, #tpu.memory_space<vmem>> -> memref<1x128xi32, #tpu.memory_space<vmem>>
      %dma_start3A_205 = tpu.memref_squeeze %dma_start3A_204 : memref<1x128xi32, #tpu.memory_space<vmem>> -> memref<128xi32, #tpu.memory_space<vmem>>
      %dma_start3A_206 = arith.constant 0 : i32
      %dma_start3A_207 = arith.constant 0 : i32
      %dma_start3A_208 = tpu.memref_slice %arg10[%dma_start3A_206, %dma_start3A_207] : memref<10240x48xf32, #tpu.memory_space<vmem_shared>> -> memref<10240x48xf32, #tpu.memory_space<vmem_shared>>
      tpu.enqueue_indirect_dma source(%dma_start3A_202 : memref<128x48xf32, #tpu.memory_space<vmem>>) target(%dma_start3A_208 : memref<10240x48xf32, #tpu.memory_space<vmem_shared>>) offsets(%dma_start3A_205 : memref<128xi32, #tpu.memory_space<vmem>>) semaphore(%arg18 : memref<!tpu.dma_semaphore, #tpu.memory_space<semaphore_mem>>) {add = true}
      %add3A_209 = arith.constant 2 : i32
      %add3A_210 = arith.addi %add3A_186, %add3A_209 : i32
      %lt3A_211 = arith.constant 80 : i32
      %lt3A_212 = arith.cmpi slt, %add3A_210, %lt3A_211 : i32
      %convert_element_type3A_213 = arith.extui %lt3A_212 : i1 to i32
      %cond3A_214 = arith.constant 0 : i32
      %cond3A_215 = arith.cmpi ne, %convert_element_type3A_213, %cond3A_214 : i32
      scf.if %cond3A_215 {
        %ge3A = arith.constant 2 : i32
        %ge3A_216 = arith.cmpi sge, %add3A_186, %ge3A : i32
        %convert_element_type3A_217 = arith.extui %ge3A_216 : i1 to i32
        %cond3A_218 = arith.constant 0 : i32
        %cond3A_219 = arith.cmpi ne, %convert_element_type3A_217, %cond3A_218 : i32
        scf.if %cond3A_219 {
          %sub3A = arith.constant 2 : i32
          %sub3A_233 = arith.subi %add3A_186, %sub3A : i32
          %dma_wait3A_234 = arith.constant 1 : i32
          %dma_wait3A_235 = arith.constant 0 : i32
          %dma_wait3A_236 = arith.constant 0 : i32
          %dma_wait3A_237 = tpu.memref_slice %arg8[%dma_wait3A_234, %dma_wait3A_235, %dma_wait3A_236] : memref<4x128x48xf32, #tpu.memory_space<vmem>> -> memref<1x128x48xf32, #tpu.memory_space<vmem>>
          %dma_wait3A_238 = tpu.memref_squeeze %dma_wait3A_237 : memref<1x128x48xf32, #tpu.memory_space<vmem>> -> memref<128x48xf32, #tpu.memory_space<vmem>>
          %dma_wait3A_239 = arith.constant 0 : i32
          %dma_wait3A_240 = tpu.memref_slice %arg7[%sub3A_233, %dma_wait3A_239] : memref<80x128xi32, #tpu.memory_space<vmem>> -> memref<1x128xi32, #tpu.memory_space<vmem>>
          %dma_wait3A_241 = tpu.memref_squeeze %dma_wait3A_240 : memref<1x128xi32, #tpu.memory_space<vmem>> -> memref<128xi32, #tpu.memory_space<vmem>>
          %dma_wait3A_242 = arith.constant 0 : i32
          %dma_wait3A_243 = arith.constant 0 : i32
          %dma_wait3A_244 = tpu.memref_slice %arg10[%dma_wait3A_242, %dma_wait3A_243] : memref<10240x48xf32, #tpu.memory_space<vmem_shared>> -> memref<10240x48xf32, #tpu.memory_space<vmem_shared>>
          tpu.wait_indirect_dma semaphore(%arg16 : memref<!tpu.dma_semaphore, #tpu.memory_space<semaphore_mem>>) src(%dma_wait3A_238 : memref<128x48xf32, #tpu.memory_space<vmem>>) dst(%dma_wait3A_244 : memref<10240x48xf32, #tpu.memory_space<vmem_shared>>)
        } else {
        }
        %add3A_220 = arith.constant 2 : i32
        %add3A_221 = arith.addi %add3A_186, %add3A_220 : i32
        %dma_start3A_222 = arith.constant 1 : i32
        %dma_start3A_223 = arith.constant 0 : i32
        %dma_start3A_224 = arith.constant 0 : i32
        %dma_start3A_225 = tpu.memref_slice %arg8[%dma_start3A_222, %dma_start3A_223, %dma_start3A_224] : memref<4x128x48xf32, #tpu.memory_space<vmem>> -> memref<1x128x48xf32, #tpu.memory_space<vmem>>
        %dma_start3A_226 = tpu.memref_squeeze %dma_start3A_225 : memref<1x128x48xf32, #tpu.memory_space<vmem>> -> memref<128x48xf32, #tpu.memory_space<vmem>>
        %dma_start3A_227 = arith.constant 0 : i32
        %dma_start3A_228 = tpu.memref_slice %arg6[%add3A_221, %dma_start3A_227] : memref<80x128xi32, #tpu.memory_space<vmem>> -> memref<1x128xi32, #tpu.memory_space<vmem>>
        %dma_start3A_229 = tpu.memref_squeeze %dma_start3A_228 : memref<1x128xi32, #tpu.memory_space<vmem>> -> memref<128xi32, #tpu.memory_space<vmem>>
        %dma_start3A_230 = arith.constant 0 : i32
        %dma_start3A_231 = arith.constant 0 : i32
        %dma_start3A_232 = tpu.memref_slice %arg2[%dma_start3A_230, %dma_start3A_231] : memref<10240x48xf32, #tpu.memory_space<hbm>> -> memref<10240x48xf32, #tpu.memory_space<hbm>>
        tpu.enqueue_indirect_dma source(%dma_start3A_232 : memref<10240x48xf32, #tpu.memory_space<hbm>>) target(%dma_start3A_226 : memref<128x48xf32, #tpu.memory_space<vmem>>) offsets(%dma_start3A_229 : memref<128xi32, #tpu.memory_space<vmem>>) semaphore(%arg12 : memref<!tpu.dma_semaphore, #tpu.memory_space<semaphore_mem>>)
      } else {
      }
    }
    %scan3A_37 = arith.constant 20 : i32
    %dma_wait3A = arith.constant 0 : i32
    %dma_wait3A_38 = arith.constant 76 : i32
    %dma_wait3A_39 = arith.constant 0 : i32
    %dma_wait3A_40 = arith.constant 0 : i32
    %dma_wait3A_41 = tpu.memref_slice %arg8[%dma_wait3A, %dma_wait3A_39, %dma_wait3A_40] : memref<4x128x48xf32, #tpu.memory_space<vmem>> -> memref<1x128x48xf32, #tpu.memory_space<vmem>>
    %dma_wait3A_42 = tpu.memref_squeeze %dma_wait3A_41 : memref<1x128x48xf32, #tpu.memory_space<vmem>> -> memref<128x48xf32, #tpu.memory_space<vmem>>
    %dma_wait3A_43 = arith.constant 0 : i32
    %dma_wait3A_44 = tpu.memref_slice %arg7[%dma_wait3A_38, %dma_wait3A_43] : memref<80x128xi32, #tpu.memory_space<vmem>> -> memref<1x128xi32, #tpu.memory_space<vmem>>
    %dma_wait3A_45 = tpu.memref_squeeze %dma_wait3A_44 : memref<1x128xi32, #tpu.memory_space<vmem>> -> memref<128xi32, #tpu.memory_space<vmem>>
    %dma_wait3A_46 = arith.constant 0 : i32
    %dma_wait3A_47 = arith.constant 0 : i32
    %dma_wait3A_48 = tpu.memref_slice %arg10[%dma_wait3A_46, %dma_wait3A_47] : memref<10240x48xf32, #tpu.memory_space<vmem_shared>> -> memref<10240x48xf32, #tpu.memory_space<vmem_shared>>
    tpu.wait_indirect_dma semaphore(%arg15 : memref<!tpu.dma_semaphore, #tpu.memory_space<semaphore_mem>>) src(%dma_wait3A_42 : memref<128x48xf32, #tpu.memory_space<vmem>>) dst(%dma_wait3A_48 : memref<10240x48xf32, #tpu.memory_space<vmem_shared>>)
    %dma_wait3A_49 = arith.constant 1 : i32
    %dma_wait3A_50 = arith.constant 77 : i32
    %dma_wait3A_51 = arith.constant 0 : i32
    %dma_wait3A_52 = arith.constant 0 : i32
    %dma_wait3A_53 = tpu.memref_slice %arg8[%dma_wait3A_49, %dma_wait3A_51, %dma_wait3A_52] : memref<4x128x48xf32, #tpu.memory_space<vmem>> -> memref<1x128x48xf32, #tpu.memory_space<vmem>>
    %dma_wait3A_54 = tpu.memref_squeeze %dma_wait3A_53 : memref<1x128x48xf32, #tpu.memory_space<vmem>> -> memref<128x48xf32, #tpu.memory_space<vmem>>
    %dma_wait3A_55 = arith.constant 0 : i32
    %dma_wait3A_56 = tpu.memref_slice %arg7[%dma_wait3A_50, %dma_wait3A_55] : memref<80x128xi32, #tpu.memory_space<vmem>> -> memref<1x128xi32, #tpu.memory_space<vmem>>
    %dma_wait3A_57 = tpu.memref_squeeze %dma_wait3A_56 : memref<1x128xi32, #tpu.memory_space<vmem>> -> memref<128xi32, #tpu.memory_space<vmem>>
    %dma_wait3A_58 = arith.constant 0 : i32
    %dma_wait3A_59 = arith.constant 0 : i32
    %dma_wait3A_60 = tpu.memref_slice %arg10[%dma_wait3A_58, %dma_wait3A_59] : memref<10240x48xf32, #tpu.memory_space<vmem_shared>> -> memref<10240x48xf32, #tpu.memory_space<vmem_shared>>
    tpu.wait_indirect_dma semaphore(%arg16 : memref<!tpu.dma_semaphore, #tpu.memory_space<semaphore_mem>>) src(%dma_wait3A_54 : memref<128x48xf32, #tpu.memory_space<vmem>>) dst(%dma_wait3A_60 : memref<10240x48xf32, #tpu.memory_space<vmem_shared>>)
    %dma_wait3A_61 = arith.constant 2 : i32
    %dma_wait3A_62 = arith.constant 78 : i32
    %dma_wait3A_63 = arith.constant 0 : i32
    %dma_wait3A_64 = arith.constant 0 : i32
    %dma_wait3A_65 = tpu.memref_slice %arg8[%dma_wait3A_61, %dma_wait3A_63, %dma_wait3A_64] : memref<4x128x48xf32, #tpu.memory_space<vmem>> -> memref<1x128x48xf32, #tpu.memory_space<vmem>>
    %dma_wait3A_66 = tpu.memref_squeeze %dma_wait3A_65 : memref<1x128x48xf32, #tpu.memory_space<vmem>> -> memref<128x48xf32, #tpu.memory_space<vmem>>
    %dma_wait3A_67 = arith.constant 0 : i32
    %dma_wait3A_68 = tpu.memref_slice %arg7[%dma_wait3A_62, %dma_wait3A_67] : memref<80x128xi32, #tpu.memory_space<vmem>> -> memref<1x128xi32, #tpu.memory_space<vmem>>
    %dma_wait3A_69 = tpu.memref_squeeze %dma_wait3A_68 : memref<1x128xi32, #tpu.memory_space<vmem>> -> memref<128xi32, #tpu.memory_space<vmem>>
    %dma_wait3A_70 = arith.constant 0 : i32
    %dma_wait3A_71 = arith.constant 0 : i32
    %dma_wait3A_72 = tpu.memref_slice %arg10[%dma_wait3A_70, %dma_wait3A_71] : memref<10240x48xf32, #tpu.memory_space<vmem_shared>> -> memref<10240x48xf32, #tpu.memory_space<vmem_shared>>
    tpu.wait_indirect_dma semaphore(%arg17 : memref<!tpu.dma_semaphore, #tpu.memory_space<semaphore_mem>>) src(%dma_wait3A_66 : memref<128x48xf32, #tpu.memory_space<vmem>>) dst(%dma_wait3A_72 : memref<10240x48xf32, #tpu.memory_space<vmem_shared>>)
    %dma_wait3A_73 = arith.constant 3 : i32
    %dma_wait3A_74 = arith.constant 79 : i32
    %dma_wait3A_75 = arith.constant 0 : i32
    %dma_wait3A_76 = arith.constant 0 : i32
    %dma_wait3A_77 = tpu.memref_slice %arg8[%dma_wait3A_73, %dma_wait3A_75, %dma_wait3A_76] : memref<4x128x48xf32, #tpu.memory_space<vmem>> -> memref<1x128x48xf32, #tpu.memory_space<vmem>>
    %dma_wait3A_78 = tpu.memref_squeeze %dma_wait3A_77 : memref<1x128x48xf32, #tpu.memory_space<vmem>> -> memref<128x48xf32, #tpu.memory_space<vmem>>
    %dma_wait3A_79 = arith.constant 0 : i32
    %dma_wait3A_80 = tpu.memref_slice %arg7[%dma_wait3A_74, %dma_wait3A_79] : memref<80x128xi32, #tpu.memory_space<vmem>> -> memref<1x128xi32, #tpu.memory_space<vmem>>
    %dma_wait3A_81 = tpu.memref_squeeze %dma_wait3A_80 : memref<1x128xi32, #tpu.memory_space<vmem>> -> memref<128xi32, #tpu.memory_space<vmem>>
    %dma_wait3A_82 = arith.constant 0 : i32
    %dma_wait3A_83 = arith.constant 0 : i32
    %dma_wait3A_84 = tpu.memref_slice %arg10[%dma_wait3A_82, %dma_wait3A_83] : memref<10240x48xf32, #tpu.memory_space<vmem_shared>> -> memref<10240x48xf32, #tpu.memory_space<vmem_shared>>
    tpu.wait_indirect_dma semaphore(%arg18 : memref<!tpu.dma_semaphore, #tpu.memory_space<semaphore_mem>>) src(%dma_wait3A_78 : memref<128x48xf32, #tpu.memory_space<vmem>>) dst(%dma_wait3A_84 : memref<10240x48xf32, #tpu.memory_space<vmem_shared>>)
    %barrier3A_85 = arith.constant 0 : index
    tpu.barrier barrier_id(%barrier3A_85)
    %mul3A_86 = arith.constant 640 : i32
    %mul3A_87 = arith.muli %arg1, %mul3A_86 : i32
    %mul3A_88 = arith.constant 640 : i32
    %mul3A_89 = arith.muli %arg1, %mul3A_88 : i32
    "tpu.region"() ({
      %run_scoped3A = tpu.sem_alloc : memref<!tpu.dma_semaphore, #tpu.memory_space<semaphore_mem>>
      %dma_start3A_90 = arith.constant 0 : i32
      %dma_start3A_91 = tpu.memref_slice %arg5[%arg0, %mul3A_89, %dma_start3A_90] : memref<2x10240x48xf32, #tpu.memory_space<hbm>> -> memref<1x640x48xf32, #tpu.memory_space<hbm>>
      %dma_start3A_92 = tpu.memref_squeeze %dma_start3A_91 : memref<1x640x48xf32, #tpu.memory_space<hbm>> -> memref<640x48xf32, #tpu.memory_space<hbm>>
      %dma_start3A_93 = arith.constant 0 : i32
      %dma_start3A_94 = tpu.memref_slice %arg10[%mul3A_87, %dma_start3A_93] : memref<10240x48xf32, #tpu.memory_space<vmem_shared>> -> memref<640x48xf32, #tpu.memory_space<vmem_shared>>
      tpu.enqueue_dma source(%dma_start3A_94 : memref<640x48xf32, #tpu.memory_space<vmem_shared>>) target(%dma_start3A_92 : memref<640x48xf32, #tpu.memory_space<hbm>>) target_semaphore(%run_scoped3A : memref<!tpu.dma_semaphore, #tpu.memory_space<semaphore_mem>>)
      %dma_wait3A_95 = arith.constant 0 : i32
      %dma_wait3A_96 = tpu.memref_slice %arg5[%arg0, %mul3A_89, %dma_wait3A_95] : memref<2x10240x48xf32, #tpu.memory_space<hbm>> -> memref<1x640x48xf32, #tpu.memory_space<hbm>>
      %dma_wait3A_97 = tpu.memref_squeeze %dma_wait3A_96 : memref<1x640x48xf32, #tpu.memory_space<hbm>> -> memref<640x48xf32, #tpu.memory_space<hbm>>
      %dma_wait3A_98 = arith.constant 0 : i32
      %dma_wait3A_99 = tpu.memref_slice %arg10[%mul3A_87, %dma_wait3A_98] : memref<10240x48xf32, #tpu.memory_space<vmem_shared>> -> memref<640x48xf32, #tpu.memory_space<vmem_shared>>
      tpu.wait_dma2 semaphore(%run_scoped3A : memref<!tpu.dma_semaphore, #tpu.memory_space<semaphore_mem>>) src(%dma_wait3A_99 : memref<640x48xf32, #tpu.memory_space<vmem_shared>>) dst(%dma_wait3A_97 : memref<640x48xf32, #tpu.memory_space<hbm>>)
      tpu.yield
    }) : () -> ()
    return
  }
}

#map = affine_map<(d0, d1) -> (0, 0, 0)>
module attributes {stable_mosaic.version = 14 : i64} {
  func.func @_prop_l1(%arg0: i32, %arg1: i32, %arg2: memref<2x10240x64xf32, #tpu.memory_space<hbm>>, %arg3: memref<16x160x128xi32, #tpu.memory_space<hbm>>, %arg4: memref<16x160x128xi32, #tpu.memory_space<hbm>>, %arg5: memref<2x10240x64xf32, #tpu.memory_space<hbm>>, %arg6: memref<160x128xi32, #tpu.memory_space<vmem>>, %arg7: memref<160x128xi32, #tpu.memory_space<vmem>>, %arg8: memref<4x128x64xf32, #tpu.memory_space<vmem>>, %arg9: memref<128x64xf32, #tpu.memory_space<vmem>>, %arg10: memref<10240x64xf32, #tpu.memory_space<vmem_shared>>, %arg11: memref<!tpu.dma_semaphore, #tpu.memory_space<semaphore_mem>>, %arg12: memref<!tpu.dma_semaphore, #tpu.memory_space<semaphore_mem>>, %arg13: memref<!tpu.dma_semaphore, #tpu.memory_space<semaphore_mem>>, %arg14: memref<!tpu.dma_semaphore, #tpu.memory_space<semaphore_mem>>, %arg15: memref<!tpu.dma_semaphore, #tpu.memory_space<semaphore_mem>>, %arg16: memref<!tpu.dma_semaphore, #tpu.memory_space<semaphore_mem>>, %arg17: memref<!tpu.dma_semaphore, #tpu.memory_space<semaphore_mem>>, %arg18: memref<!tpu.dma_semaphore, #tpu.memory_space<semaphore_mem>>) attributes {dimension_semantics = [#tpu.dimension_semantics<core_parallel>, #tpu.dimension_semantics<subcore_parallel>], iteration_bounds = array<i64: 2, 16>, scalar_prefetch = 0 : i64, scratch_operands = 13 : i64, tpu.core_type = #tpu.core_type<sc_vector_subcore>, window_params = [{transform_indices = #map}, {transform_indices = #map}, {transform_indices = #map}, {transform_indices = #map}]} {
    %scan3A = arith.constant 0 : i32
    %scan3A_0 = arith.constant 128 : i32
    %scan3A_1 = arith.addi %scan3A, %scan3A_0 : i32
    %scan3A_2 = arith.constant 1 : i32
    scf.for %scan3A_96 = %scan3A to %scan3A_1 step %scan3A_2  : i32 {
      %mul3A_97 = arith.constant 1 : i32
      %mul3A_98 = arith.muli %scan3A_96, %mul3A_97 : i32
      %add3A = arith.constant 0 : i32
      %add3A_99 = arith.addi %add3A, %mul3A_98 : i32
      %scan3A_100 = arith.constant 0 : i32
      %scan3A_101 = arith.constant 4 : i32
      %scan3A_102 = arith.addi %scan3A_100, %scan3A_101 : i32
      %scan3A_103 = arith.constant 1 : i32
      scf.for %scan3A_105 = %scan3A_100 to %scan3A_102 step %scan3A_103  : i32 {
        %mul3A_106 = arith.constant 16 : i32
        %mul3A_107 = arith.muli %scan3A_105, %mul3A_106 : i32
        %add3A_108 = arith.constant 0 : i32
        %add3A_109 = arith.addi %add3A_108, %mul3A_107 : i32
        %broadcast_in_dim3A = arith.constant 0.000000e+00 : f32
        %broadcast_in_dim3A_110 = vector.broadcast %broadcast_in_dim3A : f32 to vector<16xf32>
        %swap3A = arith.index_cast %add3A_99 : i32 to index
        %swap3A_111 = arith.index_cast %add3A_109 : i32 to index
        %swap3A_112 = tpu.vector_load %arg9[%swap3A, %swap3A_111] {strides = array<i32>} : memref<128x64xf32, #tpu.memory_space<vmem>>, vector<1x16xf32>,
        %swap3A_113 = vector.shape_cast %swap3A_112 : vector<1x16xf32> to vector<16xf32>
        %swap3A_114 = vector.shape_cast %broadcast_in_dim3A_110 : vector<16xf32> to vector<1x16xf32>
        tpu.vector_store %arg9[%swap3A, %swap3A_111], %swap3A_114 {strides = array<i32>} : memref<128x64xf32, #tpu.memory_space<vmem>>, vector<1x16xf32>,
      }
      %scan3A_104 = arith.constant 4 : i32
    }
    %scan3A_3 = arith.constant 128 : i32
    "tpu.region"() ({
      %run_scoped3A = tpu.sem_alloc : memref<!tpu.dma_semaphore, #tpu.memory_space<semaphore_mem>>
      %dma_start3A_96 = arith.constant 0 : i32
      %dma_start3A_97 = arith.constant 0 : i32
      %dma_start3A_98 = tpu.memref_slice %arg3[%arg1, %dma_start3A_96, %dma_start3A_97] : memref<16x160x128xi32, #tpu.memory_space<hbm>> -> memref<1x160x128xi32, #tpu.memory_space<hbm>>
      %dma_start3A_99 = tpu.memref_squeeze %dma_start3A_98 : memref<1x160x128xi32, #tpu.memory_space<hbm>> -> memref<160x128xi32, #tpu.memory_space<hbm>>
      %dma_start3A_100 = arith.constant 0 : i32
      %dma_start3A_101 = arith.constant 0 : i32
      %dma_start3A_102 = tpu.memref_slice %arg3[%arg1, %dma_start3A_100, %dma_start3A_101] : memref<16x160x128xi32, #tpu.memory_space<hbm>> -> memref<1x160x128xi32, #tpu.memory_space<hbm>>
      %dma_start3A_103 = tpu.memref_squeeze %dma_start3A_102 : memref<1x160x128xi32, #tpu.memory_space<hbm>> -> memref<160x128xi32, #tpu.memory_space<hbm>>
      tpu.enqueue_dma source(%dma_start3A_103 : memref<160x128xi32, #tpu.memory_space<hbm>>) target(%arg6 : memref<160x128xi32, #tpu.memory_space<vmem>>) target_semaphore(%run_scoped3A : memref<!tpu.dma_semaphore, #tpu.memory_space<semaphore_mem>>)
      %dma_wait3A_104 = arith.constant 0 : i32
      %dma_wait3A_105 = arith.constant 0 : i32
      %dma_wait3A_106 = tpu.memref_slice %arg3[%arg1, %dma_wait3A_104, %dma_wait3A_105] : memref<16x160x128xi32, #tpu.memory_space<hbm>> -> memref<1x160x128xi32, #tpu.memory_space<hbm>>
      %dma_wait3A_107 = tpu.memref_squeeze %dma_wait3A_106 : memref<1x160x128xi32, #tpu.memory_space<hbm>> -> memref<160x128xi32, #tpu.memory_space<hbm>>
      %dma_wait3A_108 = arith.constant 0 : i32
      %dma_wait3A_109 = arith.constant 0 : i32
      %dma_wait3A_110 = tpu.memref_slice %arg3[%arg1, %dma_wait3A_108, %dma_wait3A_109] : memref<16x160x128xi32, #tpu.memory_space<hbm>> -> memref<1x160x128xi32, #tpu.memory_space<hbm>>
      %dma_wait3A_111 = tpu.memref_squeeze %dma_wait3A_110 : memref<1x160x128xi32, #tpu.memory_space<hbm>> -> memref<160x128xi32, #tpu.memory_space<hbm>>
      tpu.wait_dma2 semaphore(%run_scoped3A : memref<!tpu.dma_semaphore, #tpu.memory_space<semaphore_mem>>) src(%dma_wait3A_111 : memref<160x128xi32, #tpu.memory_space<hbm>>) dst(%arg6 : memref<160x128xi32, #tpu.memory_space<vmem>>)
      tpu.yield
    }) : () -> ()
    "tpu.region"() ({
      %run_scoped3A = tpu.sem_alloc : memref<!tpu.dma_semaphore, #tpu.memory_space<semaphore_mem>>
      %dma_start3A_96 = arith.constant 0 : i32
      %dma_start3A_97 = arith.constant 0 : i32
      %dma_start3A_98 = tpu.memref_slice %arg4[%arg1, %dma_start3A_96, %dma_start3A_97] : memref<16x160x128xi32, #tpu.memory_space<hbm>> -> memref<1x160x128xi32, #tpu.memory_space<hbm>>
      %dma_start3A_99 = tpu.memref_squeeze %dma_start3A_98 : memref<1x160x128xi32, #tpu.memory_space<hbm>> -> memref<160x128xi32, #tpu.memory_space<hbm>>
      %dma_start3A_100 = arith.constant 0 : i32
      %dma_start3A_101 = arith.constant 0 : i32
      %dma_start3A_102 = tpu.memref_slice %arg4[%arg1, %dma_start3A_100, %dma_start3A_101] : memref<16x160x128xi32, #tpu.memory_space<hbm>> -> memref<1x160x128xi32, #tpu.memory_space<hbm>>
      %dma_start3A_103 = tpu.memref_squeeze %dma_start3A_102 : memref<1x160x128xi32, #tpu.memory_space<hbm>> -> memref<160x128xi32, #tpu.memory_space<hbm>>
      tpu.enqueue_dma source(%dma_start3A_103 : memref<160x128xi32, #tpu.memory_space<hbm>>) target(%arg7 : memref<160x128xi32, #tpu.memory_space<vmem>>) target_semaphore(%run_scoped3A : memref<!tpu.dma_semaphore, #tpu.memory_space<semaphore_mem>>)
      %dma_wait3A_104 = arith.constant 0 : i32
      %dma_wait3A_105 = arith.constant 0 : i32
      %dma_wait3A_106 = tpu.memref_slice %arg4[%arg1, %dma_wait3A_104, %dma_wait3A_105] : memref<16x160x128xi32, #tpu.memory_space<hbm>> -> memref<1x160x128xi32, #tpu.memory_space<hbm>>
      %dma_wait3A_107 = tpu.memref_squeeze %dma_wait3A_106 : memref<1x160x128xi32, #tpu.memory_space<hbm>> -> memref<160x128xi32, #tpu.memory_space<hbm>>
      %dma_wait3A_108 = arith.constant 0 : i32
      %dma_wait3A_109 = arith.constant 0 : i32
      %dma_wait3A_110 = tpu.memref_slice %arg4[%arg1, %dma_wait3A_108, %dma_wait3A_109] : memref<16x160x128xi32, #tpu.memory_space<hbm>> -> memref<1x160x128xi32, #tpu.memory_space<hbm>>
      %dma_wait3A_111 = tpu.memref_squeeze %dma_wait3A_110 : memref<1x160x128xi32, #tpu.memory_space<hbm>> -> memref<160x128xi32, #tpu.memory_space<hbm>>
      tpu.wait_dma2 semaphore(%run_scoped3A : memref<!tpu.dma_semaphore, #tpu.memory_space<semaphore_mem>>) src(%dma_wait3A_111 : memref<160x128xi32, #tpu.memory_space<hbm>>) dst(%arg7 : memref<160x128xi32, #tpu.memory_space<vmem>>)
      tpu.yield
    }) : () -> ()
    %scan3A_4 = arith.constant 0 : i32
    %scan3A_5 = arith.constant 5 : i32
    %scan3A_6 = arith.addi %scan3A_4, %scan3A_5 : i32
    %scan3A_7 = arith.constant 1 : i32
    scf.for %scan3A_96 = %scan3A_4 to %scan3A_6 step %scan3A_7  : i32 {
      %mul3A_97 = arith.constant 128 : i32
      %mul3A_98 = arith.muli %scan3A_96, %mul3A_97 : i32
      %add3A = arith.constant 0 : i32
      %add3A_99 = arith.addi %add3A, %mul3A_98 : i32
      %mul3A_100 = arith.constant 640 : i32
      %mul3A_101 = arith.muli %arg1, %mul3A_100 : i32
      %add3A_102 = arith.addi %mul3A_101, %add3A_99 : i32
      "tpu.region"() ({
        %run_scoped3A = tpu.sem_alloc : memref<!tpu.dma_semaphore, #tpu.memory_space<semaphore_mem>>
        %dma_start3A_103 = arith.constant 0 : i32
        %dma_start3A_104 = tpu.memref_slice %arg10[%add3A_102, %dma_start3A_103] : memref<10240x64xf32, #tpu.memory_space<vmem_shared>> -> memref<128x64xf32, #tpu.memory_space<vmem_shared>>
        %dma_start3A_105 = arith.constant 0 : i32
        %dma_start3A_106 = tpu.memref_slice %arg10[%add3A_102, %dma_start3A_105] : memref<10240x64xf32, #tpu.memory_space<vmem_shared>> -> memref<128x64xf32, #tpu.memory_space<vmem_shared>>
        tpu.enqueue_dma source(%arg9 : memref<128x64xf32, #tpu.memory_space<vmem>>) target(%dma_start3A_106 : memref<128x64xf32, #tpu.memory_space<vmem_shared>>) target_semaphore(%run_scoped3A : memref<!tpu.dma_semaphore, #tpu.memory_space<semaphore_mem>>)
        %dma_wait3A_107 = arith.constant 0 : i32
        %dma_wait3A_108 = tpu.memref_slice %arg10[%add3A_102, %dma_wait3A_107] : memref<10240x64xf32, #tpu.memory_space<vmem_shared>> -> memref<128x64xf32, #tpu.memory_space<vmem_shared>>
        %dma_wait3A_109 = arith.constant 0 : i32
        %dma_wait3A_110 = tpu.memref_slice %arg10[%add3A_102, %dma_wait3A_109] : memref<10240x64xf32, #tpu.memory_space<vmem_shared>> -> memref<128x64xf32, #tpu.memory_space<vmem_shared>>
        tpu.wait_dma2 semaphore(%run_scoped3A : memref<!tpu.dma_semaphore, #tpu.memory_space<semaphore_mem>>) src(%arg9 : memref<128x64xf32, #tpu.memory_space<vmem>>) dst(%dma_wait3A_110 : memref<128x64xf32, #tpu.memory_space<vmem_shared>>)
        tpu.yield
      }) : () -> ()
    }
    %scan3A_8 = arith.constant 5 : i32
    %barrier3A = arith.constant 0 : index
    tpu.barrier barrier_id(%barrier3A)
    %dma_start3A = arith.constant 0 : i32
    %dma_start3A_9 = arith.constant 0 : i32
    %dma_start3A_10 = arith.constant 0 : i32
    %dma_start3A_11 = arith.constant 0 : i32
    %dma_start3A_12 = tpu.memref_slice %arg8[%dma_start3A_9, %dma_start3A_10, %dma_start3A_11] : memref<4x128x64xf32, #tpu.memory_space<vmem>> -> memref<1x128x64xf32, #tpu.memory_space<vmem>>
    %dma_start3A_13 = tpu.memref_squeeze %dma_start3A_12 : memref<1x128x64xf32, #tpu.memory_space<vmem>> -> memref<128x64xf32, #tpu.memory_space<vmem>>
    %dma_start3A_14 = arith.constant 0 : i32
    %dma_start3A_15 = tpu.memref_slice %arg6[%dma_start3A, %dma_start3A_14] : memref<160x128xi32, #tpu.memory_space<vmem>> -> memref<1x128xi32, #tpu.memory_space<vmem>>
    %dma_start3A_16 = tpu.memref_squeeze %dma_start3A_15 : memref<1x128xi32, #tpu.memory_space<vmem>> -> memref<128xi32, #tpu.memory_space<vmem>>
    %dma_start3A_17 = arith.constant 0 : i32
    %dma_start3A_18 = arith.constant 0 : i32
    %dma_start3A_19 = tpu.memref_slice %arg2[%arg0, %dma_start3A_17, %dma_start3A_18] : memref<2x10240x64xf32, #tpu.memory_space<hbm>> -> memref<1x10240x64xf32, #tpu.memory_space<hbm>>
    %dma_start3A_20 = tpu.memref_squeeze %dma_start3A_19 : memref<1x10240x64xf32, #tpu.memory_space<hbm>> -> memref<10240x64xf32, #tpu.memory_space<hbm>>
    %dma_start3A_21 = arith.constant 0 : i32
    %dma_start3A_22 = arith.constant 0 : i32
    %dma_start3A_23 = tpu.memref_slice %dma_start3A_20[%dma_start3A_21, %dma_start3A_22] : memref<10240x64xf32, #tpu.memory_space<hbm>> -> memref<10240x64xf32, #tpu.memory_space<hbm>>
    tpu.enqueue_indirect_dma source(%dma_start3A_23 : memref<10240x64xf32, #tpu.memory_space<hbm>>) target(%dma_start3A_13 : memref<128x64xf32, #tpu.memory_space<vmem>>) offsets(%dma_start3A_16 : memref<128xi32, #tpu.memory_space<vmem>>) semaphore(%arg11 : memref<!tpu.dma_semaphore, #tpu.memory_space<semaphore_mem>>)
    %dma_start3A_24 = arith.constant 1 : i32
    %dma_start3A_25 = arith.constant 1 : i32
    %dma_start3A_26 = arith.constant 0 : i32
    %dma_start3A_27 = arith.constant 0 : i32
    %dma_start3A_28 = tpu.memref_slice %arg8[%dma_start3A_25, %dma_start3A_26, %dma_start3A_27] : memref<4x128x64xf32, #tpu.memory_space<vmem>> -> memref<1x128x64xf32, #tpu.memory_space<vmem>>
    %dma_start3A_29 = tpu.memref_squeeze %dma_start3A_28 : memref<1x128x64xf32, #tpu.memory_space<vmem>> -> memref<128x64xf32, #tpu.memory_space<vmem>>
    %dma_start3A_30 = arith.constant 0 : i32
    %dma_start3A_31 = tpu.memref_slice %arg6[%dma_start3A_24, %dma_start3A_30] : memref<160x128xi32, #tpu.memory_space<vmem>> -> memref<1x128xi32, #tpu.memory_space<vmem>>
    %dma_start3A_32 = tpu.memref_squeeze %dma_start3A_31 : memref<1x128xi32, #tpu.memory_space<vmem>> -> memref<128xi32, #tpu.memory_space<vmem>>
    %dma_start3A_33 = arith.constant 0 : i32
    %dma_start3A_34 = arith.constant 0 : i32
    %dma_start3A_35 = tpu.memref_slice %arg2[%arg0, %dma_start3A_33, %dma_start3A_34] : memref<2x10240x64xf32, #tpu.memory_space<hbm>> -> memref<1x10240x64xf32, #tpu.memory_space<hbm>>
    %dma_start3A_36 = tpu.memref_squeeze %dma_start3A_35 : memref<1x10240x64xf32, #tpu.memory_space<hbm>> -> memref<10240x64xf32, #tpu.memory_space<hbm>>
    %dma_start3A_37 = arith.constant 0 : i32
    %dma_start3A_38 = arith.constant 0 : i32
    %dma_start3A_39 = tpu.memref_slice %dma_start3A_36[%dma_start3A_37, %dma_start3A_38] : memref<10240x64xf32, #tpu.memory_space<hbm>> -> memref<10240x64xf32, #tpu.memory_space<hbm>>
    tpu.enqueue_indirect_dma source(%dma_start3A_39 : memref<10240x64xf32, #tpu.memory_space<hbm>>) target(%dma_start3A_29 : memref<128x64xf32, #tpu.memory_space<vmem>>) offsets(%dma_start3A_32 : memref<128xi32, #tpu.memory_space<vmem>>) semaphore(%arg12 : memref<!tpu.dma_semaphore, #tpu.memory_space<semaphore_mem>>)
    %scan3A_40 = arith.constant 0 : i32
    %scan3A_41 = arith.constant 40 : i32
    %scan3A_42 = arith.addi %scan3A_40, %scan3A_41 : i32
    %scan3A_43 = arith.constant 1 : i32
    scf.for %scan3A_96 = %scan3A_40 to %scan3A_42 step %scan3A_43  : i32 {
      %mul3A_97 = arith.constant 4 : i32
      %mul3A_98 = arith.muli %scan3A_96, %mul3A_97 : i32
      %add3A = arith.constant 0 : i32
      %add3A_99 = arith.addi %add3A, %mul3A_98 : i32
      %add3A_100 = arith.constant 0 : i32
      %add3A_101 = arith.addi %add3A_99, %add3A_100 : i32
      %dma_wait3A_102 = arith.constant 0 : i32
      %dma_wait3A_103 = arith.constant 0 : i32
      %dma_wait3A_104 = arith.constant 0 : i32
      %dma_wait3A_105 = tpu.memref_slice %arg8[%dma_wait3A_102, %dma_wait3A_103, %dma_wait3A_104] : memref<4x128x64xf32, #tpu.memory_space<vmem>> -> memref<1x128x64xf32, #tpu.memory_space<vmem>>
      %dma_wait3A_106 = tpu.memref_squeeze %dma_wait3A_105 : memref<1x128x64xf32, #tpu.memory_space<vmem>> -> memref<128x64xf32, #tpu.memory_space<vmem>>
      %dma_wait3A_107 = arith.constant 0 : i32
      %dma_wait3A_108 = tpu.memref_slice %arg6[%add3A_101, %dma_wait3A_107] : memref<160x128xi32, #tpu.memory_space<vmem>> -> memref<1x128xi32, #tpu.memory_space<vmem>>
      %dma_wait3A_109 = tpu.memref_squeeze %dma_wait3A_108 : memref<1x128xi32, #tpu.memory_space<vmem>> -> memref<128xi32, #tpu.memory_space<vmem>>
      %dma_wait3A_110 = arith.constant 0 : i32
      %dma_wait3A_111 = arith.constant 0 : i32
      %dma_wait3A_112 = tpu.memref_slice %arg2[%arg0, %dma_wait3A_110, %dma_wait3A_111] : memref<2x10240x64xf32, #tpu.memory_space<hbm>> -> memref<1x10240x64xf32, #tpu.memory_space<hbm>>
      %dma_wait3A_113 = tpu.memref_squeeze %dma_wait3A_112 : memref<1x10240x64xf32, #tpu.memory_space<hbm>> -> memref<10240x64xf32, #tpu.memory_space<hbm>>
      %dma_wait3A_114 = arith.constant 0 : i32
      %dma_wait3A_115 = arith.constant 0 : i32
      %dma_wait3A_116 = tpu.memref_slice %dma_wait3A_113[%dma_wait3A_114, %dma_wait3A_115] : memref<10240x64xf32, #tpu.memory_space<hbm>> -> memref<10240x64xf32, #tpu.memory_space<hbm>>
      tpu.wait_indirect_dma semaphore(%arg11 : memref<!tpu.dma_semaphore, #tpu.memory_space<semaphore_mem>>) src(%dma_wait3A_116 : memref<10240x64xf32, #tpu.memory_space<hbm>>) dst(%dma_wait3A_106 : memref<128x64xf32, #tpu.memory_space<vmem>>)
      %dma_start3A_117 = arith.constant 0 : i32
      %dma_start3A_118 = arith.constant 0 : i32
      %dma_start3A_119 = arith.constant 0 : i32
      %dma_start3A_120 = tpu.memref_slice %arg8[%dma_start3A_117, %dma_start3A_118, %dma_start3A_119] : memref<4x128x64xf32, #tpu.memory_space<vmem>> -> memref<1x128x64xf32, #tpu.memory_space<vmem>>
      %dma_start3A_121 = tpu.memref_squeeze %dma_start3A_120 : memref<1x128x64xf32, #tpu.memory_space<vmem>> -> memref<128x64xf32, #tpu.memory_space<vmem>>
      %dma_start3A_122 = arith.constant 0 : i32
      %dma_start3A_123 = tpu.memref_slice %arg7[%add3A_101, %dma_start3A_122] : memref<160x128xi32, #tpu.memory_space<vmem>> -> memref<1x128xi32, #tpu.memory_space<vmem>>
      %dma_start3A_124 = tpu.memref_squeeze %dma_start3A_123 : memref<1x128xi32, #tpu.memory_space<vmem>> -> memref<128xi32, #tpu.memory_space<vmem>>
      %dma_start3A_125 = arith.constant 0 : i32
      %dma_start3A_126 = arith.constant 0 : i32
      %dma_start3A_127 = tpu.memref_slice %arg10[%dma_start3A_125, %dma_start3A_126] : memref<10240x64xf32, #tpu.memory_space<vmem_shared>> -> memref<10240x64xf32, #tpu.memory_space<vmem_shared>>
      tpu.enqueue_indirect_dma source(%dma_start3A_121 : memref<128x64xf32, #tpu.memory_space<vmem>>) target(%dma_start3A_127 : memref<10240x64xf32, #tpu.memory_space<vmem_shared>>) offsets(%dma_start3A_124 : memref<128xi32, #tpu.memory_space<vmem>>) semaphore(%arg15 : memref<!tpu.dma_semaphore, #tpu.memory_space<semaphore_mem>>) {add = true}
      %add3A_128 = arith.constant 2 : i32
      %add3A_129 = arith.addi %add3A_101, %add3A_128 : i32
      %lt3A = arith.constant 160 : i32
      %lt3A_130 = arith.cmpi slt, %add3A_129, %lt3A : i32
      %convert_element_type3A = arith.extui %lt3A_130 : i1 to i32
      %cond3A = arith.constant 0 : i32
      %cond3A_131 = arith.cmpi ne, %convert_element_type3A, %cond3A : i32
      scf.if %cond3A_131 {
        %ge3A = arith.constant 2 : i32
        %ge3A_237 = arith.cmpi sge, %add3A_101, %ge3A : i32
        %convert_element_type3A_238 = arith.extui %ge3A_237 : i1 to i32
        %cond3A_239 = arith.constant 0 : i32
        %cond3A_240 = arith.cmpi ne, %convert_element_type3A_238, %cond3A_239 : i32
        scf.if %cond3A_240 {
          %sub3A = arith.constant 2 : i32
          %sub3A_258 = arith.subi %add3A_101, %sub3A : i32
          %dma_wait3A_259 = arith.constant 2 : i32
          %dma_wait3A_260 = arith.constant 0 : i32
          %dma_wait3A_261 = arith.constant 0 : i32
          %dma_wait3A_262 = tpu.memref_slice %arg8[%dma_wait3A_259, %dma_wait3A_260, %dma_wait3A_261] : memref<4x128x64xf32, #tpu.memory_space<vmem>> -> memref<1x128x64xf32, #tpu.memory_space<vmem>>
          %dma_wait3A_263 = tpu.memref_squeeze %dma_wait3A_262 : memref<1x128x64xf32, #tpu.memory_space<vmem>> -> memref<128x64xf32, #tpu.memory_space<vmem>>
          %dma_wait3A_264 = arith.constant 0 : i32
          %dma_wait3A_265 = tpu.memref_slice %arg7[%sub3A_258, %dma_wait3A_264] : memref<160x128xi32, #tpu.memory_space<vmem>> -> memref<1x128xi32, #tpu.memory_space<vmem>>
          %dma_wait3A_266 = tpu.memref_squeeze %dma_wait3A_265 : memref<1x128xi32, #tpu.memory_space<vmem>> -> memref<128xi32, #tpu.memory_space<vmem>>
          %dma_wait3A_267 = arith.constant 0 : i32
          %dma_wait3A_268 = arith.constant 0 : i32
          %dma_wait3A_269 = tpu.memref_slice %arg10[%dma_wait3A_267, %dma_wait3A_268] : memref<10240x64xf32, #tpu.memory_space<vmem_shared>> -> memref<10240x64xf32, #tpu.memory_space<vmem_shared>>
          tpu.wait_indirect_dma semaphore(%arg17 : memref<!tpu.dma_semaphore, #tpu.memory_space<semaphore_mem>>) src(%dma_wait3A_263 : memref<128x64xf32, #tpu.memory_space<vmem>>) dst(%dma_wait3A_269 : memref<10240x64xf32, #tpu.memory_space<vmem_shared>>)
        } else {
        }
        %add3A_241 = arith.constant 2 : i32
        %add3A_242 = arith.addi %add3A_101, %add3A_241 : i32
        %dma_start3A_243 = arith.constant 2 : i32
        %dma_start3A_244 = arith.constant 0 : i32
        %dma_start3A_245 = arith.constant 0 : i32
        %dma_start3A_246 = tpu.memref_slice %arg8[%dma_start3A_243, %dma_start3A_244, %dma_start3A_245] : memref<4x128x64xf32, #tpu.memory_space<vmem>> -> memref<1x128x64xf32, #tpu.memory_space<vmem>>
        %dma_start3A_247 = tpu.memref_squeeze %dma_start3A_246 : memref<1x128x64xf32, #tpu.memory_space<vmem>> -> memref<128x64xf32, #tpu.memory_space<vmem>>
        %dma_start3A_248 = arith.constant 0 : i32
        %dma_start3A_249 = tpu.memref_slice %arg6[%add3A_242, %dma_start3A_248] : memref<160x128xi32, #tpu.memory_space<vmem>> -> memref<1x128xi32, #tpu.memory_space<vmem>>
        %dma_start3A_250 = tpu.memref_squeeze %dma_start3A_249 : memref<1x128xi32, #tpu.memory_space<vmem>> -> memref<128xi32, #tpu.memory_space<vmem>>
        %dma_start3A_251 = arith.constant 0 : i32
        %dma_start3A_252 = arith.constant 0 : i32
        %dma_start3A_253 = tpu.memref_slice %arg2[%arg0, %dma_start3A_251, %dma_start3A_252] : memref<2x10240x64xf32, #tpu.memory_space<hbm>> -> memref<1x10240x64xf32, #tpu.memory_space<hbm>>
        %dma_start3A_254 = tpu.memref_squeeze %dma_start3A_253 : memref<1x10240x64xf32, #tpu.memory_space<hbm>> -> memref<10240x64xf32, #tpu.memory_space<hbm>>
        %dma_start3A_255 = arith.constant 0 : i32
        %dma_start3A_256 = arith.constant 0 : i32
        %dma_start3A_257 = tpu.memref_slice %dma_start3A_254[%dma_start3A_255, %dma_start3A_256] : memref<10240x64xf32, #tpu.memory_space<hbm>> -> memref<10240x64xf32, #tpu.memory_space<hbm>>
        tpu.enqueue_indirect_dma source(%dma_start3A_257 : memref<10240x64xf32, #tpu.memory_space<hbm>>) target(%dma_start3A_247 : memref<128x64xf32, #tpu.memory_space<vmem>>) offsets(%dma_start3A_250 : memref<128xi32, #tpu.memory_space<vmem>>) semaphore(%arg13 : memref<!tpu.dma_semaphore, #tpu.memory_space<semaphore_mem>>)
      } else {
      }
      %add3A_132 = arith.constant 1 : i32
      %add3A_133 = arith.addi %add3A_99, %add3A_132 : i32
      %dma_wait3A_134 = arith.constant 1 : i32
      %dma_wait3A_135 = arith.constant 0 : i32
      %dma_wait3A_136 = arith.constant 0 : i32
      %dma_wait3A_137 = tpu.memref_slice %arg8[%dma_wait3A_134, %dma_wait3A_135, %dma_wait3A_136] : memref<4x128x64xf32, #tpu.memory_space<vmem>> -> memref<1x128x64xf32, #tpu.memory_space<vmem>>
      %dma_wait3A_138 = tpu.memref_squeeze %dma_wait3A_137 : memref<1x128x64xf32, #tpu.memory_space<vmem>> -> memref<128x64xf32, #tpu.memory_space<vmem>>
      %dma_wait3A_139 = arith.constant 0 : i32
      %dma_wait3A_140 = tpu.memref_slice %arg6[%add3A_133, %dma_wait3A_139] : memref<160x128xi32, #tpu.memory_space<vmem>> -> memref<1x128xi32, #tpu.memory_space<vmem>>
      %dma_wait3A_141 = tpu.memref_squeeze %dma_wait3A_140 : memref<1x128xi32, #tpu.memory_space<vmem>> -> memref<128xi32, #tpu.memory_space<vmem>>
      %dma_wait3A_142 = arith.constant 0 : i32
      %dma_wait3A_143 = arith.constant 0 : i32
      %dma_wait3A_144 = tpu.memref_slice %arg2[%arg0, %dma_wait3A_142, %dma_wait3A_143] : memref<2x10240x64xf32, #tpu.memory_space<hbm>> -> memref<1x10240x64xf32, #tpu.memory_space<hbm>>
      %dma_wait3A_145 = tpu.memref_squeeze %dma_wait3A_144 : memref<1x10240x64xf32, #tpu.memory_space<hbm>> -> memref<10240x64xf32, #tpu.memory_space<hbm>>
      %dma_wait3A_146 = arith.constant 0 : i32
      %dma_wait3A_147 = arith.constant 0 : i32
      %dma_wait3A_148 = tpu.memref_slice %dma_wait3A_145[%dma_wait3A_146, %dma_wait3A_147] : memref<10240x64xf32, #tpu.memory_space<hbm>> -> memref<10240x64xf32, #tpu.memory_space<hbm>>
      tpu.wait_indirect_dma semaphore(%arg12 : memref<!tpu.dma_semaphore, #tpu.memory_space<semaphore_mem>>) src(%dma_wait3A_148 : memref<10240x64xf32, #tpu.memory_space<hbm>>) dst(%dma_wait3A_138 : memref<128x64xf32, #tpu.memory_space<vmem>>)
      %dma_start3A_149 = arith.constant 1 : i32
      %dma_start3A_150 = arith.constant 0 : i32
      %dma_start3A_151 = arith.constant 0 : i32
      %dma_start3A_152 = tpu.memref_slice %arg8[%dma_start3A_149, %dma_start3A_150, %dma_start3A_151] : memref<4x128x64xf32, #tpu.memory_space<vmem>> -> memref<1x128x64xf32, #tpu.memory_space<vmem>>
      %dma_start3A_153 = tpu.memref_squeeze %dma_start3A_152 : memref<1x128x64xf32, #tpu.memory_space<vmem>> -> memref<128x64xf32, #tpu.memory_space<vmem>>
      %dma_start3A_154 = arith.constant 0 : i32
      %dma_start3A_155 = tpu.memref_slice %arg7[%add3A_133, %dma_start3A_154] : memref<160x128xi32, #tpu.memory_space<vmem>> -> memref<1x128xi32, #tpu.memory_space<vmem>>
      %dma_start3A_156 = tpu.memref_squeeze %dma_start3A_155 : memref<1x128xi32, #tpu.memory_space<vmem>> -> memref<128xi32, #tpu.memory_space<vmem>>
      %dma_start3A_157 = arith.constant 0 : i32
      %dma_start3A_158 = arith.constant 0 : i32
      %dma_start3A_159 = tpu.memref_slice %arg10[%dma_start3A_157, %dma_start3A_158] : memref<10240x64xf32, #tpu.memory_space<vmem_shared>> -> memref<10240x64xf32, #tpu.memory_space<vmem_shared>>
      tpu.enqueue_indirect_dma source(%dma_start3A_153 : memref<128x64xf32, #tpu.memory_space<vmem>>) target(%dma_start3A_159 : memref<10240x64xf32, #tpu.memory_space<vmem_shared>>) offsets(%dma_start3A_156 : memref<128xi32, #tpu.memory_space<vmem>>) semaphore(%arg16 : memref<!tpu.dma_semaphore, #tpu.memory_space<semaphore_mem>>) {add = true}
      %add3A_160 = arith.constant 2 : i32
      %add3A_161 = arith.addi %add3A_133, %add3A_160 : i32
      %lt3A_162 = arith.constant 160 : i32
      %lt3A_163 = arith.cmpi slt, %add3A_161, %lt3A_162 : i32
      %convert_element_type3A_164 = arith.extui %lt3A_163 : i1 to i32
      %cond3A_165 = arith.constant 0 : i32
      %cond3A_166 = arith.cmpi ne, %convert_element_type3A_164, %cond3A_165 : i32
      scf.if %cond3A_166 {
        %ge3A = arith.constant 2 : i32
        %ge3A_237 = arith.cmpi sge, %add3A_133, %ge3A : i32
        %convert_element_type3A_238 = arith.extui %ge3A_237 : i1 to i32
        %cond3A_239 = arith.constant 0 : i32
        %cond3A_240 = arith.cmpi ne, %convert_element_type3A_238, %cond3A_239 : i32
        scf.if %cond3A_240 {
          %sub3A = arith.constant 2 : i32
          %sub3A_258 = arith.subi %add3A_133, %sub3A : i32
          %dma_wait3A_259 = arith.constant 3 : i32
          %dma_wait3A_260 = arith.constant 0 : i32
          %dma_wait3A_261 = arith.constant 0 : i32
          %dma_wait3A_262 = tpu.memref_slice %arg8[%dma_wait3A_259, %dma_wait3A_260, %dma_wait3A_261] : memref<4x128x64xf32, #tpu.memory_space<vmem>> -> memref<1x128x64xf32, #tpu.memory_space<vmem>>
          %dma_wait3A_263 = tpu.memref_squeeze %dma_wait3A_262 : memref<1x128x64xf32, #tpu.memory_space<vmem>> -> memref<128x64xf32, #tpu.memory_space<vmem>>
          %dma_wait3A_264 = arith.constant 0 : i32
          %dma_wait3A_265 = tpu.memref_slice %arg7[%sub3A_258, %dma_wait3A_264] : memref<160x128xi32, #tpu.memory_space<vmem>> -> memref<1x128xi32, #tpu.memory_space<vmem>>
          %dma_wait3A_266 = tpu.memref_squeeze %dma_wait3A_265 : memref<1x128xi32, #tpu.memory_space<vmem>> -> memref<128xi32, #tpu.memory_space<vmem>>
          %dma_wait3A_267 = arith.constant 0 : i32
          %dma_wait3A_268 = arith.constant 0 : i32
          %dma_wait3A_269 = tpu.memref_slice %arg10[%dma_wait3A_267, %dma_wait3A_268] : memref<10240x64xf32, #tpu.memory_space<vmem_shared>> -> memref<10240x64xf32, #tpu.memory_space<vmem_shared>>
          tpu.wait_indirect_dma semaphore(%arg18 : memref<!tpu.dma_semaphore, #tpu.memory_space<semaphore_mem>>) src(%dma_wait3A_263 : memref<128x64xf32, #tpu.memory_space<vmem>>) dst(%dma_wait3A_269 : memref<10240x64xf32, #tpu.memory_space<vmem_shared>>)
        } else {
        }
        %add3A_241 = arith.constant 2 : i32
        %add3A_242 = arith.addi %add3A_133, %add3A_241 : i32
        %dma_start3A_243 = arith.constant 3 : i32
        %dma_start3A_244 = arith.constant 0 : i32
        %dma_start3A_245 = arith.constant 0 : i32
        %dma_start3A_246 = tpu.memref_slice %arg8[%dma_start3A_243, %dma_start3A_244, %dma_start3A_245] : memref<4x128x64xf32, #tpu.memory_space<vmem>> -> memref<1x128x64xf32, #tpu.memory_space<vmem>>
        %dma_start3A_247 = tpu.memref_squeeze %dma_start3A_246 : memref<1x128x64xf32, #tpu.memory_space<vmem>> -> memref<128x64xf32, #tpu.memory_space<vmem>>
        %dma_start3A_248 = arith.constant 0 : i32
        %dma_start3A_249 = tpu.memref_slice %arg6[%add3A_242, %dma_start3A_248] : memref<160x128xi32, #tpu.memory_space<vmem>> -> memref<1x128xi32, #tpu.memory_space<vmem>>
        %dma_start3A_250 = tpu.memref_squeeze %dma_start3A_249 : memref<1x128xi32, #tpu.memory_space<vmem>> -> memref<128xi32, #tpu.memory_space<vmem>>
        %dma_start3A_251 = arith.constant 0 : i32
        %dma_start3A_252 = arith.constant 0 : i32
        %dma_start3A_253 = tpu.memref_slice %arg2[%arg0, %dma_start3A_251, %dma_start3A_252] : memref<2x10240x64xf32, #tpu.memory_space<hbm>> -> memref<1x10240x64xf32, #tpu.memory_space<hbm>>
        %dma_start3A_254 = tpu.memref_squeeze %dma_start3A_253 : memref<1x10240x64xf32, #tpu.memory_space<hbm>> -> memref<10240x64xf32, #tpu.memory_space<hbm>>
        %dma_start3A_255 = arith.constant 0 : i32
        %dma_start3A_256 = arith.constant 0 : i32
        %dma_start3A_257 = tpu.memref_slice %dma_start3A_254[%dma_start3A_255, %dma_start3A_256] : memref<10240x64xf32, #tpu.memory_space<hbm>> -> memref<10240x64xf32, #tpu.memory_space<hbm>>
        tpu.enqueue_indirect_dma source(%dma_start3A_257 : memref<10240x64xf32, #tpu.memory_space<hbm>>) target(%dma_start3A_247 : memref<128x64xf32, #tpu.memory_space<vmem>>) offsets(%dma_start3A_250 : memref<128xi32, #tpu.memory_space<vmem>>) semaphore(%arg14 : memref<!tpu.dma_semaphore, #tpu.memory_space<semaphore_mem>>)
      } else {
      }
      %add3A_167 = arith.constant 2 : i32
      %add3A_168 = arith.addi %add3A_99, %add3A_167 : i32
      %dma_wait3A_169 = arith.constant 2 : i32
      %dma_wait3A_170 = arith.constant 0 : i32
      %dma_wait3A_171 = arith.constant 0 : i32
      %dma_wait3A_172 = tpu.memref_slice %arg8[%dma_wait3A_169, %dma_wait3A_170, %dma_wait3A_171] : memref<4x128x64xf32, #tpu.memory_space<vmem>> -> memref<1x128x64xf32, #tpu.memory_space<vmem>>
      %dma_wait3A_173 = tpu.memref_squeeze %dma_wait3A_172 : memref<1x128x64xf32, #tpu.memory_space<vmem>> -> memref<128x64xf32, #tpu.memory_space<vmem>>
      %dma_wait3A_174 = arith.constant 0 : i32
      %dma_wait3A_175 = tpu.memref_slice %arg6[%add3A_168, %dma_wait3A_174] : memref<160x128xi32, #tpu.memory_space<vmem>> -> memref<1x128xi32, #tpu.memory_space<vmem>>
      %dma_wait3A_176 = tpu.memref_squeeze %dma_wait3A_175 : memref<1x128xi32, #tpu.memory_space<vmem>> -> memref<128xi32, #tpu.memory_space<vmem>>
      %dma_wait3A_177 = arith.constant 0 : i32
      %dma_wait3A_178 = arith.constant 0 : i32
      %dma_wait3A_179 = tpu.memref_slice %arg2[%arg0, %dma_wait3A_177, %dma_wait3A_178] : memref<2x10240x64xf32, #tpu.memory_space<hbm>> -> memref<1x10240x64xf32, #tpu.memory_space<hbm>>
      %dma_wait3A_180 = tpu.memref_squeeze %dma_wait3A_179 : memref<1x10240x64xf32, #tpu.memory_space<hbm>> -> memref<10240x64xf32, #tpu.memory_space<hbm>>
      %dma_wait3A_181 = arith.constant 0 : i32
      %dma_wait3A_182 = arith.constant 0 : i32
      %dma_wait3A_183 = tpu.memref_slice %dma_wait3A_180[%dma_wait3A_181, %dma_wait3A_182] : memref<10240x64xf32, #tpu.memory_space<hbm>> -> memref<10240x64xf32, #tpu.memory_space<hbm>>
      tpu.wait_indirect_dma semaphore(%arg13 : memref<!tpu.dma_semaphore, #tpu.memory_space<semaphore_mem>>) src(%dma_wait3A_183 : memref<10240x64xf32, #tpu.memory_space<hbm>>) dst(%dma_wait3A_173 : memref<128x64xf32, #tpu.memory_space<vmem>>)
      %dma_start3A_184 = arith.constant 2 : i32
      %dma_start3A_185 = arith.constant 0 : i32
      %dma_start3A_186 = arith.constant 0 : i32
      %dma_start3A_187 = tpu.memref_slice %arg8[%dma_start3A_184, %dma_start3A_185, %dma_start3A_186] : memref<4x128x64xf32, #tpu.memory_space<vmem>> -> memref<1x128x64xf32, #tpu.memory_space<vmem>>
      %dma_start3A_188 = tpu.memref_squeeze %dma_start3A_187 : memref<1x128x64xf32, #tpu.memory_space<vmem>> -> memref<128x64xf32, #tpu.memory_space<vmem>>
      %dma_start3A_189 = arith.constant 0 : i32
      %dma_start3A_190 = tpu.memref_slice %arg7[%add3A_168, %dma_start3A_189] : memref<160x128xi32, #tpu.memory_space<vmem>> -> memref<1x128xi32, #tpu.memory_space<vmem>>
      %dma_start3A_191 = tpu.memref_squeeze %dma_start3A_190 : memref<1x128xi32, #tpu.memory_space<vmem>> -> memref<128xi32, #tpu.memory_space<vmem>>
      %dma_start3A_192 = arith.constant 0 : i32
      %dma_start3A_193 = arith.constant 0 : i32
      %dma_start3A_194 = tpu.memref_slice %arg10[%dma_start3A_192, %dma_start3A_193] : memref<10240x64xf32, #tpu.memory_space<vmem_shared>> -> memref<10240x64xf32, #tpu.memory_space<vmem_shared>>
      tpu.enqueue_indirect_dma source(%dma_start3A_188 : memref<128x64xf32, #tpu.memory_space<vmem>>) target(%dma_start3A_194 : memref<10240x64xf32, #tpu.memory_space<vmem_shared>>) offsets(%dma_start3A_191 : memref<128xi32, #tpu.memory_space<vmem>>) semaphore(%arg17 : memref<!tpu.dma_semaphore, #tpu.memory_space<semaphore_mem>>) {add = true}
      %add3A_195 = arith.constant 2 : i32
      %add3A_196 = arith.addi %add3A_168, %add3A_195 : i32
      %lt3A_197 = arith.constant 160 : i32
      %lt3A_198 = arith.cmpi slt, %add3A_196, %lt3A_197 : i32
      %convert_element_type3A_199 = arith.extui %lt3A_198 : i1 to i32
      %cond3A_200 = arith.constant 0 : i32
      %cond3A_201 = arith.cmpi ne, %convert_element_type3A_199, %cond3A_200 : i32
      scf.if %cond3A_201 {
        %ge3A = arith.constant 2 : i32
        %ge3A_237 = arith.cmpi sge, %add3A_168, %ge3A : i32
        %convert_element_type3A_238 = arith.extui %ge3A_237 : i1 to i32
        %cond3A_239 = arith.constant 0 : i32
        %cond3A_240 = arith.cmpi ne, %convert_element_type3A_238, %cond3A_239 : i32
        scf.if %cond3A_240 {
          %sub3A = arith.constant 2 : i32
          %sub3A_258 = arith.subi %add3A_168, %sub3A : i32
          %dma_wait3A_259 = arith.constant 0 : i32
          %dma_wait3A_260 = arith.constant 0 : i32
          %dma_wait3A_261 = arith.constant 0 : i32
          %dma_wait3A_262 = tpu.memref_slice %arg8[%dma_wait3A_259, %dma_wait3A_260, %dma_wait3A_261] : memref<4x128x64xf32, #tpu.memory_space<vmem>> -> memref<1x128x64xf32, #tpu.memory_space<vmem>>
          %dma_wait3A_263 = tpu.memref_squeeze %dma_wait3A_262 : memref<1x128x64xf32, #tpu.memory_space<vmem>> -> memref<128x64xf32, #tpu.memory_space<vmem>>
          %dma_wait3A_264 = arith.constant 0 : i32
          %dma_wait3A_265 = tpu.memref_slice %arg7[%sub3A_258, %dma_wait3A_264] : memref<160x128xi32, #tpu.memory_space<vmem>> -> memref<1x128xi32, #tpu.memory_space<vmem>>
          %dma_wait3A_266 = tpu.memref_squeeze %dma_wait3A_265 : memref<1x128xi32, #tpu.memory_space<vmem>> -> memref<128xi32, #tpu.memory_space<vmem>>
          %dma_wait3A_267 = arith.constant 0 : i32
          %dma_wait3A_268 = arith.constant 0 : i32
          %dma_wait3A_269 = tpu.memref_slice %arg10[%dma_wait3A_267, %dma_wait3A_268] : memref<10240x64xf32, #tpu.memory_space<vmem_shared>> -> memref<10240x64xf32, #tpu.memory_space<vmem_shared>>
          tpu.wait_indirect_dma semaphore(%arg15 : memref<!tpu.dma_semaphore, #tpu.memory_space<semaphore_mem>>) src(%dma_wait3A_263 : memref<128x64xf32, #tpu.memory_space<vmem>>) dst(%dma_wait3A_269 : memref<10240x64xf32, #tpu.memory_space<vmem_shared>>)
        } else {
        }
        %add3A_241 = arith.constant 2 : i32
        %add3A_242 = arith.addi %add3A_168, %add3A_241 : i32
        %dma_start3A_243 = arith.constant 0 : i32
        %dma_start3A_244 = arith.constant 0 : i32
        %dma_start3A_245 = arith.constant 0 : i32
        %dma_start3A_246 = tpu.memref_slice %arg8[%dma_start3A_243, %dma_start3A_244, %dma_start3A_245] : memref<4x128x64xf32, #tpu.memory_space<vmem>> -> memref<1x128x64xf32, #tpu.memory_space<vmem>>
        %dma_start3A_247 = tpu.memref_squeeze %dma_start3A_246 : memref<1x128x64xf32, #tpu.memory_space<vmem>> -> memref<128x64xf32, #tpu.memory_space<vmem>>
        %dma_start3A_248 = arith.constant 0 : i32
        %dma_start3A_249 = tpu.memref_slice %arg6[%add3A_242, %dma_start3A_248] : memref<160x128xi32, #tpu.memory_space<vmem>> -> memref<1x128xi32, #tpu.memory_space<vmem>>
        %dma_start3A_250 = tpu.memref_squeeze %dma_start3A_249 : memref<1x128xi32, #tpu.memory_space<vmem>> -> memref<128xi32, #tpu.memory_space<vmem>>
        %dma_start3A_251 = arith.constant 0 : i32
        %dma_start3A_252 = arith.constant 0 : i32
        %dma_start3A_253 = tpu.memref_slice %arg2[%arg0, %dma_start3A_251, %dma_start3A_252] : memref<2x10240x64xf32, #tpu.memory_space<hbm>> -> memref<1x10240x64xf32, #tpu.memory_space<hbm>>
        %dma_start3A_254 = tpu.memref_squeeze %dma_start3A_253 : memref<1x10240x64xf32, #tpu.memory_space<hbm>> -> memref<10240x64xf32, #tpu.memory_space<hbm>>
        %dma_start3A_255 = arith.constant 0 : i32
        %dma_start3A_256 = arith.constant 0 : i32
        %dma_start3A_257 = tpu.memref_slice %dma_start3A_254[%dma_start3A_255, %dma_start3A_256] : memref<10240x64xf32, #tpu.memory_space<hbm>> -> memref<10240x64xf32, #tpu.memory_space<hbm>>
        tpu.enqueue_indirect_dma source(%dma_start3A_257 : memref<10240x64xf32, #tpu.memory_space<hbm>>) target(%dma_start3A_247 : memref<128x64xf32, #tpu.memory_space<vmem>>) offsets(%dma_start3A_250 : memref<128xi32, #tpu.memory_space<vmem>>) semaphore(%arg11 : memref<!tpu.dma_semaphore, #tpu.memory_space<semaphore_mem>>)
      } else {
      }
      %add3A_202 = arith.constant 3 : i32
      %add3A_203 = arith.addi %add3A_99, %add3A_202 : i32
      %dma_wait3A_204 = arith.constant 3 : i32
      %dma_wait3A_205 = arith.constant 0 : i32
      %dma_wait3A_206 = arith.constant 0 : i32
      %dma_wait3A_207 = tpu.memref_slice %arg8[%dma_wait3A_204, %dma_wait3A_205, %dma_wait3A_206] : memref<4x128x64xf32, #tpu.memory_space<vmem>> -> memref<1x128x64xf32, #tpu.memory_space<vmem>>
      %dma_wait3A_208 = tpu.memref_squeeze %dma_wait3A_207 : memref<1x128x64xf32, #tpu.memory_space<vmem>> -> memref<128x64xf32, #tpu.memory_space<vmem>>
      %dma_wait3A_209 = arith.constant 0 : i32
      %dma_wait3A_210 = tpu.memref_slice %arg6[%add3A_203, %dma_wait3A_209] : memref<160x128xi32, #tpu.memory_space<vmem>> -> memref<1x128xi32, #tpu.memory_space<vmem>>
      %dma_wait3A_211 = tpu.memref_squeeze %dma_wait3A_210 : memref<1x128xi32, #tpu.memory_space<vmem>> -> memref<128xi32, #tpu.memory_space<vmem>>
      %dma_wait3A_212 = arith.constant 0 : i32
      %dma_wait3A_213 = arith.constant 0 : i32
      %dma_wait3A_214 = tpu.memref_slice %arg2[%arg0, %dma_wait3A_212, %dma_wait3A_213] : memref<2x10240x64xf32, #tpu.memory_space<hbm>> -> memref<1x10240x64xf32, #tpu.memory_space<hbm>>
      %dma_wait3A_215 = tpu.memref_squeeze %dma_wait3A_214 : memref<1x10240x64xf32, #tpu.memory_space<hbm>> -> memref<10240x64xf32, #tpu.memory_space<hbm>>
      %dma_wait3A_216 = arith.constant 0 : i32
      %dma_wait3A_217 = arith.constant 0 : i32
      %dma_wait3A_218 = tpu.memref_slice %dma_wait3A_215[%dma_wait3A_216, %dma_wait3A_217] : memref<10240x64xf32, #tpu.memory_space<hbm>> -> memref<10240x64xf32, #tpu.memory_space<hbm>>
      tpu.wait_indirect_dma semaphore(%arg14 : memref<!tpu.dma_semaphore, #tpu.memory_space<semaphore_mem>>) src(%dma_wait3A_218 : memref<10240x64xf32, #tpu.memory_space<hbm>>) dst(%dma_wait3A_208 : memref<128x64xf32, #tpu.memory_space<vmem>>)
      %dma_start3A_219 = arith.constant 3 : i32
      %dma_start3A_220 = arith.constant 0 : i32
      %dma_start3A_221 = arith.constant 0 : i32
      %dma_start3A_222 = tpu.memref_slice %arg8[%dma_start3A_219, %dma_start3A_220, %dma_start3A_221] : memref<4x128x64xf32, #tpu.memory_space<vmem>> -> memref<1x128x64xf32, #tpu.memory_space<vmem>>
      %dma_start3A_223 = tpu.memref_squeeze %dma_start3A_222 : memref<1x128x64xf32, #tpu.memory_space<vmem>> -> memref<128x64xf32, #tpu.memory_space<vmem>>
      %dma_start3A_224 = arith.constant 0 : i32
      %dma_start3A_225 = tpu.memref_slice %arg7[%add3A_203, %dma_start3A_224] : memref<160x128xi32, #tpu.memory_space<vmem>> -> memref<1x128xi32, #tpu.memory_space<vmem>>
      %dma_start3A_226 = tpu.memref_squeeze %dma_start3A_225 : memref<1x128xi32, #tpu.memory_space<vmem>> -> memref<128xi32, #tpu.memory_space<vmem>>
      %dma_start3A_227 = arith.constant 0 : i32
      %dma_start3A_228 = arith.constant 0 : i32
      %dma_start3A_229 = tpu.memref_slice %arg10[%dma_start3A_227, %dma_start3A_228] : memref<10240x64xf32, #tpu.memory_space<vmem_shared>> -> memref<10240x64xf32, #tpu.memory_space<vmem_shared>>
      tpu.enqueue_indirect_dma source(%dma_start3A_223 : memref<128x64xf32, #tpu.memory_space<vmem>>) target(%dma_start3A_229 : memref<10240x64xf32, #tpu.memory_space<vmem_shared>>) offsets(%dma_start3A_226 : memref<128xi32, #tpu.memory_space<vmem>>) semaphore(%arg18 : memref<!tpu.dma_semaphore, #tpu.memory_space<semaphore_mem>>) {add = true}
      %add3A_230 = arith.constant 2 : i32
      %add3A_231 = arith.addi %add3A_203, %add3A_230 : i32
      %lt3A_232 = arith.constant 160 : i32
      %lt3A_233 = arith.cmpi slt, %add3A_231, %lt3A_232 : i32
      %convert_element_type3A_234 = arith.extui %lt3A_233 : i1 to i32
      %cond3A_235 = arith.constant 0 : i32
      %cond3A_236 = arith.cmpi ne, %convert_element_type3A_234, %cond3A_235 : i32
      scf.if %cond3A_236 {
        %ge3A = arith.constant 2 : i32
        %ge3A_237 = arith.cmpi sge, %add3A_203, %ge3A : i32
        %convert_element_type3A_238 = arith.extui %ge3A_237 : i1 to i32
        %cond3A_239 = arith.constant 0 : i32
        %cond3A_240 = arith.cmpi ne, %convert_element_type3A_238, %cond3A_239 : i32
        scf.if %cond3A_240 {
          %sub3A = arith.constant 2 : i32
          %sub3A_258 = arith.subi %add3A_203, %sub3A : i32
          %dma_wait3A_259 = arith.constant 1 : i32
          %dma_wait3A_260 = arith.constant 0 : i32
          %dma_wait3A_261 = arith.constant 0 : i32
          %dma_wait3A_262 = tpu.memref_slice %arg8[%dma_wait3A_259, %dma_wait3A_260, %dma_wait3A_261] : memref<4x128x64xf32, #tpu.memory_space<vmem>> -> memref<1x128x64xf32, #tpu.memory_space<vmem>>
          %dma_wait3A_263 = tpu.memref_squeeze %dma_wait3A_262 : memref<1x128x64xf32, #tpu.memory_space<vmem>> -> memref<128x64xf32, #tpu.memory_space<vmem>>
          %dma_wait3A_264 = arith.constant 0 : i32
          %dma_wait3A_265 = tpu.memref_slice %arg7[%sub3A_258, %dma_wait3A_264] : memref<160x128xi32, #tpu.memory_space<vmem>> -> memref<1x128xi32, #tpu.memory_space<vmem>>
          %dma_wait3A_266 = tpu.memref_squeeze %dma_wait3A_265 : memref<1x128xi32, #tpu.memory_space<vmem>> -> memref<128xi32, #tpu.memory_space<vmem>>
          %dma_wait3A_267 = arith.constant 0 : i32
          %dma_wait3A_268 = arith.constant 0 : i32
          %dma_wait3A_269 = tpu.memref_slice %arg10[%dma_wait3A_267, %dma_wait3A_268] : memref<10240x64xf32, #tpu.memory_space<vmem_shared>> -> memref<10240x64xf32, #tpu.memory_space<vmem_shared>>
          tpu.wait_indirect_dma semaphore(%arg16 : memref<!tpu.dma_semaphore, #tpu.memory_space<semaphore_mem>>) src(%dma_wait3A_263 : memref<128x64xf32, #tpu.memory_space<vmem>>) dst(%dma_wait3A_269 : memref<10240x64xf32, #tpu.memory_space<vmem_shared>>)
        } else {
        }
        %add3A_241 = arith.constant 2 : i32
        %add3A_242 = arith.addi %add3A_203, %add3A_241 : i32
        %dma_start3A_243 = arith.constant 1 : i32
        %dma_start3A_244 = arith.constant 0 : i32
        %dma_start3A_245 = arith.constant 0 : i32
        %dma_start3A_246 = tpu.memref_slice %arg8[%dma_start3A_243, %dma_start3A_244, %dma_start3A_245] : memref<4x128x64xf32, #tpu.memory_space<vmem>> -> memref<1x128x64xf32, #tpu.memory_space<vmem>>
        %dma_start3A_247 = tpu.memref_squeeze %dma_start3A_246 : memref<1x128x64xf32, #tpu.memory_space<vmem>> -> memref<128x64xf32, #tpu.memory_space<vmem>>
        %dma_start3A_248 = arith.constant 0 : i32
        %dma_start3A_249 = tpu.memref_slice %arg6[%add3A_242, %dma_start3A_248] : memref<160x128xi32, #tpu.memory_space<vmem>> -> memref<1x128xi32, #tpu.memory_space<vmem>>
        %dma_start3A_250 = tpu.memref_squeeze %dma_start3A_249 : memref<1x128xi32, #tpu.memory_space<vmem>> -> memref<128xi32, #tpu.memory_space<vmem>>
        %dma_start3A_251 = arith.constant 0 : i32
        %dma_start3A_252 = arith.constant 0 : i32
        %dma_start3A_253 = tpu.memref_slice %arg2[%arg0, %dma_start3A_251, %dma_start3A_252] : memref<2x10240x64xf32, #tpu.memory_space<hbm>> -> memref<1x10240x64xf32, #tpu.memory_space<hbm>>
        %dma_start3A_254 = tpu.memref_squeeze %dma_start3A_253 : memref<1x10240x64xf32, #tpu.memory_space<hbm>> -> memref<10240x64xf32, #tpu.memory_space<hbm>>
        %dma_start3A_255 = arith.constant 0 : i32
        %dma_start3A_256 = arith.constant 0 : i32
        %dma_start3A_257 = tpu.memref_slice %dma_start3A_254[%dma_start3A_255, %dma_start3A_256] : memref<10240x64xf32, #tpu.memory_space<hbm>> -> memref<10240x64xf32, #tpu.memory_space<hbm>>
        tpu.enqueue_indirect_dma source(%dma_start3A_257 : memref<10240x64xf32, #tpu.memory_space<hbm>>) target(%dma_start3A_247 : memref<128x64xf32, #tpu.memory_space<vmem>>) offsets(%dma_start3A_250 : memref<128xi32, #tpu.memory_space<vmem>>) semaphore(%arg12 : memref<!tpu.dma_semaphore, #tpu.memory_space<semaphore_mem>>)
      } else {
      }
    }
    %scan3A_44 = arith.constant 40 : i32
    %dma_wait3A = arith.constant 0 : i32
    %dma_wait3A_45 = arith.constant 156 : i32
    %dma_wait3A_46 = arith.constant 0 : i32
    %dma_wait3A_47 = arith.constant 0 : i32
    %dma_wait3A_48 = tpu.memref_slice %arg8[%dma_wait3A, %dma_wait3A_46, %dma_wait3A_47] : memref<4x128x64xf32, #tpu.memory_space<vmem>> -> memref<1x128x64xf32, #tpu.memory_space<vmem>>
    %dma_wait3A_49 = tpu.memref_squeeze %dma_wait3A_48 : memref<1x128x64xf32, #tpu.memory_space<vmem>> -> memref<128x64xf32, #tpu.memory_space<vmem>>
    %dma_wait3A_50 = arith.constant 0 : i32
    %dma_wait3A_51 = tpu.memref_slice %arg7[%dma_wait3A_45, %dma_wait3A_50] : memref<160x128xi32, #tpu.memory_space<vmem>> -> memref<1x128xi32, #tpu.memory_space<vmem>>
    %dma_wait3A_52 = tpu.memref_squeeze %dma_wait3A_51 : memref<1x128xi32, #tpu.memory_space<vmem>> -> memref<128xi32, #tpu.memory_space<vmem>>
    %dma_wait3A_53 = arith.constant 0 : i32
    %dma_wait3A_54 = arith.constant 0 : i32
    %dma_wait3A_55 = tpu.memref_slice %arg10[%dma_wait3A_53, %dma_wait3A_54] : memref<10240x64xf32, #tpu.memory_space<vmem_shared>> -> memref<10240x64xf32, #tpu.memory_space<vmem_shared>>
    tpu.wait_indirect_dma semaphore(%arg15 : memref<!tpu.dma_semaphore, #tpu.memory_space<semaphore_mem>>) src(%dma_wait3A_49 : memref<128x64xf32, #tpu.memory_space<vmem>>) dst(%dma_wait3A_55 : memref<10240x64xf32, #tpu.memory_space<vmem_shared>>)
    %dma_wait3A_56 = arith.constant 1 : i32
    %dma_wait3A_57 = arith.constant 157 : i32
    %dma_wait3A_58 = arith.constant 0 : i32
    %dma_wait3A_59 = arith.constant 0 : i32
    %dma_wait3A_60 = tpu.memref_slice %arg8[%dma_wait3A_56, %dma_wait3A_58, %dma_wait3A_59] : memref<4x128x64xf32, #tpu.memory_space<vmem>> -> memref<1x128x64xf32, #tpu.memory_space<vmem>>
    %dma_wait3A_61 = tpu.memref_squeeze %dma_wait3A_60 : memref<1x128x64xf32, #tpu.memory_space<vmem>> -> memref<128x64xf32, #tpu.memory_space<vmem>>
    %dma_wait3A_62 = arith.constant 0 : i32
    %dma_wait3A_63 = tpu.memref_slice %arg7[%dma_wait3A_57, %dma_wait3A_62] : memref<160x128xi32, #tpu.memory_space<vmem>> -> memref<1x128xi32, #tpu.memory_space<vmem>>
    %dma_wait3A_64 = tpu.memref_squeeze %dma_wait3A_63 : memref<1x128xi32, #tpu.memory_space<vmem>> -> memref<128xi32, #tpu.memory_space<vmem>>
    %dma_wait3A_65 = arith.constant 0 : i32
    %dma_wait3A_66 = arith.constant 0 : i32
    %dma_wait3A_67 = tpu.memref_slice %arg10[%dma_wait3A_65, %dma_wait3A_66] : memref<10240x64xf32, #tpu.memory_space<vmem_shared>> -> memref<10240x64xf32, #tpu.memory_space<vmem_shared>>
    tpu.wait_indirect_dma semaphore(%arg16 : memref<!tpu.dma_semaphore, #tpu.memory_space<semaphore_mem>>) src(%dma_wait3A_61 : memref<128x64xf32, #tpu.memory_space<vmem>>) dst(%dma_wait3A_67 : memref<10240x64xf32, #tpu.memory_space<vmem_shared>>)
    %dma_wait3A_68 = arith.constant 2 : i32
    %dma_wait3A_69 = arith.constant 158 : i32
    %dma_wait3A_70 = arith.constant 0 : i32
    %dma_wait3A_71 = arith.constant 0 : i32
    %dma_wait3A_72 = tpu.memref_slice %arg8[%dma_wait3A_68, %dma_wait3A_70, %dma_wait3A_71] : memref<4x128x64xf32, #tpu.memory_space<vmem>> -> memref<1x128x64xf32, #tpu.memory_space<vmem>>
    %dma_wait3A_73 = tpu.memref_squeeze %dma_wait3A_72 : memref<1x128x64xf32, #tpu.memory_space<vmem>> -> memref<128x64xf32, #tpu.memory_space<vmem>>
    %dma_wait3A_74 = arith.constant 0 : i32
    %dma_wait3A_75 = tpu.memref_slice %arg7[%dma_wait3A_69, %dma_wait3A_74] : memref<160x128xi32, #tpu.memory_space<vmem>> -> memref<1x128xi32, #tpu.memory_space<vmem>>
    %dma_wait3A_76 = tpu.memref_squeeze %dma_wait3A_75 : memref<1x128xi32, #tpu.memory_space<vmem>> -> memref<128xi32, #tpu.memory_space<vmem>>
    %dma_wait3A_77 = arith.constant 0 : i32
    %dma_wait3A_78 = arith.constant 0 : i32
    %dma_wait3A_79 = tpu.memref_slice %arg10[%dma_wait3A_77, %dma_wait3A_78] : memref<10240x64xf32, #tpu.memory_space<vmem_shared>> -> memref<10240x64xf32, #tpu.memory_space<vmem_shared>>
    tpu.wait_indirect_dma semaphore(%arg17 : memref<!tpu.dma_semaphore, #tpu.memory_space<semaphore_mem>>) src(%dma_wait3A_73 : memref<128x64xf32, #tpu.memory_space<vmem>>) dst(%dma_wait3A_79 : memref<10240x64xf32, #tpu.memory_space<vmem_shared>>)
    %dma_wait3A_80 = arith.constant 3 : i32
    %dma_wait3A_81 = arith.constant 159 : i32
    %dma_wait3A_82 = arith.constant 0 : i32
    %dma_wait3A_83 = arith.constant 0 : i32
    %dma_wait3A_84 = tpu.memref_slice %arg8[%dma_wait3A_80, %dma_wait3A_82, %dma_wait3A_83] : memref<4x128x64xf32, #tpu.memory_space<vmem>> -> memref<1x128x64xf32, #tpu.memory_space<vmem>>
    %dma_wait3A_85 = tpu.memref_squeeze %dma_wait3A_84 : memref<1x128x64xf32, #tpu.memory_space<vmem>> -> memref<128x64xf32, #tpu.memory_space<vmem>>
    %dma_wait3A_86 = arith.constant 0 : i32
    %dma_wait3A_87 = tpu.memref_slice %arg7[%dma_wait3A_81, %dma_wait3A_86] : memref<160x128xi32, #tpu.memory_space<vmem>> -> memref<1x128xi32, #tpu.memory_space<vmem>>
    %dma_wait3A_88 = tpu.memref_squeeze %dma_wait3A_87 : memref<1x128xi32, #tpu.memory_space<vmem>> -> memref<128xi32, #tpu.memory_space<vmem>>
    %dma_wait3A_89 = arith.constant 0 : i32
    %dma_wait3A_90 = arith.constant 0 : i32
    %dma_wait3A_91 = tpu.memref_slice %arg10[%dma_wait3A_89, %dma_wait3A_90] : memref<10240x64xf32, #tpu.memory_space<vmem_shared>> -> memref<10240x64xf32, #tpu.memory_space<vmem_shared>>
    tpu.wait_indirect_dma semaphore(%arg18 : memref<!tpu.dma_semaphore, #tpu.memory_space<semaphore_mem>>) src(%dma_wait3A_85 : memref<128x64xf32, #tpu.memory_space<vmem>>) dst(%dma_wait3A_91 : memref<10240x64xf32, #tpu.memory_space<vmem_shared>>)
    %barrier3A_92 = arith.constant 0 : index
    tpu.barrier barrier_id(%barrier3A_92)
    %mul3A = arith.constant 640 : i32
    %mul3A_93 = arith.muli %arg1, %mul3A : i32
    %mul3A_94 = arith.constant 640 : i32
    %mul3A_95 = arith.muli %arg1, %mul3A_94 : i32
    "tpu.region"() ({
      %run_scoped3A = tpu.sem_alloc : memref<!tpu.dma_semaphore, #tpu.memory_space<semaphore_mem>>
      %dma_start3A_96 = arith.constant 0 : i32
      %dma_start3A_97 = tpu.memref_slice %arg5[%arg0, %mul3A_95, %dma_start3A_96] : memref<2x10240x64xf32, #tpu.memory_space<hbm>> -> memref<1x640x64xf32, #tpu.memory_space<hbm>>
      %dma_start3A_98 = tpu.memref_squeeze %dma_start3A_97 : memref<1x640x64xf32, #tpu.memory_space<hbm>> -> memref<640x64xf32, #tpu.memory_space<hbm>>
      %dma_start3A_99 = arith.constant 0 : i32
      %dma_start3A_100 = tpu.memref_slice %arg10[%mul3A_93, %dma_start3A_99] : memref<10240x64xf32, #tpu.memory_space<vmem_shared>> -> memref<640x64xf32, #tpu.memory_space<vmem_shared>>
      tpu.enqueue_dma source(%dma_start3A_100 : memref<640x64xf32, #tpu.memory_space<vmem_shared>>) target(%dma_start3A_98 : memref<640x64xf32, #tpu.memory_space<hbm>>) target_semaphore(%run_scoped3A : memref<!tpu.dma_semaphore, #tpu.memory_space<semaphore_mem>>)
      %dma_wait3A_101 = arith.constant 0 : i32
      %dma_wait3A_102 = tpu.memref_slice %arg5[%arg0, %mul3A_95, %dma_wait3A_101] : memref<2x10240x64xf32, #tpu.memory_space<hbm>> -> memref<1x640x64xf32, #tpu.memory_space<hbm>>
      %dma_wait3A_103 = tpu.memref_squeeze %dma_wait3A_102 : memref<1x640x64xf32, #tpu.memory_space<hbm>> -> memref<640x64xf32, #tpu.memory_space<hbm>>
      %dma_wait3A_104 = arith.constant 0 : i32
      %dma_wait3A_105 = tpu.memref_slice %arg10[%mul3A_93, %dma_wait3A_104] : memref<10240x64xf32, #tpu.memory_space<vmem_shared>> -> memref<640x64xf32, #tpu.memory_space<vmem_shared>>
      tpu.wait_dma2 semaphore(%run_scoped3A : memref<!tpu.dma_semaphore, #tpu.memory_space<semaphore_mem>>) src(%dma_wait3A_105 : memref<640x64xf32, #tpu.memory_space<vmem_shared>>) dst(%dma_wait3A_103 : memref<640x64xf32, #tpu.memory_space<hbm>>)
      tpu.yield
    }) : () -> ()
    return
  }
}

module attributes {stable_mosaic.version = 14 : i64} {
  func.func @_tc_first(%arg0: i32, %arg1: memref<2048x128xf32, #tpu.memory_space<vmem>>, %arg2: memref<128x128xf32, #tpu.memory_space<vmem>>, %arg3: memref<2x2048x16xf32, #tpu.memory_space<vmem>>, %arg4: memref<2x2048x64xf32, #tpu.memory_space<vmem>>) attributes {dimension_semantics = [#tpu.dimension_semantics<arbitrary>], iteration_bounds = array<i64: 5>, scalar_prefetch = 0 : i64, scratch_operands = 0 : i64, tpu.core_type = #tpu.core_type<tc>, window_params = [{transform_indices = @transform_0, window_bounds = array<i64: 2048, 128>}, {pipeline_mode = #tpu.pipeline_mode<synchronous>, transform_indices = @transform_1, window_bounds = array<i64: 128, 128>}, {transform_indices = @transform_2, window_bounds = array<i64: 2, 2048, 16>}, {transform_indices = @transform_3, window_bounds = array<i64: 2, 2048, 64>}]} {
    %get3A = arith.constant 0 : index
    %get3A_0 = arith.constant 0 : index
    %get3A_1 = arith.constant 0 : index
    %get3A_2 = vector.load %arg3[%get3A, %get3A_0, %get3A_1] : memref<2x2048x16xf32, #tpu.memory_space<vmem>>, vector<2x2048x16xf32>
    %slice3A = vector.extract_strided_slice %get3A_2 {offsets = [0, 0, 0], sizes = [1, 2048, 16], strides = [1, 1, 1]} : vector<2x2048x16xf32> to vector<1x2048x16xf32>
    %squeeze3A = vector.shape_cast %slice3A : vector<1x2048x16xf32> to vector<2048x16xf32>
    %reduce_sum3A = arith.constant dense<0.000000e+00> : vector<2048xf32>
    %reduce_sum3A_3 = vector.multi_reduction <add>, %squeeze3A, %reduce_sum3A [1] : vector<2048x16xf32> to vector<2048xf32>
    %slice3A_4 = vector.extract_strided_slice %get3A_2 {offsets = [1, 0, 0], sizes = [1, 2048, 16], strides = [1, 1, 1]} : vector<2x2048x16xf32> to vector<1x2048x16xf32>
    %squeeze3A_5 = vector.shape_cast %slice3A_4 : vector<1x2048x16xf32> to vector<2048x16xf32>
    %reduce_sum3A_6 = arith.constant dense<0.000000e+00> : vector<2048xf32>
    %reduce_sum3A_7 = vector.multi_reduction <add>, %squeeze3A_5, %reduce_sum3A_6 [1] : vector<2048x16xf32> to vector<2048xf32>
    %add3A = arith.addf %reduce_sum3A_3, %reduce_sum3A_7 : vector<2048xf32>
    %add3A_8 = arith.constant 1.000000e+00 : f32
    %add3A_9 = vector.broadcast %add3A_8 : f32 to vector<2048xf32>
    %add3A_10 = arith.addf %add3A, %add3A_9 : vector<2048xf32>
    %rsqrt3A = math.rsqrt %add3A_10 : vector<2048xf32>
    %get3A_11 = arith.constant 0 : index
    %get3A_12 = arith.constant 0 : index
    %get3A_13 = vector.load %arg1[%get3A_11, %get3A_12] : memref<2048x128xf32, #tpu.memory_space<vmem>>, vector<2048x128xf32>
    %get3A_14 = arith.constant 0 : index
    %get3A_15 = arith.constant 0 : index
    %get3A_16 = vector.load %arg2[%get3A_14, %get3A_15] : memref<128x128xf32, #tpu.memory_space<vmem>>, vector<128x128xf32>
    %dot_general3A = arith.constant dense<0.000000e+00> : vector<2048x128xf32>
    %dot_general3A_17 = tpu.matmul %get3A_13, %get3A_16, %dot_general3A {dimension_numbers = #tpu.dot_dimension_numbers<[1], [0], [0], [1], [0, 0, 1, 1], [], []>, precision = #tpu.contract_precision<fp32>, transpose_lhs_hint = false} : vector<2048x128xf32>, vector<128x128xf32>, vector<2048x128xf32> -> vector<2048x128xf32>
    %broadcast_in_dim3A = vector.shape_cast %rsqrt3A : vector<2048xf32> to vector<2048x1xf32>
    %mul3A = vector.broadcast %broadcast_in_dim3A : vector<2048x1xf32> to vector<2048x128xf32>
    %mul3A_18 = arith.mulf %dot_general3A_17, %mul3A : vector<2048x128xf32>
    %slice3A_19 = vector.extract_strided_slice %mul3A_18 {offsets = [0, 0], sizes = [2048, 64], strides = [1, 1]} : vector<2048x128xf32> to vector<2048x64xf32>
    %swap3A = arith.constant 0 : index
    %swap3A_20 = arith.constant 0 : index
    %swap3A_21 = arith.constant 0 : index
    %swap3A_22 = vector.load %arg4[%swap3A, %swap3A_20, %swap3A_21] : memref<2x2048x64xf32, #tpu.memory_space<vmem>>, vector<1x2048x64xf32>
    %swap3A_23 = vector.shape_cast %swap3A_22 : vector<1x2048x64xf32> to vector<2048x64xf32>
    %swap3A_24 = vector.shape_cast %slice3A_19 : vector<2048x64xf32> to vector<1x2048x64xf32>
    tpu.vector_store %arg4[%swap3A, %swap3A_20, %swap3A_21], %swap3A_24 {strides = array<i32>} : memref<2x2048x64xf32, #tpu.memory_space<vmem>>, vector<1x2048x64xf32>,
    %slice3A_25 = vector.extract_strided_slice %mul3A_18 {offsets = [0, 64], sizes = [2048, 64], strides = [1, 1]} : vector<2048x128xf32> to vector<2048x64xf32>
    %swap3A_26 = arith.constant 1 : index
    %swap3A_27 = arith.constant 0 : index
    %swap3A_28 = arith.constant 0 : index
    %swap3A_29 = vector.load %arg4[%swap3A_26, %swap3A_27, %swap3A_28] : memref<2x2048x64xf32, #tpu.memory_space<vmem>>, vector<1x2048x64xf32>
    %swap3A_30 = vector.shape_cast %swap3A_29 : vector<1x2048x64xf32> to vector<2048x64xf32>
    %swap3A_31 = vector.shape_cast %slice3A_25 : vector<2048x64xf32> to vector<1x2048x64xf32>
    tpu.vector_store %arg4[%swap3A_26, %swap3A_27, %swap3A_28], %swap3A_31 {strides = array<i32>} : memref<2x2048x64xf32, #tpu.memory_space<vmem>>, vector<1x2048x64xf32>,
    return
  }
  func.func @transform_0(%arg0: i32) -> (i32, i32) {
    %c0_i32 = arith.constant 0 : i32
    %c0_i32_0 = arith.constant 0 : i32
    return %arg0, %c0_i32 : i32, i32
  }
  func.func @transform_1(%arg0: i32) -> (i32, i32) {
    %c0_i32 = arith.constant 0 : i32
    %c0_i32_0 = arith.constant 0 : i32
    %c0_i32_1 = arith.constant 0 : i32
    return %c0_i32, %c0_i32_0 : i32, i32
  }
  func.func @transform_2(%arg0: i32) -> (i32, i32, i32) {
    %c0_i32 = arith.constant 0 : i32
    %c0_i32_0 = arith.constant 0 : i32
    %c0_i32_1 = arith.constant 0 : i32
    return %c0_i32, %arg0, %c0_i32_0 : i32, i32, i32
  }
  func.func @transform_3(%arg0: i32) -> (i32, i32, i32) {
    %c0_i32 = arith.constant 0 : i32
    %c0_i32_0 = arith.constant 0 : i32
    %c0_i32_1 = arith.constant 0 : i32
    return %c0_i32, %arg0, %c0_i32_0 : i32, i32, i32
  }
}

module attributes {stable_mosaic.version = 14 : i64} {
  func.func @_tc_mid(%arg0: i32, %arg1: memref<2x2048x64xf32, #tpu.memory_space<vmem>>, %arg2: memref<2x2048x64xf32, #tpu.memory_space<vmem>>, %arg3: memref<2x2048x16xf32, #tpu.memory_space<vmem>>, %arg4: memref<1x128xf32, #tpu.memory_space<vmem>>, %arg5: memref<128x48xf32, #tpu.memory_space<vmem>>, %arg6: memref<2048x48xf32, #tpu.memory_space<vmem>>) attributes {dimension_semantics = [#tpu.dimension_semantics<arbitrary>], iteration_bounds = array<i64: 5>, scalar_prefetch = 0 : i64, scratch_operands = 0 : i64, tpu.core_type = #tpu.core_type<tc>, window_params = [{transform_indices = @transform_0, window_bounds = array<i64: 2, 2048, 64>}, {transform_indices = @transform_1, window_bounds = array<i64: 2, 2048, 64>}, {transform_indices = @transform_2, window_bounds = array<i64: 2, 2048, 16>}, {pipeline_mode = #tpu.pipeline_mode<synchronous>, transform_indices = @transform_3, window_bounds = array<i64: 1, 128>}, {pipeline_mode = #tpu.pipeline_mode<synchronous>, transform_indices = @transform_4, window_bounds = array<i64: 128, 48>}, {transform_indices = @transform_5, window_bounds = array<i64: 2048, 48>}]} {
    %get3A = arith.constant 0 : index
    %get3A_0 = arith.constant 0 : index
    %get3A_1 = arith.constant 0 : index
    %get3A_2 = vector.load %arg3[%get3A, %get3A_0, %get3A_1] : memref<2x2048x16xf32, #tpu.memory_space<vmem>>, vector<2x2048x16xf32>
    %slice3A = vector.extract_strided_slice %get3A_2 {offsets = [0, 0, 0], sizes = [1, 2048, 16], strides = [1, 1, 1]} : vector<2x2048x16xf32> to vector<1x2048x16xf32>
    %squeeze3A = vector.shape_cast %slice3A : vector<1x2048x16xf32> to vector<2048x16xf32>
    %reduce_sum3A = arith.constant dense<0.000000e+00> : vector<2048xf32>
    %reduce_sum3A_3 = vector.multi_reduction <add>, %squeeze3A, %reduce_sum3A [1] : vector<2048x16xf32> to vector<2048xf32>
    %slice3A_4 = vector.extract_strided_slice %get3A_2 {offsets = [1, 0, 0], sizes = [1, 2048, 16], strides = [1, 1, 1]} : vector<2x2048x16xf32> to vector<1x2048x16xf32>
    %squeeze3A_5 = vector.shape_cast %slice3A_4 : vector<1x2048x16xf32> to vector<2048x16xf32>
    %reduce_sum3A_6 = arith.constant dense<0.000000e+00> : vector<2048xf32>
    %reduce_sum3A_7 = vector.multi_reduction <add>, %squeeze3A_5, %reduce_sum3A_6 [1] : vector<2048x16xf32> to vector<2048xf32>
    %add3A = arith.addf %reduce_sum3A_3, %reduce_sum3A_7 : vector<2048xf32>
    %add3A_8 = arith.constant 1.000000e+00 : f32
    %add3A_9 = vector.broadcast %add3A_8 : f32 to vector<2048xf32>
    %add3A_10 = arith.addf %add3A, %add3A_9 : vector<2048xf32>
    %rsqrt3A = math.rsqrt %add3A_10 : vector<2048xf32>
    %broadcast_in_dim3A = vector.shape_cast %rsqrt3A : vector<2048xf32> to vector<2048x1xf32>
    %get3A_11 = arith.constant 0 : index
    %get3A_12 = arith.constant 0 : index
    %get3A_13 = arith.constant 0 : index
    %get3A_14 = vector.load %arg1[%get3A_11, %get3A_12, %get3A_13] : memref<2x2048x64xf32, #tpu.memory_space<vmem>>, vector<1x2048x64xf32>
    %get3A_15 = vector.shape_cast %get3A_14 : vector<1x2048x64xf32> to vector<2048x64xf32>
    %get3A_16 = arith.constant 0 : index
    %get3A_17 = arith.constant 0 : index
    %get3A_18 = arith.constant 0 : index
    %get3A_19 = vector.load %arg2[%get3A_16, %get3A_17, %get3A_18] : memref<2x2048x64xf32, #tpu.memory_space<vmem>>, vector<1x2048x64xf32>
    %get3A_20 = vector.shape_cast %get3A_19 : vector<1x2048x64xf32> to vector<2048x64xf32>
    %add3A_21 = arith.addf %get3A_15, %get3A_20 : vector<2048x64xf32>
    %get3A_22 = arith.constant 1 : index
    %get3A_23 = arith.constant 0 : index
    %get3A_24 = arith.constant 0 : index
    %get3A_25 = vector.load %arg1[%get3A_22, %get3A_23, %get3A_24] : memref<2x2048x64xf32, #tpu.memory_space<vmem>>, vector<1x2048x64xf32>
    %get3A_26 = vector.shape_cast %get3A_25 : vector<1x2048x64xf32> to vector<2048x64xf32>
    %get3A_27 = arith.constant 1 : index
    %get3A_28 = arith.constant 0 : index
    %get3A_29 = arith.constant 0 : index
    %get3A_30 = vector.load %arg2[%get3A_27, %get3A_28, %get3A_29] : memref<2x2048x64xf32, #tpu.memory_space<vmem>>, vector<1x2048x64xf32>
    %get3A_31 = vector.shape_cast %get3A_30 : vector<1x2048x64xf32> to vector<2048x64xf32>
    %add3A_32 = arith.addf %get3A_26, %get3A_31 : vector<2048x64xf32>
    %concatenate3A = tpu.concatenate %add3A_21, %add3A_32 in 1 : vector<2048x64xf32>, vector<2048x64xf32> -> vector<2048x128xf32>
    %mul3A = vector.broadcast %broadcast_in_dim3A : vector<2048x1xf32> to vector<2048x128xf32>
    %mul3A_33 = arith.mulf %mul3A, %concatenate3A : vector<2048x128xf32>
    %get3A_34 = arith.constant 0 : index
    %get3A_35 = arith.constant 0 : index
    %get3A_36 = vector.load %arg4[%get3A_34, %get3A_35] : memref<1x128xf32, #tpu.memory_space<vmem>>, vector<1x128xf32>
    %add3A_37 = vector.broadcast %get3A_36 : vector<1x128xf32> to vector<2048x128xf32>
    %add3A_38 = arith.addf %mul3A_33, %add3A_37 : vector<2048x128xf32>
    %max3A = arith.constant 0.000000e+00 : f32
    %max3A_39 = vector.broadcast %max3A : f32 to vector<2048x128xf32>
    %max3A_40 = arith.maximumf %add3A_38, %max3A_39 : vector<2048x128xf32>
    %get3A_41 = arith.constant 0 : index
    %get3A_42 = arith.constant 0 : index
    %get3A_43 = vector.load %arg5[%get3A_41, %get3A_42] : memref<128x48xf32, #tpu.memory_space<vmem>>, vector<128x48xf32>
    %dot_general3A = arith.constant dense<0.000000e+00> : vector<2048x48xf32>
    %dot_general3A_44 = tpu.matmul %max3A_40, %get3A_43, %dot_general3A {dimension_numbers = #tpu.dot_dimension_numbers<[1], [0], [0], [1], [0, 0, 1, 1], [], []>, precision = #tpu.contract_precision<fp32>, transpose_lhs_hint = false} : vector<2048x128xf32>, vector<128x48xf32>, vector<2048x48xf32> -> vector<2048x48xf32>
    %mul3A_45 = vector.broadcast %broadcast_in_dim3A : vector<2048x1xf32> to vector<2048x48xf32>
    %mul3A_46 = arith.mulf %dot_general3A_44, %mul3A_45 : vector<2048x48xf32>
    %swap3A = arith.constant 0 : index
    %swap3A_47 = arith.constant 0 : index
    %swap3A_48 = vector.load %arg6[%swap3A, %swap3A_47] : memref<2048x48xf32, #tpu.memory_space<vmem>>, vector<2048x48xf32>
    tpu.vector_store %arg6[%swap3A, %swap3A_47], %mul3A_46 {strides = array<i32>} : memref<2048x48xf32, #tpu.memory_space<vmem>>, vector<2048x48xf32>,
    return
  }
  func.func @transform_0(%arg0: i32) -> (i32, i32, i32) {
    %c0_i32 = arith.constant 0 : i32
    %c0_i32_0 = arith.constant 0 : i32
    %c0_i32_1 = arith.constant 0 : i32
    return %c0_i32, %arg0, %c0_i32_0 : i32, i32, i32
  }
  func.func @transform_1(%arg0: i32) -> (i32, i32, i32) {
    %c0_i32 = arith.constant 0 : i32
    %c0_i32_0 = arith.constant 0 : i32
    %c0_i32_1 = arith.constant 0 : i32
    return %c0_i32, %arg0, %c0_i32_0 : i32, i32, i32
  }
  func.func @transform_2(%arg0: i32) -> (i32, i32, i32) {
    %c0_i32 = arith.constant 0 : i32
    %c0_i32_0 = arith.constant 0 : i32
    %c0_i32_1 = arith.constant 0 : i32
    return %c0_i32, %arg0, %c0_i32_0 : i32, i32, i32
  }
  func.func @transform_3(%arg0: i32) -> (i32, i32) {
    %c0_i32 = arith.constant 0 : i32
    %c0_i32_0 = arith.constant 0 : i32
    %c0_i32_1 = arith.constant 0 : i32
    return %c0_i32, %c0_i32_0 : i32, i32
  }
  func.func @transform_4(%arg0: i32) -> (i32, i32) {
    %c0_i32 = arith.constant 0 : i32
    %c0_i32_0 = arith.constant 0 : i32
    %c0_i32_1 = arith.constant 0 : i32
    return %c0_i32, %c0_i32_0 : i32, i32
  }
  func.func @transform_5(%arg0: i32) -> (i32, i32) {
    %c0_i32 = arith.constant 0 : i32
    %c0_i32_0 = arith.constant 0 : i32
    return %arg0, %c0_i32 : i32, i32
  }
}

module attributes {stable_mosaic.version = 14 : i64} {
  func.func @_tc_last(%arg0: i32, %arg1: memref<2x2048x48xf32, #tpu.memory_space<vmem>>, %arg2: memref<2048x48xf32, #tpu.memory_space<vmem>>, %arg3: memref<2x2048x16xf32, #tpu.memory_space<vmem>>, %arg4: memref<1x48xf32, #tpu.memory_space<vmem>>, %arg5: memref<2048x48xf32, #tpu.memory_space<vmem>>) attributes {dimension_semantics = [#tpu.dimension_semantics<arbitrary>], iteration_bounds = array<i64: 5>, scalar_prefetch = 0 : i64, scratch_operands = 0 : i64, tpu.core_type = #tpu.core_type<tc>, window_params = [{transform_indices = @transform_0, window_bounds = array<i64: 2, 2048, 48>}, {transform_indices = @transform_1, window_bounds = array<i64: 2048, 48>}, {transform_indices = @transform_2, window_bounds = array<i64: 2, 2048, 16>}, {pipeline_mode = #tpu.pipeline_mode<synchronous>, transform_indices = @transform_3, window_bounds = array<i64: 1, 48>}, {transform_indices = @transform_4, window_bounds = array<i64: 2048, 48>}]} {
    %get3A = arith.constant 0 : index
    %get3A_0 = arith.constant 0 : index
    %get3A_1 = arith.constant 0 : index
    %get3A_2 = vector.load %arg3[%get3A, %get3A_0, %get3A_1] : memref<2x2048x16xf32, #tpu.memory_space<vmem>>, vector<2x2048x16xf32>
    %slice3A = vector.extract_strided_slice %get3A_2 {offsets = [0, 0, 0], sizes = [1, 2048, 16], strides = [1, 1, 1]} : vector<2x2048x16xf32> to vector<1x2048x16xf32>
    %squeeze3A = vector.shape_cast %slice3A : vector<1x2048x16xf32> to vector<2048x16xf32>
    %reduce_sum3A = arith.constant dense<0.000000e+00> : vector<2048xf32>
    %reduce_sum3A_3 = vector.multi_reduction <add>, %squeeze3A, %reduce_sum3A [1] : vector<2048x16xf32> to vector<2048xf32>
    %slice3A_4 = vector.extract_strided_slice %get3A_2 {offsets = [1, 0, 0], sizes = [1, 2048, 16], strides = [1, 1, 1]} : vector<2x2048x16xf32> to vector<1x2048x16xf32>
    %squeeze3A_5 = vector.shape_cast %slice3A_4 : vector<1x2048x16xf32> to vector<2048x16xf32>
    %reduce_sum3A_6 = arith.constant dense<0.000000e+00> : vector<2048xf32>
    %reduce_sum3A_7 = vector.multi_reduction <add>, %squeeze3A_5, %reduce_sum3A_6 [1] : vector<2048x16xf32> to vector<2048xf32>
    %add3A = arith.addf %reduce_sum3A_3, %reduce_sum3A_7 : vector<2048xf32>
    %add3A_8 = arith.constant 1.000000e+00 : f32
    %add3A_9 = vector.broadcast %add3A_8 : f32 to vector<2048xf32>
    %add3A_10 = arith.addf %add3A, %add3A_9 : vector<2048xf32>
    %rsqrt3A = math.rsqrt %add3A_10 : vector<2048xf32>
    %broadcast_in_dim3A = vector.shape_cast %rsqrt3A : vector<2048xf32> to vector<2048x1xf32>
    %get3A_11 = arith.constant 0 : index
    %get3A_12 = arith.constant 0 : index
    %get3A_13 = arith.constant 0 : index
    %get3A_14 = vector.load %arg1[%get3A_11, %get3A_12, %get3A_13] : memref<2x2048x48xf32, #tpu.memory_space<vmem>>, vector<1x2048x48xf32>
    %get3A_15 = vector.shape_cast %get3A_14 : vector<1x2048x48xf32> to vector<2048x48xf32>
    %get3A_16 = arith.constant 1 : index
    %get3A_17 = arith.constant 0 : index
    %get3A_18 = arith.constant 0 : index
    %get3A_19 = vector.load %arg1[%get3A_16, %get3A_17, %get3A_18] : memref<2x2048x48xf32, #tpu.memory_space<vmem>>, vector<1x2048x48xf32>
    %get3A_20 = vector.shape_cast %get3A_19 : vector<1x2048x48xf32> to vector<2048x48xf32>
    %add3A_21 = arith.addf %get3A_15, %get3A_20 : vector<2048x48xf32>
    %get3A_22 = arith.constant 0 : index
    %get3A_23 = arith.constant 0 : index
    %get3A_24 = vector.load %arg2[%get3A_22, %get3A_23] : memref<2048x48xf32, #tpu.memory_space<vmem>>, vector<2048x48xf32>
    %add3A_25 = arith.addf %add3A_21, %get3A_24 : vector<2048x48xf32>
    %mul3A = vector.broadcast %broadcast_in_dim3A : vector<2048x1xf32> to vector<2048x48xf32>
    %mul3A_26 = arith.mulf %mul3A, %add3A_25 : vector<2048x48xf32>
    %get3A_27 = arith.constant 0 : index
    %get3A_28 = arith.constant 0 : index
    %get3A_29 = vector.load %arg4[%get3A_27, %get3A_28] : memref<1x48xf32, #tpu.memory_space<vmem>>, vector<1x48xf32>
    %add3A_30 = vector.broadcast %get3A_29 : vector<1x48xf32> to vector<2048x48xf32>
    %add3A_31 = arith.addf %mul3A_26, %add3A_30 : vector<2048x48xf32>
    %swap3A = arith.constant 0 : index
    %swap3A_32 = arith.constant 0 : index
    %swap3A_33 = vector.load %arg5[%swap3A, %swap3A_32] : memref<2048x48xf32, #tpu.memory_space<vmem>>, vector<2048x48xf32>
    tpu.vector_store %arg5[%swap3A, %swap3A_32], %add3A_31 {strides = array<i32>} : memref<2048x48xf32, #tpu.memory_space<vmem>>, vector<2048x48xf32>,
    return
  }
  func.func @transform_0(%arg0: i32) -> (i32, i32, i32) {
    %c0_i32 = arith.constant 0 : i32
    %c0_i32_0 = arith.constant 0 : i32
    %c0_i32_1 = arith.constant 0 : i32
    return %c0_i32, %arg0, %c0_i32_0 : i32, i32, i32
  }
  func.func @transform_1(%arg0: i32) -> (i32, i32) {
    %c0_i32 = arith.constant 0 : i32
    %c0_i32_0 = arith.constant 0 : i32
    return %arg0, %c0_i32 : i32, i32
  }
  func.func @transform_2(%arg0: i32) -> (i32, i32, i32) {
    %c0_i32 = arith.constant 0 : i32
    %c0_i32_0 = arith.constant 0 : i32
    %c0_i32_1 = arith.constant 0 : i32
    return %c0_i32, %arg0, %c0_i32_0 : i32, i32, i32
  }
  func.func @transform_3(%arg0: i32) -> (i32, i32) {
    %c0_i32 = arith.constant 0 : i32
    %c0_i32_0 = arith.constant 0 : i32
    %c0_i32_1 = arith.constant 0 : i32
    return %c0_i32, %c0_i32_0 : i32, i32
  }
  func.func @transform_4(%arg0: i32) -> (i32, i32) {
    %c0_i32 = arith.constant 0 : i32
    %c0_i32_0 = arith.constant 0 : i32
    return %arg0, %c0_i32 : i32, i32
  }
}

</mosaic_0001>

<sc_bundles>
// kernel: kernel.11.cloned.1.call-start
scs
__scs_entry_jumppad:
0x0: {  	(pc) =	sbr.rel $0x88, $3  }
0x1: {  	(tag) =	ssettag $0x0;
	lr =	simm.s32 $0x1  }
0x2: {  	[smem:$0x3F9B] =	sst lr;
	_ =	strace $0xD0000000  }
0x3: {  	_ = 	snop  }
0x4: {  	_ = 	snop  }
0x5: {  	_ = 	snop  }
0x6: {  	_ = 	snop  }
0x7: {  	_ = 	snop  }
__scs_overlays_trampoline_lowered:
0x8: {  	[smem:$0x3FAA] =	sst s0  }
0x9: {  	[smem:$0x3FAB] =	sst s1  }
0xa: {  	[smem:$0x3FAC] =	sst s2  }
0xb: {  	[smem:$0x3FAD] =	sst s3  }
0xc: {  	[smem:$0x3FAE] =	sst s4  }
0xd: {  	[smem:$0x3FAF] =	sst s5  }
0xe: {  	[smem:$0x3FB0] =	sst s6  }
0xf: {  	[smem:$0x3FB1] =	sst s7  }
0x10: {  	[smem:$0x3FB2] =	sst s8  }
0x11: {  	[smem:$0x3FB3] =	sst s9;
	s0 =	simm.s32 @!p0 $0x0  }
0x12: {  	s1 =	sld [smem:$0x3F99];
	s0 =	simm.s32 @p0 $0x1  }
0x13: {  	[smem:$0x3FB4] =	sst s0;
	s0 =	simm.s32 @!p1 $0x0  }
0x14: {  	s2 =	sld [smem:$0x3F98];
	s0 =	simm.s32 @p1 $0x1  }
0x15: {  	[smem:$0x3FB5] =	sst s0;
	s0 =	simm.s32 @!p2 $0x0  }
0x16: {  	s3 =	sld [smem:$0x3FDB];
	s0 =	simm.s32 @p2 $0x1  }
0x17: {  	s4 =	simm.s32 $0x1BF5;
	[smem:$0x3FB7] =	sst s0  }
0x18: {  	s0 =	sld [smem:$0x3F9A];
	_ =	swait.ge [sflag:s4], $0x0  }
0x19: {  	s7 =	sld [smem:$0x3F9B]  }
0x1a: {  	s8 =	sadd.s32 $0xFFFFE003, lr  }
0x1b: {  	s9 =	sadd.s32 $0xFFFFFEF7, lr;
	s5 =	simm.s32 $0xFFFFFFFF;
	p2 =	slt.u32 s8, $0xFFFFF086  }
0x1c: {  	p1 =	slt.u32 s9, $0xF7A;
	s5 =	simm.s32 @!p2 $0x0  }
0x1d: {  	s5 =	simm.s32 @p1 $0x1;
	p0 =	seq.s32 s7, s2  }
0x1e: {  	s7 =	smul.u32 @!p0 $0xF7A, s2;
	p2 =	seq.s32 @!p0 s5, $0x0  }
0x1f: {  	s9 =	smul.u32 $0xF7A, s1;
	s8 =	simm.s32 @!p0 $0x1BF5;
	p2 =	por !p2, p0  }
0x20: {  	[sflag:s8] =	ssyncset.s32 @!p0 $0xFFFFF086;
	s6 =	sadd.s32 @!p0 s3, s7;
	s7 =	simm.s32 @!p0 $0x108  }
0x21: {  	s3 =	sadd.s32 s3, s9;
	s6 =	sadd.s32 @!p0 $0x88, s6;
	s7 =	simm.s32 @p2 $0x1082  }
0x22: {  	[simem:s7], [sflag:s8] =	dma.local @!p0 [hbm:s6], $0xF7A  }
0x23: {  	s9 =	sor.u32 $0xD0000000, s2;
	s6 =	simm.s32 $0x108;
	_ =	swait.ge @!p0 [sflag:s8], $0x0  }
0x24: {  	s3 =	sadd.s32 $0x88, s3;
	s6 =	simm.s32 @!p1 $0x1082;
	[sflag:s4] =	ssyncset.s32 $0xFFFFF086  }
0x25: {  	[simem:s6], [sflag:s4] =	dma.local [hbm:s3], $0xF7A  }
0x26: {  	[smem:$0x3F9B] =	sst s1;
	(tag) =	ssettag s2;
	_ =	strace s9  }
0x27: {  	s1 =	sld [smem:$0x3FAB]  }
0x28: {  	s2 =	sld [smem:$0x3FAC]  }
0x29: {  	s4 =	sld [smem:$0x3FAE]  }
0x2a: {  	p0 =	seq.s32 s5, $0x0;
	s5 =	sld [smem:$0x3FAF]  }
0x2b: {  	s6 =	sld [smem:$0x3FB0]  }
0x2c: {  	s7 =	sld [smem:$0x3FB1]  }
0x2d: {  	s3 =	simm.s32 $0x108;
	s8 =	sld [smem:$0x3FB2]  }
0x2e: {  	s3 =	simm.s32 @!p0 $0x1082;
	s9 =	sld [smem:$0x3FB3]  }
0x2f: {  	lr =	sadd.s32 s0, s3;
	s0 =	sld [smem:$0x3FAA]  }
0x30: {  	s3 =	sld [smem:$0x3FAD]  }
0x31: {  	[smem:$0x3FB6] =	sst s10  }
0x32: {  	s10 =	sld [smem:$0x3FB4];
	_ =	sdelay $0x3  }
0x33: {  	p0 =	seq.s32 s10, $0x1;
	s10 =	sld [smem:$0x3FB6];
	_ =	sdelay $0x3  }
0x34: {  	[smem:$0x3FB6] =	sst s10  }
0x35: {  	s10 =	sld [smem:$0x3FB5];
	_ =	sdelay $0x3  }
0x36: {  	p1 =	seq.s32 s10, $0x1;
	s10 =	sld [smem:$0x3FB6];
	_ =	sdelay $0x3  }
0x37: {  	[smem:$0x3FB6] =	sst s10  }
0x38: {  	s10 =	sld [smem:$0x3FB7]  }
0x39: {  	_ = 	snop;
	(pc) =	sbr.ind lr, $3  }
0x3a: {  	_ = 	snop  }
0x3b: {  	_ = 	snop  }
0x3c: {  	p2 =	seq.s32 s10, $0x1;
	s10 =	sld [smem:$0x3FB6]  }
0x3d: {  	_ =	shalt  }
0x3e: {  	_ =	shalt  }
0x3f: {  	_ =	shalt  }
0x40: {  	_ =	shalt  }
0x41: {  	_ =	shalt  }
0x42: {  	_ =	shalt  }
0x43: {  	_ =	shalt  }
0x44: {  	_ =	shalt  }
0x45: {  	_ =	shalt  }
0x46: {  	_ =	shalt  }
0x47: {  	_ =	shalt  }
0x48: {  	_ =	shalt  }
0x49: {  	_ =	shalt  }
0x4a: {  	_ =	shalt  }
0x4b: {  	_ =	shalt  }
0x4c: {  	_ =	shalt  }
0x4d: {  	_ =	shalt  }
0x4e: {  	_ =	shalt  }
0x4f: {  	_ =	shalt  }
0x50: {  	_ =	shalt  }
0x51: {  	_ =	shalt  }
0x52: {  	_ =	shalt  }
0x53: {  	_ =	shalt  }
0x54: {  	_ =	shalt  }
0x55: {  	_ =	shalt  }
0x56: {  	_ =	shalt  }
0x57: {  	_ =	shalt  }
0x58: {  	_ =	shalt  }
0x59: {  	_ =	shalt  }
0x5a: {  	_ =	shalt  }
0x5b: {  	_ =	shalt  }
0x5c: {  	_ =	shalt  }
0x5d: {  	_ =	shalt  }
0x5e: {  	_ =	shalt  }
0x5f: {  	_ =	shalt  }
0x60: {  	_ =	shalt  }
0x61: {  	_ =	shalt  }
0x62: {  	_ =	shalt  }
0x63: {  	_ =	shalt  }
0x64: {  	_ =	shalt  }
0x65: {  	_ =	shalt  }
0x66: {  	_ =	shalt  }
0x67: {  	_ =	shalt  }
0x68: {  	_ =	shalt  }
0x69: {  	_ =	shalt  }
0x6a: {  	_ =	shalt  }
0x6b: {  	_ =	shalt  }
0x6c: {  	_ =	shalt  }
0x6d: {  	_ =	shalt  }
0x6e: {  	_ =	shalt  }
0x6f: {  	_ =	shalt  }
0x70: {  	_ =	shalt  }
0x71: {  	_ =	shalt  }
0x72: {  	_ =	shalt  }
0x73: {  	_ =	shalt  }
0x74: {  	_ =	shalt  }
0x75: {  	_ =	shalt  }
0x76: {  	_ =	shalt  }
0x77: {  	_ =	shalt  }
0x78: {  	_ =	shalt  }
0x79: {  	_ =	shalt  }
0x7a: {  	_ =	shalt  }
0x7b: {  	_ =	shalt  }
0x7c: {  	_ =	shalt  }
0x7d: {  	_ =	shalt  }
0x7e: {  	_ =	shalt  }
0x7f: {  	_ =	shalt  }
0x80: {  	_ =	shalt  }
0x81: {  	_ =	shalt  }
0x82: {  	_ =	shalt  }
0x83: {  	_ =	shalt  }
0x84: {  	_ =	shalt  }
0x85: {  	_ =	shalt  }
0x86: {  	_ =	shalt  }
0x87: {  	_ =	shalt  }
.Lfunc_end0:
.L_simem_size_0:
called_computation.1_lowered:
.L_overlay_start_0:
0x88: {  	s2 =	sld [smem:$0x3FD9]  }
0x89: {  	s3 =	sld [smem:$0x3FFE];
	_ =	sdelay $0x1  }
0x8a: {  	s1 =	srdreg.scid  }
0x8b: {  	s0 =	sand.u32 $0x1, s1  }
0x8c: {  	s17 =	sshll.u32 s0, $0xA;
	s2 =	sadd.s32 s3, s2  }
0x8d: {  	s2 =	sadd.s32 s2, s17  }
0x8e: {  	[smem:$0x3FC2] =	sst s2  }
0x8f: {  	_ = 	snop  }
0x90: {  	s2 =	sld [smem:$0x3FD0];
	(tm) =	ssettm $0x1  }
0x91: {  	s18 =	sld [smem:$0x3FFB];
	_ =	sdelay $0x3  }
0x92: {  	_ =	strace s18  }
0x93: {  	s3 =	sld [smem:$0x3FFC];
	_ =	sdelay $0x3  }
0x94: {  	_ =	strace s3  }
0x95: {  	s3 =	sld [smem:$0x3FFD];
	_ =	sdelay $0x3  }
0x96: {  	_ =	strace s3  }
0x97: {  	_ =	strace $0x8FFFFFFF  }
0x98: {  	s19 =	sld [smem:$0x3FDB];
	_ =	sdelay $0x1  }
0x99: {  	s4 =	simm.s32 $_scs_section_size  }
0x9a: {  	s5 =	simm.s32 $_size__tile_overlayer_lowered;
	s6 =	simm.s32 $_tile_overlayer_lowered  }
0x9b: {  	s22 =	simm.s32 $0x1BFF;
	s21 =	sshll.u32 s6, $0x1;
	s3 =	sadd.s32 s4, s19  }
0x9c: {  	s7 =	simm.s32 $0x0;
	s20 =	sshll.u32 s5, $0x1;
	s5 =	sadd.s32 s21, s3  }
0x9d: {  	[timem:s7], [sflag:s22] =	dma.local [hbm:s5], s20  }
0x9e: {  	_ =	swait.ge [sflag:s22], s20  }
0x9f: {  	s4 =	ssub.s32 $0x0, s20;
	[sflag:s22] =	ssyncset.done $0x0  }
0xa0: {  	[sflag:s22] =	ssyncadd.s32 s4;
	_ =	sdelay $0x1  }
0xa1: {  	s23 =	simm.s32 $0x1B8B  }
0xa2: {  	_ =	swait.ge [sflag:s23], $0x1  }
0xa3: {  	[sflag:s23] =	ssyncset.done $0x0  }
0xa4: {  	s25 =	simm.s32 $0x1B8E;
	s24 =	sld [smem:$0x3FFE];
	[sflag:s23] =	ssyncadd.s32 $0xFFFFFFFF  }
0xa5: {  	s26 =	simm.s32 $execute0_lowered;
	[smem:$0x3FD2] =	sst s25  }
0xa6: {  	s5 =	sshll.u32 s26, $0x1;
	_ =	strace $0x80000049;
	[dreg:$0x1] =	wrdreg $0xFFFFFFFF  }
0xa7: {  	s28 =	simm.s32 $_size_execute0_lowered;
	s3 =	sadd.s32 s3, s5;
	[dreg:$0x0] =	wrdreg $0x0  }
0xa8: {  	s5 =	sshll.u32 s28, $0x1;
	[dreg:$0x2] =	wrdreg s3  }
0xa9: {  	[dreg:$0x3] =	wrdreg s5  }
0xaa: {  	[dreg:$0x4] =	wrdreg $0xC0  }
0xab: {  	_ =	task [dreg:s7], $0x5FFFF  }
0xac: {  	[dreg:$0x1] =	wrdreg $0xFFFFFFFF  }
0xad: {  	[dreg:$0x0] =	wrdreg $0x60  }
0xae: {  	[dreg:$0x2] =	wrdreg s24  }
0xaf: {  	[dreg:$0x3] =	wrdreg s2  }
0xb0: {  	[dreg:$0x4] =	wrdreg $0x140000  }
0xb1: {  	[dreg:$0x5] =	wrdreg $0x9  }
0xb2: {  	_ =	task.clear_ibuf [dreg:s7], $0x6FFFF;
	_ =	strace $0x90000049  }
0xb3: {  	s29 =	simm.s32 $0x9;
	_ =	strace $0x8000004B  }
0xb4: {  	_ =	swait.ge [sflag:s29], $0x1  }
0xb5: {  	[sflag:s29] =	ssyncadd.s32 $0xFFFFFFFF  }
0xb6: {  	_ =	strace $0x9000004B  }
0xb7: {  	_ =	sfence  }
0xb8: {  	s30 =	sld [smem:$0x0];
	_ =	sdelay $0x2  }
0xb9: {  	s31 =	sshll.u32 s1, $0xD;
	s1 =	sshrl.u32 s1, $0x2  }
0xba: {  	s3 =	sand.u32 $0x4000, s31;
	s1 =	sadd.s32 s1, s30  }
0xbb: {  	s0 =	sor.u32 s3, s0;
	s1 =	sshll.u32 s1, $0x11  }
0xbc: {  	s0 =	sor.u32 s1, s0  }
0xbd: {  	s0 =	sadd.s32 $0x8F2B, s0  }
0xbe: {  	[sflag:s0] =	ssyncadd.remote.s32 $0x1  }
0xbf: {  	_ =	sfence.sel $0xFFFF  }
0xc0: {  	[dreg:$0x0] =	wrdreg $0xFFFFFFFF;
	(pc) =	sbr.abs _section_cstart, $3  }
0xc1: {  	[dreg:$0x1] =	wrdreg $0xFFFFFFFF  }
0xc2: {  	_ =	task.clear_ibuf [dreg:s7], $0x2FFFF;
	_ =	strace $0x9FFFFFFF  }
0xc3: {  	(tm) =	ssettm $0x7FFFFFFF  }
tec
execute0_lowered:
.L_overlay_start_1:
0x0: {  	(tag) =	ssettag $0x1  }
0x1: {  	s0 =	rddreg [dreg:$0x0]  }
0x2: {  	s1 =	srdreg.scid;
	s4 =	rddreg [dreg:$0x1]  }
0x3: {  	s2 =	rddreg [dreg:$0x2];
	s3 =	simm.s32 $0x0;
	s10 =	stileid.u32  }
0x4: {  	s14 =	simm.s32 $0x9;
	s15 =	simm.s32 $0x5000;
	s16 =	simm.s32 $0x12000  }
0x5: {  	s17 =	simm.s32 $0x80;
	s18 =	simm.s32 $0xA000;
	s19 =	simm.s32 $0xC000  }
0x6: {  	s20 =	simm.s32 $0x1;
	s22 =	simm.s32 $0xE000;
	s9 =	smul.u32 $0xA000, s10  }
0x7: {  	s28 =	simm.s32 $0x10000;
	s29 =	simm.s32 $0x3;
	s23 =	smul.u32 $0xA00, s10  }
0x8: {  	s31 =	simm.s32 $0x5;
	s1 =	sand.u32 $0x1, s1;
	s10 =	smul.u32 $0x28000, s10  }
0x9: {  	[smem:$0x7FF] =	sst s3;
	s5 =	smul.u32 $0xA0000, s1;
	s1 =	ssub.s32 $0x2, s1  }
0xa: {  	s30 =	simm.s32 $0x7;
	_ =	strace $0x8000004A;
	s8 =	sshrl.u32 s1, $0x1  }
0xb: {  	s11 =	sadd.s32 s23, s0;
	s4 =	sadd.s32 s4, s23;
	s25 =	sshrl.u32 s10, $0x2  }
0xc: {  	s26 =	sadd.s32 s9, s2;
	s23 =	simm.s32 $0x2;
	s6 =	sshrl.u32 s5, $0x3  }
0xd: {  	s5 =	sadd.s32 s9, s5;
	s1 =	ssub.s32 s1, s8;
	[dreg:$0x4] =	wrdreg s4  }
0xe: {  	s24 =	sadd.s32 $0x1800, s11;
	s7 =	sadd.s32 s6, s0;
	s5 =	sshrl.u32 s5, $0x3  }
.Ltmp0:
0xf: {  	[dreg:$0x5] =	wrdreg s24;
	s6 =	sadd.s32 s25, s2;
	(pc) =	sbr.rel .LBB2_1-.Ltmp0, $4  }
0x10: {  	s9 =	smax.u32 s1, $0x1;
	s25 =	sshrl.u32 s26, $0x3;
	s1 =	simm.s32 $0x4  }
0x11: {  	s24 =	simm.s32 $0x6;
	s0 =	sadd.s32 s5, s0;
	s7 =	sadd.s32 $0xB5800, s7  }
0x12: {  	s10 =	sadd.s32 $0x2000, s6;
	s11 =	sadd.s32 $0x4000, s6;
	s12 =	sadd.s32 $0x6000, s6  }
0x13: {  	v0 =	vimm.f32 $0.0e+00;
	s13 =	sadd.s32 $0x8000, s6;
	s8 =	sadd.s32 $0xDD800, s0;
	s0 =	simm.s32 $0x8  }
.LBB2_6:
0x14: {  	_ =	swait.ge [sflag:s1], $0x2000  }
0x15: {  	[sflag:s1] =	ssyncset.done $0x0  }
0x16: {  	[sflag:s1] =	ssyncadd.s32 $0xFFFFE000  }
0x17: {  	[spmem:s2] =	stream.indirect.scatter.add.f32 [tilespmem:s28], [sflag:$0x8], $0x40, s4, s17, $0xb8;
	[tilespmem:$0x1E000] =	vst v63  }
0x18: {  	_ =	swait.ge [sflag:s31], $0x2000  }
0x19: {  	[sflag:s31] =	ssyncset.done $0x0  }
0x1a: {  	[sflag:s31] =	ssyncadd.s32 $0xFFFFE000  }
0x1b: {  	_ =	swait.ge [sflag:s24], $0x2000  }
0x1c: {  	[sflag:s24] =	ssyncset.done $0x0  }
0x1d: {  	[sflag:s24] =	ssyncadd.s32 $0xFFFFE000  }
0x1e: {  	_ =	swait.ge [sflag:s30], $0x2000  }
0x1f: {  	[sflag:s30] =	ssyncset.done $0x0  }
0x20: {  	[sflag:s30] =	ssyncadd.s32 $0xFFFFE000  }
0x21: {  	_ =	swait.ge [sflag:s0], $0x2000  }
0x22: {  	s26 =	stileid.u32;
	s3 =	sadd.s32 $0x1, s3;
	[sflag:s0] =	ssyncset.done $0x0  }
0x23: {  	p0 =	sne.s32 s3, s9;
	s4 =	sshll.u32 s26, $0x6;
	[sflag:s0] =	ssyncadd.s32 $0xFFFFE000  }
.Ltmp1:
0x24: {  	s4 =	sor.u32 $0x1C09, s4;
	[bflag:$0x0] =	sbarrier.arrive $0xFFFF;
	(pc) =	sbr.rel @!p0 .LBB2_7-.Ltmp1, $4  }
0x25: {  	[hbm:s8], [sflag:s4] =	dma.local [spmem:s25], $0x1400  }
0x26: {  	_ =	swait.ge [sflag:s14], $0x1400  }
0x27: {  	[sflag:s14] =	ssyncset.done $0x0  }
0x28: {  	[sflag:s14] =	ssyncadd.s32 $0xFFFFEC00  }
.LBB2_1:
0x29: {  	s26 =	simm.s32 $0x100;
	s21 =	simm.s32 $0x0  }
.LBB2_2:
0x2a: {  	p0 =	sne.s32 s26, $0x7F00;
	[tilespmem:s21+$0x12030] =	vst v0;
	s4 =	smov.u32 s26;
	s26 =	sadd.s32 $0x100, s26  }
.Ltmp2:
0x2b: {  	[tilespmem:s21+$0x12020] =	vst v0;
	(pc) =	sbr.rel @p0 .LBB2_2-.Ltmp2, $3  }
0x2c: {  	[tilespmem:s21+$0x12000] =	vst v0  }
0x2d: {  	[tilespmem:s21+$0x12010] =	vst v0;
	_ =	sdelay $0x1  }
0x2e: {  	s21 =	sshra.s32 s4, $0x2  }
0x2f: {  	[tilespmem:s21+$0x12030] =	vst v0  }
0x30: {  	[tilespmem:s21+$0x12020] =	vst v0  }
0x31: {  	[tilespmem:s21+$0x12000] =	vst v0  }
0x32: {  	[tilespmem:s21+$0x12010] =	vst v0;
	s21 =	simm.s32 $0x0;
	s4 =	rddreg [dreg:$0x4]  }
0x33: {  	[tilespmem:s21], [sflag:$0x9] =	stream.linear.gather [hbm4b:s4+s21], $0x5000, $0x38;
	[tilespmem:$0x1E000] =	vst v63  }
0x34: {  	_ =	swait.ge [sflag:s14], $0x5000  }
0x35: {  	[sflag:s14] =	ssyncset.done $0x0  }
0x36: {  	s5 =	rddreg [dreg:$0x5];
	[sflag:s14] =	ssyncadd.s32 $0xFFFFB000  }
0x37: {  	[tilespmem:s15], [sflag:$0x9] =	stream.linear.gather [hbm4b:s5+s21], $0x5000, $0x38;
	[tilespmem:$0x1E000] =	vst v63  }
0x38: {  	_ =	swait.ge [sflag:s14], $0x5000  }
0x39: {  	[sflag:s14] =	ssyncset.done $0x0  }
0x3a: {  	[sflag:s14] =	ssyncadd.s32 $0xFFFFB000  }
0x3b: {  	[spmem:s6] =	stream.linear.scatter [tilespmem:s16], [sflag:$0x9], $0x2000, $0x38;
	[tilespmem:$0x1E000] =	vst v63  }
0x3c: {  	_ =	swait.ge [sflag:s14], $0x2000  }
0x3d: {  	[sflag:s14] =	ssyncset.done $0x0  }
0x3e: {  	[sflag:s14] =	ssyncadd.s32 $0xFFFFE000  }
0x3f: {  	[spmem:s10] =	stream.linear.scatter [tilespmem:s16], [sflag:$0x9], $0x2000, $0x38;
	[tilespmem:$0x1E000] =	vst v63  }
0x40: {  	_ =	swait.ge [sflag:s14], $0x2000  }
0x41: {  	[sflag:s14] =	ssyncset.done $0x0  }
0x42: {  	[sflag:s14] =	ssyncadd.s32 $0xFFFFE000  }
0x43: {  	[spmem:s11] =	stream.linear.scatter [tilespmem:s16], [sflag:$0x9], $0x2000, $0x38;
	[tilespmem:$0x1E000] =	vst v63  }
0x44: {  	_ =	swait.ge [sflag:s14], $0x2000  }
0x45: {  	[sflag:s14] =	ssyncset.done $0x0  }
0x46: {  	[sflag:s14] =	ssyncadd.s32 $0xFFFFE000  }
0x47: {  	[spmem:s12] =	stream.linear.scatter [tilespmem:s16], [sflag:$0x9], $0x2000, $0x38;
	[tilespmem:$0x1E000] =	vst v63  }
0x48: {  	_ =	swait.ge [sflag:s14], $0x2000  }
0x49: {  	[sflag:s14] =	ssyncset.done $0x0  }
0x4a: {  	[sflag:s14] =	ssyncadd.s32 $0xFFFFE000  }
0x4b: {  	[spmem:s13] =	stream.linear.scatter [tilespmem:s16], [sflag:$0x9], $0x2000, $0x38;
	[tilespmem:$0x1E000] =	vst v63  }
0x4c: {  	_ =	swait.ge [sflag:s14], $0x2000  }
0x4d: {  	[sflag:s14] =	ssyncset.done $0x0  }
0x4e: {  	[sflag:s14] =	ssyncadd.s32 $0xFFFFE000  }
0x4f: {  	[bflag:$0x0] =	sbarrier.arrive $0xFFFF  }
0x50: {  	[tilespmem:s18], [sflag:$0x1] =	stream.indirect.gather [hbm4b:s7+s17], $0x40, s21, s17, $0xb8;
	[tilespmem:$0x1E000] =	vst v63  }
0x51: {  	_ = 	snop  }
0x52: {  	[tilespmem:s19], [sflag:$0x2] =	stream.indirect.gather [hbm4b:s7+s17], $0x40, s17, s17, $0xb8;
	[tilespmem:$0x1E000] =	vst v63  }
0x53: {  	_ =	swait.ge [sflag:s20], $0x2000  }
0x54: {  	[sflag:s20] =	ssyncset.done $0x0  }
0x55: {  	[sflag:s20] =	ssyncadd.s32 $0xFFFFE000  }
0x56: {  	[spmem:s2] =	stream.indirect.scatter.add.f32 [tilespmem:s18], [sflag:$0x5], $0x40, s15, s17, $0xb8;
	[tilespmem:$0x1E000] =	vst v63  }
0x57: {  	s26 =	simm.s32 $0x100  }
0x58: {  	[tilespmem:s22], [sflag:$0x3] =	stream.indirect.gather [hbm4b:s7+s17], $0x40, s26, s17, $0xb8;
	[tilespmem:$0x1E000] =	vst v63  }
0x59: {  	_ =	swait.ge [sflag:s23], $0x2000  }
0x5a: {  	[sflag:s23] =	ssyncset.done $0x0  }
0x5b: {  	s5 =	simm.s32 $0x5080;
	[sflag:s23] =	ssyncadd.s32 $0xFFFFE000  }
0x5c: {  	[spmem:s2] =	stream.indirect.scatter.add.f32 [tilespmem:s19], [sflag:$0x6], $0x40, s5, s17, $0xb8;
	[tilespmem:$0x1E000] =	vst v63  }
0x5d: {  	s26 =	simm.s32 $0x180  }
0x5e: {  	[tilespmem:s28], [sflag:$0x4] =	stream.indirect.gather [hbm4b:s7+s17], $0x40, s26, s17, $0xb8;
	[tilespmem:$0x1E000] =	vst v63  }
0x5f: {  	_ =	swait.ge [sflag:s29], $0x2000  }
0x60: {  	[sflag:s29] =	ssyncset.done $0x0  }
0x61: {  	s5 =	simm.s32 $0x5100;
	[sflag:s29] =	ssyncadd.s32 $0xFFFFE000  }
0x62: {  	[spmem:s2] =	stream.indirect.scatter.add.f32 [tilespmem:s22], [sflag:$0x7], $0x40, s5, s17, $0xb8;
	[tilespmem:$0x1E000] =	vst v63  }
0x63: {  	_ =	swait.ge [sflag:s31], $0x2000  }
0x64: {  	[sflag:s31] =	ssyncset.done $0x0  }
0x65: {  	s26 =	simm.s32 $0x200;
	[sflag:s31] =	ssyncadd.s32 $0xFFFFE000  }
0x66: {  	[tilespmem:s18], [sflag:$0x1] =	stream.indirect.gather [hbm4b:s7+s17], $0x40, s26, s17, $0xb8;
	[tilespmem:$0x1E000] =	vst v63  }
0x67: {  	_ =	swait.ge [sflag:s1], $0x2000  }
0x68: {  	[sflag:s1] =	ssyncset.done $0x0  }
0x69: {  	s5 =	simm.s32 $0x5180;
	[sflag:s1] =	ssyncadd.s32 $0xFFFFE000  }
0x6a: {  	[spmem:s2] =	stream.indirect.scatter.add.f32 [tilespmem:s28], [sflag:$0x8], $0x40, s5, s17, $0xb8;
	[tilespmem:$0x1E000] =	vst v63  }
0x6b: {  	_ =	swait.ge [sflag:s24], $0x2000  }
0x6c: {  	[sflag:s24] =	ssyncset.done $0x0  }
0x6d: {  	s26 =	simm.s32 $0x280;
	[sflag:s24] =	ssyncadd.s32 $0xFFFFE000  }
0x6e: {  	[tilespmem:s19], [sflag:$0x2] =	stream.indirect.gather [hbm4b:s7+s17], $0x40, s26, s17, $0xb8;
	[tilespmem:$0x1E000] =	vst v63  }
.LBB2_4:
0x6f: {  	_ =	swait.ge [sflag:s20], $0x2000  }
0x70: {  	s26 =	sshra.s32 s21, $0x2;
	[sflag:s20] =	ssyncset.done $0x0  }
0x71: {  	s4 =	sadd.s32 $0x5200, s26;
	[sflag:s20] =	ssyncadd.s32 $0xFFFFE000  }
0x72: {  	[spmem:s2] =	stream.indirect.scatter.add.f32 [tilespmem:s18], [sflag:$0x5], $0x40, s4, s17, $0xb8;
	[tilespmem:$0x1E000] =	vst v63  }
0x73: {  	_ =	swait.ge [sflag:s30], $0x2000  }
0x74: {  	[sflag:s30] =	ssyncset.done $0x0  }
0x75: {  	s5 =	sadd.s32 $0x300, s26;
	[sflag:s30] =	ssyncadd.s32 $0xFFFFE000  }
0x76: {  	[tilespmem:s22], [sflag:$0x3] =	stream.indirect.gather [hbm4b:s7+s17], $0x40, s5, s17, $0xb8;
	[tilespmem:$0x1E000] =	vst v63  }
0x77: {  	_ =	swait.ge [sflag:s23], $0x2000  }
0x78: {  	[sflag:s23] =	ssyncset.done $0x0  }
0x79: {  	s5 =	sadd.s32 $0x5280, s26;
	[sflag:s23] =	ssyncadd.s32 $0xFFFFE000  }
0x7a: {  	[spmem:s2] =	stream.indirect.scatter.add.f32 [tilespmem:s19], [sflag:$0x6], $0x40, s5, s17, $0xb8;
	[tilespmem:$0x1E000] =	vst v63  }
0x7b: {  	_ =	swait.ge [sflag:s0], $0x2000  }
0x7c: {  	[sflag:s0] =	ssyncset.done $0x0  }
0x7d: {  	p0 =	seq.s32 s21, $0x13000;
	s5 =	sadd.s32 $0x380, s26;
	[sflag:s0] =	ssyncadd.s32 $0xFFFFE000  }
0x7e: {  	[tilespmem:s28], [sflag:$0x4] =	stream.indirect.gather [hbm4b:s7+s17], $0x40, s5, s17, $0xb8;
	[tilespmem:$0x1E000] =	vst v63  }
.Ltmp3:
0x7f: {  	_ = 	snop;
	(pc) =	sbr.rel @p0 .LBB2_6-.Ltmp3, $4  }
0x80: {  	_ =	swait.ge [sflag:s29], $0x2000  }
0x81: {  	[sflag:s29] =	ssyncset.done $0x0  }
0x82: {  	s4 =	sadd.s32 $0x5380, s26;
	s5 =	sadd.s32 $0x5300, s26;
	[sflag:s29] =	ssyncadd.s32 $0xFFFFE000  }
0x83: {  	[spmem:s2] =	stream.indirect.scatter.add.f32 [tilespmem:s22], [sflag:$0x7], $0x40, s5, s17, $0xb8;
	[tilespmem:$0x1E000] =	vst v63  }
0x84: {  	_ =	swait.ge [sflag:s31], $0x2000  }
0x85: {  	[sflag:s31] =	ssyncset.done $0x0  }
0x86: {  	s5 =	sadd.s32 $0x400, s26;
	[sflag:s31] =	ssyncadd.s32 $0xFFFFE000  }
0x87: {  	[tilespmem:s18], [sflag:$0x1] =	stream.indirect.gather [hbm4b:s7+s17], $0x40, s5, s17, $0xb8;
	[tilespmem:$0x1E000] =	vst v63  }
0x88: {  	_ =	swait.ge [sflag:s1], $0x2000  }
0x89: {  	[sflag:s1] =	ssyncset.done $0x0  }
0x8a: {  	[sflag:s1] =	ssyncadd.s32 $0xFFFFE000  }
0x8b: {  	[spmem:s2] =	stream.indirect.scatter.add.f32 [tilespmem:s28], [sflag:$0x8], $0x40, s4, s17, $0xb8;
	[tilespmem:$0x1E000] =	vst v63  }
.Ltmp4:
0x8c: {  	_ = 	snop;
	(pc) =	sbr.rel .LBB2_4-.Ltmp4, $4  }
0x8d: {  	_ =	swait.ge [sflag:s24], $0x2000  }
0x8e: {  	[sflag:s24] =	ssyncset.done $0x0  }
0x8f: {  	s26 =	sadd.s32 $0x480, s26;
	s21 =	sadd.s32 $0x800, s21;
	[sflag:s24] =	ssyncadd.s32 $0xFFFFE000  }
0x90: {  	[tilespmem:s19], [sflag:$0x2] =	stream.indirect.gather [hbm4b:s7+s17], $0x40, s26, s17, $0xb8;
	[tilespmem:$0x1E000] =	vst v63  }
.LBB2_7:
0x91: {  	_ =	sfence.sel $0x180000  }
0x92: {  	[bflag:$0x0] =	sbarrier.arrive $0xFFFF  }
0x93: {  	_ =	strace $0x9000004A  }
0x94: {  	s0 =	stileid.u32;
	[bflag:$0x2] =	sbarrier.arrive $0xFFFF  }
0x95: {  	p0 =	sne.s32 s0, $0x0;
	s0 =	rddreg [dreg:$0x3]  }
0x96: {  	s0 =	sadd.s32 @!p0 $0x100000, s0  }
0x97: {  	[sflag:s0] =	ssyncadd.tile.s32 @!p0 $0x1;
	_ =	shalt  }
.Lfunc_end2:
_tile_overlayer_lowered:
.L_overlay_start_2:
0x98: {  	(tag) =	ssettag $0x2  }
0x99: {  	s0 =	rddreg [dreg:$0x0];
	s2 =	stileid.u32  }
0x9a: {  	s1 =	rddreg [dreg:$0x1];
	p0 =	sne.s32 s2, $0x0  }
0x9b: {  	s3 =	rddreg [dreg:$0x2];
	[bflag:$0x3] =	sbarrier.arrive $0xFFFF;
	s2 =	simm.s32 @!p0 $0x1C09  }
0x9c: {  	[timem:s3], [sflag:s2] =	dma.local @!p0 [hbm:s0], s1  }
0x9d: {  	s0 =	simm.s32 @!p0 $0x9  }
0x9e: {  	_ =	swait.ge @!p0 [sflag:s0], s1  }
0x9f: {  	s1 =	ssub.s32 @!p0 $0x0, s1;
	[sflag:s0] =	ssyncset.done @!p0 $0x0  }
0xa0: {  	[sflag:s0] =	ssyncadd.s32 @!p0 s1  }
0xa1: {  	[bflag:$0x3] =	sbarrier.arrive $0xFFFF  }
0xa2: {  	_ =	shalt  }

// kernel: kernel.14.cloned.1.call-start
scs
__scs_entry_jumppad:
0x0: {  	(pc) =	sbr.rel $0x88, $3  }
0x1: {  	(tag) =	ssettag $0x0;
	lr =	simm.s32 $0x1  }
0x2: {  	[smem:$0x3F9B] =	sst lr;
	_ =	strace $0xD0000000  }
0x3: {  	_ = 	snop  }
0x4: {  	_ = 	snop  }
0x5: {  	_ = 	snop  }
0x6: {  	_ = 	snop  }
0x7: {  	_ = 	snop  }
__scs_overlays_trampoline_lowered:
0x8: {  	[smem:$0x3FAA] =	sst s0  }
0x9: {  	[smem:$0x3FAB] =	sst s1  }
0xa: {  	[smem:$0x3FAC] =	sst s2  }
0xb: {  	[smem:$0x3FAD] =	sst s3  }
0xc: {  	[smem:$0x3FAE] =	sst s4  }
0xd: {  	[smem:$0x3FAF] =	sst s5  }
0xe: {  	[smem:$0x3FB0] =	sst s6  }
0xf: {  	[smem:$0x3FB1] =	sst s7  }
0x10: {  	[smem:$0x3FB2] =	sst s8  }
0x11: {  	[smem:$0x3FB3] =	sst s9;
	s0 =	simm.s32 @!p0 $0x0  }
0x12: {  	s1 =	sld [smem:$0x3F99];
	s0 =	simm.s32 @p0 $0x1  }
0x13: {  	[smem:$0x3FB4] =	sst s0;
	s0 =	simm.s32 @!p1 $0x0  }
0x14: {  	s2 =	sld [smem:$0x3F98];
	s0 =	simm.s32 @p1 $0x1  }
0x15: {  	[smem:$0x3FB5] =	sst s0;
	s0 =	simm.s32 @!p2 $0x0  }
0x16: {  	s3 =	sld [smem:$0x3FDB];
	s0 =	simm.s32 @p2 $0x1  }
0x17: {  	s4 =	simm.s32 $0x1BF5;
	[smem:$0x3FB7] =	sst s0  }
0x18: {  	s0 =	sld [smem:$0x3F9A];
	_ =	swait.ge [sflag:s4], $0x0  }
0x19: {  	s7 =	sld [smem:$0x3F9B]  }
0x1a: {  	s8 =	sadd.s32 $0xFFFFE003, lr  }
0x1b: {  	s9 =	sadd.s32 $0xFFFFFEF7, lr;
	s5 =	simm.s32 $0xFFFFFFFF;
	p2 =	slt.u32 s8, $0xFFFFF086  }
0x1c: {  	p1 =	slt.u32 s9, $0xF7A;
	s5 =	simm.s32 @!p2 $0x0  }
0x1d: {  	s5 =	simm.s32 @p1 $0x1;
	p0 =	seq.s32 s7, s2  }
0x1e: {  	s7 =	smul.u32 @!p0 $0xF7A, s2;
	p2 =	seq.s32 @!p0 s5, $0x0  }
0x1f: {  	s9 =	smul.u32 $0xF7A, s1;
	s8 =	simm.s32 @!p0 $0x1BF5;
	p2 =	por !p2, p0  }
0x20: {  	[sflag:s8] =	ssyncset.s32 @!p0 $0xFFFFF086;
	s6 =	sadd.s32 @!p0 s3, s7;
	s7 =	simm.s32 @!p0 $0x108  }
0x21: {  	s3 =	sadd.s32 s3, s9;
	s6 =	sadd.s32 @!p0 $0x88, s6;
	s7 =	simm.s32 @p2 $0x1082  }
0x22: {  	[simem:s7], [sflag:s8] =	dma.local @!p0 [hbm:s6], $0xF7A  }
0x23: {  	s9 =	sor.u32 $0xD0000000, s2;
	s6 =	simm.s32 $0x108;
	_ =	swait.ge @!p0 [sflag:s8], $0x0  }
0x24: {  	s3 =	sadd.s32 $0x88, s3;
	s6 =	simm.s32 @!p1 $0x1082;
	[sflag:s4] =	ssyncset.s32 $0xFFFFF086  }
0x25: {  	[simem:s6], [sflag:s4] =	dma.local [hbm:s3], $0xF7A  }
0x26: {  	[smem:$0x3F9B] =	sst s1;
	(tag) =	ssettag s2;
	_ =	strace s9  }
0x27: {  	s1 =	sld [smem:$0x3FAB]  }
0x28: {  	s2 =	sld [smem:$0x3FAC]  }
0x29: {  	s4 =	sld [smem:$0x3FAE]  }
0x2a: {  	p0 =	seq.s32 s5, $0x0;
	s5 =	sld [smem:$0x3FAF]  }
0x2b: {  	s6 =	sld [smem:$0x3FB0]  }
0x2c: {  	s7 =	sld [smem:$0x3FB1]  }
0x2d: {  	s3 =	simm.s32 $0x108;
	s8 =	sld [smem:$0x3FB2]  }
0x2e: {  	s3 =	simm.s32 @!p0 $0x1082;
	s9 =	sld [smem:$0x3FB3]  }
0x2f: {  	lr =	sadd.s32 s0, s3;
	s0 =	sld [smem:$0x3FAA]  }
0x30: {  	s3 =	sld [smem:$0x3FAD]  }
0x31: {  	[smem:$0x3FB6] =	sst s10  }
0x32: {  	s10 =	sld [smem:$0x3FB4];
	_ =	sdelay $0x3  }
0x33: {  	p0 =	seq.s32 s10, $0x1;
	s10 =	sld [smem:$0x3FB6];
	_ =	sdelay $0x3  }
0x34: {  	[smem:$0x3FB6] =	sst s10  }
0x35: {  	s10 =	sld [smem:$0x3FB5];
	_ =	sdelay $0x3  }
0x36: {  	p1 =	seq.s32 s10, $0x1;
	s10 =	sld [smem:$0x3FB6];
	_ =	sdelay $0x3  }
0x37: {  	[smem:$0x3FB6] =	sst s10  }
0x38: {  	s10 =	sld [smem:$0x3FB7]  }
0x39: {  	_ = 	snop;
	(pc) =	sbr.ind lr, $3  }
0x3a: {  	_ = 	snop  }
0x3b: {  	_ = 	snop  }
0x3c: {  	p2 =	seq.s32 s10, $0x1;
	s10 =	sld [smem:$0x3FB6]  }
0x3d: {  	_ =	shalt  }
0x3e: {  	_ =	shalt  }
0x3f: {  	_ =	shalt  }
0x40: {  	_ =	shalt  }
0x41: {  	_ =	shalt  }
0x42: {  	_ =	shalt  }
0x43: {  	_ =	shalt  }
0x44: {  	_ =	shalt  }
0x45: {  	_ =	shalt  }
0x46: {  	_ =	shalt  }
0x47: {  	_ =	shalt  }
0x48: {  	_ =	shalt  }
0x49: {  	_ =	shalt  }
0x4a: {  	_ =	shalt  }
0x4b: {  	_ =	shalt  }
0x4c: {  	_ =	shalt  }
0x4d: {  	_ =	shalt  }
0x4e: {  	_ =	shalt  }
0x4f: {  	_ =	shalt  }
0x50: {  	_ =	shalt  }
0x51: {  	_ =	shalt  }
0x52: {  	_ =	shalt  }
0x53: {  	_ =	shalt  }
0x54: {  	_ =	shalt  }
0x55: {  	_ =	shalt  }
0x56: {  	_ =	shalt  }
0x57: {  	_ =	shalt  }
0x58: {  	_ =	shalt  }
0x59: {  	_ =	shalt  }
0x5a: {  	_ =	shalt  }
0x5b: {  	_ =	shalt  }
0x5c: {  	_ =	shalt  }
0x5d: {  	_ =	shalt  }
0x5e: {  	_ =	shalt  }
0x5f: {  	_ =	shalt  }
0x60: {  	_ =	shalt  }
0x61: {  	_ =	shalt  }
0x62: {  	_ =	shalt  }
0x63: {  	_ =	shalt  }
0x64: {  	_ =	shalt  }
0x65: {  	_ =	shalt  }
0x66: {  	_ =	shalt  }
0x67: {  	_ =	shalt  }
0x68: {  	_ =	shalt  }
0x69: {  	_ =	shalt  }
0x6a: {  	_ =	shalt  }
0x6b: {  	_ =	shalt  }
0x6c: {  	_ =	shalt  }
0x6d: {  	_ =	shalt  }
0x6e: {  	_ =	shalt  }
0x6f: {  	_ =	shalt  }
0x70: {  	_ =	shalt  }
0x71: {  	_ =	shalt  }
0x72: {  	_ =	shalt  }
0x73: {  	_ =	shalt  }
0x74: {  	_ =	shalt  }
0x75: {  	_ =	shalt  }
0x76: {  	_ =	shalt  }
0x77: {  	_ =	shalt  }
0x78: {  	_ =	shalt  }
0x79: {  	_ =	shalt  }
0x7a: {  	_ =	shalt  }
0x7b: {  	_ =	shalt  }
0x7c: {  	_ =	shalt  }
0x7d: {  	_ =	shalt  }
0x7e: {  	_ =	shalt  }
0x7f: {  	_ =	shalt  }
0x80: {  	_ =	shalt  }
0x81: {  	_ =	shalt  }
0x82: {  	_ =	shalt  }
0x83: {  	_ =	shalt  }
0x84: {  	_ =	shalt  }
0x85: {  	_ =	shalt  }
0x86: {  	_ =	shalt  }
0x87: {  	_ =	shalt  }
.Lfunc_end0:
.L_simem_size_0:
called_computation.2_lowered:
.L_overlay_start_0:
0x88: {  	s2 =	sld [smem:$0x3FD9]  }
0x89: {  	s3 =	sld [smem:$0x3FFE];
	_ =	sdelay $0x1  }
0x8a: {  	s1 =	srdreg.scid  }
0x8b: {  	s0 =	sand.u32 $0x1, s1  }
0x8c: {  	s17 =	sshll.u32 s0, $0xA;
	s2 =	sadd.s32 s3, s2  }
0x8d: {  	s2 =	sadd.s32 s2, s17  }
0x8e: {  	[smem:$0x3FC2] =	sst s2  }
0x8f: {  	_ = 	snop  }
0x90: {  	s2 =	sld [smem:$0x3FD0];
	(tm) =	ssettm $0x1  }
0x91: {  	s18 =	sld [smem:$0x3FFB];
	_ =	sdelay $0x3  }
0x92: {  	_ =	strace s18  }
0x93: {  	s3 =	sld [smem:$0x3FFC];
	_ =	sdelay $0x3  }
0x94: {  	_ =	strace s3  }
0x95: {  	s3 =	sld [smem:$0x3FFD];
	_ =	sdelay $0x3  }
0x96: {  	_ =	strace s3  }
0x97: {  	_ =	strace $0x8FFFFFFF  }
0x98: {  	s19 =	sld [smem:$0x3FDB];
	_ =	sdelay $0x1  }
0x99: {  	s4 =	simm.s32 $_scs_section_size  }
0x9a: {  	s5 =	simm.s32 $_size__tile_overlayer_lowered;
	s6 =	simm.s32 $_tile_overlayer_lowered  }
0x9b: {  	s22 =	simm.s32 $0x1BFF;
	s21 =	sshll.u32 s6, $0x1;
	s3 =	sadd.s32 s4, s19  }
0x9c: {  	s7 =	simm.s32 $0x0;
	s20 =	sshll.u32 s5, $0x1;
	s5 =	sadd.s32 s21, s3  }
0x9d: {  	[timem:s7], [sflag:s22] =	dma.local [hbm:s5], s20  }
0x9e: {  	_ =	swait.ge [sflag:s22], s20  }
0x9f: {  	s4 =	ssub.s32 $0x0, s20;
	[sflag:s22] =	ssyncset.done $0x0  }
0xa0: {  	[sflag:s22] =	ssyncadd.s32 s4;
	_ =	sdelay $0x1  }
0xa1: {  	s23 =	simm.s32 $0x1B8B  }
0xa2: {  	_ =	swait.ge [sflag:s23], $0x1  }
0xa3: {  	[sflag:s23] =	ssyncset.done $0x0  }
0xa4: {  	s25 =	simm.s32 $0x1B8E;
	s24 =	sld [smem:$0x3FFE];
	[sflag:s23] =	ssyncadd.s32 $0xFFFFFFFF  }
0xa5: {  	s26 =	simm.s32 $execute0_lowered;
	[smem:$0x3FD2] =	sst s25  }
0xa6: {  	s5 =	sshll.u32 s26, $0x1;
	_ =	strace $0x8000004C;
	[dreg:$0x1] =	wrdreg $0xFFFFFFFF  }
0xa7: {  	s28 =	simm.s32 $_size_execute0_lowered;
	s3 =	sadd.s32 s3, s5;
	[dreg:$0x0] =	wrdreg $0x0  }
0xa8: {  	s5 =	sshll.u32 s28, $0x1;
	[dreg:$0x2] =	wrdreg s3  }
0xa9: {  	[dreg:$0x3] =	wrdreg s5  }
0xaa: {  	[dreg:$0x4] =	wrdreg $0xC0  }
0xab: {  	_ =	task [dreg:s7], $0x5FFFF  }
0xac: {  	[dreg:$0x1] =	wrdreg $0xFFFFFFFF  }
0xad: {  	[dreg:$0x0] =	wrdreg $0x60  }
0xae: {  	[dreg:$0x2] =	wrdreg s24  }
0xaf: {  	[dreg:$0x3] =	wrdreg s2  }
0xb0: {  	[dreg:$0x4] =	wrdreg $0xC8000  }
0xb1: {  	[dreg:$0x5] =	wrdreg $0x9  }
0xb2: {  	_ =	task.clear_ibuf [dreg:s7], $0x6FFFF;
	_ =	strace $0x9000004C  }
0xb3: {  	s29 =	simm.s32 $0x9;
	_ =	strace $0x8000004E  }
0xb4: {  	_ =	swait.ge [sflag:s29], $0x1  }
0xb5: {  	[sflag:s29] =	ssyncadd.s32 $0xFFFFFFFF  }
0xb6: {  	_ =	strace $0x9000004E  }
0xb7: {  	_ =	sfence  }
0xb8: {  	s30 =	sld [smem:$0x0];
	_ =	sdelay $0x2  }
0xb9: {  	s31 =	sshll.u32 s1, $0xD;
	s1 =	sshrl.u32 s1, $0x2  }
0xba: {  	s3 =	sand.u32 $0x4000, s31;
	s1 =	sadd.s32 s1, s30  }
0xbb: {  	s0 =	sor.u32 s3, s0;
	s1 =	sshll.u32 s1, $0x11  }
0xbc: {  	s0 =	sor.u32 s1, s0  }
0xbd: {  	s0 =	sadd.s32 $0x8F2B, s0  }
0xbe: {  	[sflag:s0] =	ssyncadd.remote.s32 $0x1  }
0xbf: {  	_ =	sfence.sel $0xFFFF  }
0xc0: {  	[dreg:$0x0] =	wrdreg $0xFFFFFFFF;
	(pc) =	sbr.abs _section_cstart, $3  }
0xc1: {  	[dreg:$0x1] =	wrdreg $0xFFFFFFFF  }
0xc2: {  	_ =	task.clear_ibuf [dreg:s7], $0x2FFFF;
	_ =	strace $0x9FFFFFFF  }
0xc3: {  	(tm) =	ssettm $0x7FFFFFFF  }
tec
execute0_lowered:
.L_overlay_start_1:
0x0: {  	(tag) =	ssettag $0x1  }
0x1: {  	s0 =	rddreg [dreg:$0x0]  }
0x2: {  	s2 =	rddreg [dreg:$0x1]  }
0x3: {  	s1 =	rddreg [dreg:$0x2]  }
0x4: {  	s3 =	srdreg.scid;
	s8 =	stileid.u32;
	s14 =	simm.s32 $0x9  }
0x5: {  	s15 =	simm.s32 $0x2800;
	s16 =	simm.s32 $0xB000;
	s17 =	simm.s32 $0x80  }
0x6: {  	s18 =	simm.s32 $0x5000;
	s19 =	simm.s32 $0x6800;
	s20 =	simm.s32 $0x1  }
0x7: {  	s22 =	simm.s32 $0x8000;
	s28 =	simm.s32 $0x9800;
	s29 =	simm.s32 $0x3  }
0x8: {  	s31 =	simm.s32 $0x5;
	s5 =	sand.u32 $0x1, s3;
	s9 =	smul.u32 $0x7800, s8  }
0x9: {  	s3 =	simm.s32 $0x0;
	s4 =	sshll.u32 s8, $0x1;
	s8 =	smul.u32 $0x1E000, s8  }
0xa: {  	s30 =	simm.s32 $0x7;
	s6 =	smul.u32 $0x78000, s5;
	[smem:$0x7FF] =	sst s3  }
0xb: {  	s7 =	sor.u32 s5, s4;
	s4 =	sadd.s32 $0x65800, s0;
	s5 =	ssub.s32 $0x2, s5  }
0xc: {  	_ =	strace $0x8000004D;
	s7 =	smul.u32 $0x500, s7;
	s23 =	sshrl.u32 s5, $0x1  }
0xd: {  	s24 =	sshrl.u32 s8, $0x2;
	s26 =	sadd.s32 s9, s1;
	s6 =	sadd.s32 s9, s6  }
0xe: {  	s5 =	ssub.s32 s5, s23;
	s8 =	sadd.s32 s24, s1;
	s23 =	simm.s32 $0x2  }
0xf: {  	s24 =	simm.s32 $0x6;
	s6 =	sshrl.u32 s6, $0x3;
	s10 =	sadd.s32 s7, s0  }
.Ltmp0:
0x10: {  	s2 =	sadd.s32 s2, s7;
	s9 =	smax.u32 s5, $0x1;
	(pc) =	sbr.rel .LBB2_1-.Ltmp0, $4  }
0x11: {  	s11 =	sadd.s32 $0x3000, s8;
	s12 =	sadd.s32 $0x4800, s8;
	s13 =	sadd.s32 $0x6000, s8  }
0x12: {  	s0 =	sadd.s32 s6, s0;
	[dreg:$0x4] =	wrdreg s2;
	s25 =	sadd.s32 $0x1800, s10  }
0x13: {  	s10 =	sadd.s32 $0x1800, s8;
	s2 =	simm.s32 $0x4;
	[dreg:$0x5] =	wrdreg s25  }
0x14: {  	v0 =	vimm.f32 $0.0e+00;
	s7 =	sadd.s32 $0x74800, s0;
	s25 =	sshrl.u32 s26, $0x3;
	s0 =	simm.s32 $0x8  }
.LBB2_6:
0x15: {  	_ =	swait.ge [sflag:s2], $0x1800  }
0x16: {  	[sflag:s2] =	ssyncset.done $0x0  }
0x17: {  	[sflag:s2] =	ssyncadd.s32 $0xFFFFE800  }
0x18: {  	[spmem:s1] =	stream.indirect.scatter.add.f32 [tilespmem:s28], [sflag:$0x8], $0x30, s5, s17, $0xb8;
	[tilespmem:$0x14000] =	vst v63  }
0x19: {  	_ =	swait.ge [sflag:s31], $0x1800  }
0x1a: {  	[sflag:s31] =	ssyncset.done $0x0  }
0x1b: {  	[sflag:s31] =	ssyncadd.s32 $0xFFFFE800  }
0x1c: {  	_ =	swait.ge [sflag:s24], $0x1800  }
0x1d: {  	[sflag:s24] =	ssyncset.done $0x0  }
0x1e: {  	[sflag:s24] =	ssyncadd.s32 $0xFFFFE800  }
0x1f: {  	_ =	swait.ge [sflag:s30], $0x1800  }
0x20: {  	[sflag:s30] =	ssyncset.done $0x0  }
0x21: {  	[sflag:s30] =	ssyncadd.s32 $0xFFFFE800  }
0x22: {  	_ =	swait.ge [sflag:s0], $0x1800  }
0x23: {  	s26 =	stileid.u32;
	s3 =	sadd.s32 $0x1, s3;
	[sflag:s0] =	ssyncset.done $0x0  }
0x24: {  	p0 =	sne.s32 s3, s9;
	s5 =	sshll.u32 s26, $0x6;
	[sflag:s0] =	ssyncadd.s32 $0xFFFFE800  }
.Ltmp1:
0x25: {  	s5 =	sor.u32 $0x1C09, s5;
	[bflag:$0x0] =	sbarrier.arrive $0xFFFF;
	(pc) =	sbr.rel @!p0 .LBB2_7-.Ltmp1, $4  }
0x26: {  	[hbm:s7], [sflag:s5] =	dma.local [spmem:s25], $0xF00  }
0x27: {  	_ =	swait.ge [sflag:s14], $0xF00  }
0x28: {  	[sflag:s14] =	ssyncset.done $0x0  }
0x29: {  	[sflag:s14] =	ssyncadd.s32 $0xFFFFF100  }
.LBB2_1:
0x2a: {  	s21 =	simm.s32 $0xC0;
	s5 =	simm.s32 $0x0  }
.LBB2_2:
0x2b: {  	p0 =	sne.s32 s21, $0x5F40;
	[tilespmem:s5+$0xB020] =	vst v0;
	s26 =	smov.u32 s21;
	s21 =	sadd.s32 $0xC0, s21  }
.Ltmp2:
0x2c: {  	[tilespmem:s5+$0xB000] =	vst v0;
	(pc) =	sbr.rel @p0 .LBB2_2-.Ltmp2, $2  }
0x2d: {  	[tilespmem:s5+$0xB010] =	vst v0;
	_ =	sdelay $0x2  }
0x2e: {  	s5 =	sshra.s32 s26, $0x2  }
0x2f: {  	[tilespmem:s5+$0xB020] =	vst v0  }
0x30: {  	[tilespmem:s5+$0xB000] =	vst v0  }
0x31: {  	[tilespmem:s5+$0xB010] =	vst v0;
	s21 =	simm.s32 $0x0;
	s26 =	rddreg [dreg:$0x4]  }
0x32: {  	[tilespmem:s21], [sflag:$0x9] =	stream.linear.gather [hbm4b:s26+s21], $0x2800, $0x38;
	[tilespmem:$0x14000] =	vst v63  }
0x33: {  	_ =	swait.ge [sflag:s14], $0x2800  }
0x34: {  	[sflag:s14] =	ssyncset.done $0x0  }
0x35: {  	s6 =	rddreg [dreg:$0x5];
	[sflag:s14] =	ssyncadd.s32 $0xFFFFD800  }
0x36: {  	[tilespmem:s15], [sflag:$0x9] =	stream.linear.gather [hbm4b:s6+s21], $0x2800, $0x38;
	[tilespmem:$0x14000] =	vst v63  }
0x37: {  	_ =	swait.ge [sflag:s14], $0x2800  }
0x38: {  	[sflag:s14] =	ssyncset.done $0x0  }
0x39: {  	[sflag:s14] =	ssyncadd.s32 $0xFFFFD800  }
0x3a: {  	[spmem:s8] =	stream.linear.scatter [tilespmem:s16], [sflag:$0x9], $0x1800, $0x38;
	[tilespmem:$0x14000] =	vst v63  }
0x3b: {  	_ =	swait.ge [sflag:s14], $0x1800  }
0x3c: {  	[sflag:s14] =	ssyncset.done $0x0  }
0x3d: {  	[sflag:s14] =	ssyncadd.s32 $0xFFFFE800  }
0x3e: {  	[spmem:s10] =	stream.linear.scatter [tilespmem:s16], [sflag:$0x9], $0x1800, $0x38;
	[tilespmem:$0x14000] =	vst v63  }
0x3f: {  	_ =	swait.ge [sflag:s14], $0x1800  }
0x40: {  	[sflag:s14] =	ssyncset.done $0x0  }
0x41: {  	[sflag:s14] =	ssyncadd.s32 $0xFFFFE800  }
0x42: {  	[spmem:s11] =	stream.linear.scatter [tilespmem:s16], [sflag:$0x9], $0x1800, $0x38;
	[tilespmem:$0x14000] =	vst v63  }
0x43: {  	_ =	swait.ge [sflag:s14], $0x1800  }
0x44: {  	[sflag:s14] =	ssyncset.done $0x0  }
0x45: {  	[sflag:s14] =	ssyncadd.s32 $0xFFFFE800  }
0x46: {  	[spmem:s12] =	stream.linear.scatter [tilespmem:s16], [sflag:$0x9], $0x1800, $0x38;
	[tilespmem:$0x14000] =	vst v63  }
0x47: {  	_ =	swait.ge [sflag:s14], $0x1800  }
0x48: {  	[sflag:s14] =	ssyncset.done $0x0  }
0x49: {  	[sflag:s14] =	ssyncadd.s32 $0xFFFFE800  }
0x4a: {  	[spmem:s13] =	stream.linear.scatter [tilespmem:s16], [sflag:$0x9], $0x1800, $0x38;
	[tilespmem:$0x14000] =	vst v63  }
0x4b: {  	_ =	swait.ge [sflag:s14], $0x1800  }
0x4c: {  	[sflag:s14] =	ssyncset.done $0x0  }
0x4d: {  	[sflag:s14] =	ssyncadd.s32 $0xFFFFE800  }
0x4e: {  	[bflag:$0x0] =	sbarrier.arrive $0xFFFF  }
0x4f: {  	[tilespmem:s18], [sflag:$0x1] =	stream.indirect.gather [hbm4b:s4+s17], $0x30, s21, s17, $0xb8;
	[tilespmem:$0x14000] =	vst v63  }
0x50: {  	_ = 	snop  }
0x51: {  	[tilespmem:s19], [sflag:$0x2] =	stream.indirect.gather [hbm4b:s4+s17], $0x30, s17, s17, $0xb8;
	[tilespmem:$0x14000] =	vst v63  }
0x52: {  	_ =	swait.ge [sflag:s20], $0x1800  }
0x53: {  	[sflag:s20] =	ssyncset.done $0x0  }
0x54: {  	[sflag:s20] =	ssyncadd.s32 $0xFFFFE800  }
0x55: {  	[spmem:s1] =	stream.indirect.scatter.add.f32 [tilespmem:s18], [sflag:$0x5], $0x30, s15, s17, $0xb8;
	[tilespmem:$0x14000] =	vst v63  }
0x56: {  	s26 =	simm.s32 $0x100  }
0x57: {  	[tilespmem:s22], [sflag:$0x3] =	stream.indirect.gather [hbm4b:s4+s17], $0x30, s26, s17, $0xb8;
	[tilespmem:$0x14000] =	vst v63  }
0x58: {  	_ =	swait.ge [sflag:s23], $0x1800  }
0x59: {  	[sflag:s23] =	ssyncset.done $0x0  }
0x5a: {  	s6 =	simm.s32 $0x2880;
	[sflag:s23] =	ssyncadd.s32 $0xFFFFE800  }
0x5b: {  	[spmem:s1] =	stream.indirect.scatter.add.f32 [tilespmem:s19], [sflag:$0x6], $0x30, s6, s17, $0xb8;
	[tilespmem:$0x14000] =	vst v63  }
0x5c: {  	s26 =	simm.s32 $0x180  }
0x5d: {  	[tilespmem:s28], [sflag:$0x4] =	stream.indirect.gather [hbm4b:s4+s17], $0x30, s26, s17, $0xb8;
	[tilespmem:$0x14000] =	vst v63  }
0x5e: {  	_ =	swait.ge [sflag:s29], $0x1800  }
0x5f: {  	[sflag:s29] =	ssyncset.done $0x0  }
0x60: {  	s6 =	simm.s32 $0x2900;
	[sflag:s29] =	ssyncadd.s32 $0xFFFFE800  }
0x61: {  	[spmem:s1] =	stream.indirect.scatter.add.f32 [tilespmem:s22], [sflag:$0x7], $0x30, s6, s17, $0xb8;
	[tilespmem:$0x14000] =	vst v63  }
0x62: {  	_ =	swait.ge [sflag:s31], $0x1800  }
0x63: {  	[sflag:s31] =	ssyncset.done $0x0  }
0x64: {  	s26 =	simm.s32 $0x200;
	[sflag:s31] =	ssyncadd.s32 $0xFFFFE800  }
0x65: {  	[tilespmem:s18], [sflag:$0x1] =	stream.indirect.gather [hbm4b:s4+s17], $0x30, s26, s17, $0xb8;
	[tilespmem:$0x14000] =	vst v63  }
0x66: {  	_ =	swait.ge [sflag:s2], $0x1800  }
0x67: {  	[sflag:s2] =	ssyncset.done $0x0  }
0x68: {  	s6 =	simm.s32 $0x2980;
	[sflag:s2] =	ssyncadd.s32 $0xFFFFE800  }
0x69: {  	[spmem:s1] =	stream.indirect.scatter.add.f32 [tilespmem:s28], [sflag:$0x8], $0x30, s6, s17, $0xb8;
	[tilespmem:$0x14000] =	vst v63  }
0x6a: {  	_ =	swait.ge [sflag:s24], $0x1800  }
0x6b: {  	[sflag:s24] =	ssyncset.done $0x0  }
0x6c: {  	s26 =	simm.s32 $0x280;
	[sflag:s24] =	ssyncadd.s32 $0xFFFFE800  }
0x6d: {  	[tilespmem:s19], [sflag:$0x2] =	stream.indirect.gather [hbm4b:s4+s17], $0x30, s26, s17, $0xb8;
	[tilespmem:$0x14000] =	vst v63  }
.LBB2_4:
0x6e: {  	_ =	swait.ge [sflag:s20], $0x1800  }
0x6f: {  	s26 =	sshra.s32 s21, $0x2;
	[sflag:s20] =	ssyncset.done $0x0  }
0x70: {  	s5 =	sadd.s32 $0x2A00, s26;
	[sflag:s20] =	ssyncadd.s32 $0xFFFFE800  }
0x71: {  	[spmem:s1] =	stream.indirect.scatter.add.f32 [tilespmem:s18], [sflag:$0x5], $0x30, s5, s17, $0xb8;
	[tilespmem:$0x14000] =	vst v63  }
0x72: {  	_ =	swait.ge [sflag:s30], $0x1800  }
0x73: {  	[sflag:s30] =	ssyncset.done $0x0  }
0x74: {  	s6 =	sadd.s32 $0x300, s26;
	[sflag:s30] =	ssyncadd.s32 $0xFFFFE800  }
0x75: {  	[tilespmem:s22], [sflag:$0x3] =	stream.indirect.gather [hbm4b:s4+s17], $0x30, s6, s17, $0xb8;
	[tilespmem:$0x14000] =	vst v63  }
0x76: {  	_ =	swait.ge [sflag:s23], $0x1800  }
0x77: {  	[sflag:s23] =	ssyncset.done $0x0  }
0x78: {  	s6 =	sadd.s32 $0x2A80, s26;
	[sflag:s23] =	ssyncadd.s32 $0xFFFFE800  }
0x79: {  	[spmem:s1] =	stream.indirect.scatter.add.f32 [tilespmem:s19], [sflag:$0x6], $0x30, s6, s17, $0xb8;
	[tilespmem:$0x14000] =	vst v63  }
0x7a: {  	_ =	swait.ge [sflag:s0], $0x1800  }
0x7b: {  	[sflag:s0] =	ssyncset.done $0x0  }
0x7c: {  	p0 =	seq.s32 s21, $0x9000;
	s6 =	sadd.s32 $0x380, s26;
	[sflag:s0] =	ssyncadd.s32 $0xFFFFE800  }
0x7d: {  	[tilespmem:s28], [sflag:$0x4] =	stream.indirect.gather [hbm4b:s4+s17], $0x30, s6, s17, $0xb8;
	[tilespmem:$0x14000] =	vst v63  }
.Ltmp3:
0x7e: {  	_ = 	snop;
	(pc) =	sbr.rel @p0 .LBB2_6-.Ltmp3, $4  }
0x7f: {  	_ =	swait.ge [sflag:s29], $0x1800  }
0x80: {  	[sflag:s29] =	ssyncset.done $0x0  }
0x81: {  	s5 =	sadd.s32 $0x2B80, s26;
	s6 =	sadd.s32 $0x2B00, s26;
	[sflag:s29] =	ssyncadd.s32 $0xFFFFE800  }
0x82: {  	[spmem:s1] =	stream.indirect.scatter.add.f32 [tilespmem:s22], [sflag:$0x7], $0x30, s6, s17, $0xb8;
	[tilespmem:$0x14000] =	vst v63  }
0x83: {  	_ =	swait.ge [sflag:s31], $0x1800  }
0x84: {  	[sflag:s31] =	ssyncset.done $0x0  }
0x85: {  	s6 =	sadd.s32 $0x400, s26;
	[sflag:s31] =	ssyncadd.s32 $0xFFFFE800  }
0x86: {  	[tilespmem:s18], [sflag:$0x1] =	stream.indirect.gather [hbm4b:s4+s17], $0x30, s6, s17, $0xb8;
	[tilespmem:$0x14000] =	vst v63  }
0x87: {  	_ =	swait.ge [sflag:s2], $0x1800  }
0x88: {  	[sflag:s2] =	ssyncset.done $0x0  }
0x89: {  	[sflag:s2] =	ssyncadd.s32 $0xFFFFE800  }
0x8a: {  	[spmem:s1] =	stream.indirect.scatter.add.f32 [tilespmem:s28], [sflag:$0x8], $0x30, s5, s17, $0xb8;
	[tilespmem:$0x14000] =	vst v63  }
.Ltmp4:
0x8b: {  	_ = 	snop;
	(pc) =	sbr.rel .LBB2_4-.Ltmp4, $4  }
0x8c: {  	_ =	swait.ge [sflag:s24], $0x1800  }
0x8d: {  	[sflag:s24] =	ssyncset.done $0x0  }
0x8e: {  	s26 =	sadd.s32 $0x480, s26;
	s21 =	sadd.s32 $0x800, s21;
	[sflag:s24] =	ssyncadd.s32 $0xFFFFE800  }
0x8f: {  	[tilespmem:s19], [sflag:$0x2] =	stream.indirect.gather [hbm4b:s4+s17], $0x30, s26, s17, $0xb8;
	[tilespmem:$0x14000] =	vst v63  }
.LBB2_7:
0x90: {  	_ =	sfence.sel $0x180000  }
0x91: {  	[bflag:$0x0] =	sbarrier.arrive $0xFFFF  }
0x92: {  	_ =	strace $0x9000004D  }
0x93: {  	s0 =	stileid.u32;
	[bflag:$0x2] =	sbarrier.arrive $0xFFFF  }
0x94: {  	p0 =	sne.s32 s0, $0x0;
	s0 =	rddreg [dreg:$0x3]  }
0x95: {  	s0 =	sadd.s32 @!p0 $0x100000, s0  }
0x96: {  	[sflag:s0] =	ssyncadd.tile.s32 @!p0 $0x1;
	_ =	shalt  }
.Lfunc_end2:
_tile_overlayer_lowered:
.L_overlay_start_2:
0x97: {  	(tag) =	ssettag $0x2  }
0x98: {  	s0 =	rddreg [dreg:$0x0];
	s2 =	stileid.u32  }
0x99: {  	s1 =	rddreg [dreg:$0x1];
	p0 =	sne.s32 s2, $0x0  }
0x9a: {  	s3 =	rddreg [dreg:$0x2];
	[bflag:$0x3] =	sbarrier.arrive $0xFFFF;
	s2 =	simm.s32 @!p0 $0x1C09  }
0x9b: {  	[timem:s3], [sflag:s2] =	dma.local @!p0 [hbm:s0], s1  }
0x9c: {  	s0 =	simm.s32 @!p0 $0x9  }
0x9d: {  	_ =	swait.ge @!p0 [sflag:s0], s1  }
0x9e: {  	s1 =	ssub.s32 @!p0 $0x0, s1;
	[sflag:s0] =	ssyncset.done @!p0 $0x0  }
0x9f: {  	[sflag:s0] =	ssyncadd.s32 @!p0 s1  }
0xa0: {  	[bflag:$0x3] =	sbarrier.arrive $0xFFFF  }
0xa1: {  	_ =	shalt  }

// kernel: kernel.8.cloned.1.call-start
scs
__scs_entry_jumppad:
0x0: {  	(pc) =	sbr.rel $0x88, $3  }
0x1: {  	(tag) =	ssettag $0x0;
	lr =	simm.s32 $0x1  }
0x2: {  	[smem:$0x3F9B] =	sst lr;
	_ =	strace $0xD0000000  }
0x3: {  	_ = 	snop  }
0x4: {  	_ = 	snop  }
0x5: {  	_ = 	snop  }
0x6: {  	_ = 	snop  }
0x7: {  	_ = 	snop  }
__scs_overlays_trampoline_lowered:
0x8: {  	[smem:$0x3FAA] =	sst s0  }
0x9: {  	[smem:$0x3FAB] =	sst s1  }
0xa: {  	[smem:$0x3FAC] =	sst s2  }
0xb: {  	[smem:$0x3FAD] =	sst s3  }
0xc: {  	[smem:$0x3FAE] =	sst s4  }
0xd: {  	[smem:$0x3FAF] =	sst s5  }
0xe: {  	[smem:$0x3FB0] =	sst s6  }
0xf: {  	[smem:$0x3FB1] =	sst s7  }
0x10: {  	[smem:$0x3FB2] =	sst s8  }
0x11: {  	[smem:$0x3FB3] =	sst s9;
	s0 =	simm.s32 @!p0 $0x0  }
0x12: {  	s1 =	sld [smem:$0x3F99];
	s0 =	simm.s32 @p0 $0x1  }
0x13: {  	[smem:$0x3FB4] =	sst s0;
	s0 =	simm.s32 @!p1 $0x0  }
0x14: {  	s2 =	sld [smem:$0x3F98];
	s0 =	simm.s32 @p1 $0x1  }
0x15: {  	[smem:$0x3FB5] =	sst s0;
	s0 =	simm.s32 @!p2 $0x0  }
0x16: {  	s3 =	sld [smem:$0x3FDB];
	s0 =	simm.s32 @p2 $0x1  }
0x17: {  	s4 =	simm.s32 $0x1BF5;
	[smem:$0x3FB7] =	sst s0  }
0x18: {  	s0 =	sld [smem:$0x3F9A];
	_ =	swait.ge [sflag:s4], $0x0  }
0x19: {  	s7 =	sld [smem:$0x3F9B]  }
0x1a: {  	s8 =	sadd.s32 $0xFFFFE003, lr  }
0x1b: {  	s9 =	sadd.s32 $0xFFFFFEF7, lr;
	s5 =	simm.s32 $0xFFFFFFFF;
	p2 =	slt.u32 s8, $0xFFFFF086  }
0x1c: {  	p1 =	slt.u32 s9, $0xF7A;
	s5 =	simm.s32 @!p2 $0x0  }
0x1d: {  	s5 =	simm.s32 @p1 $0x1;
	p0 =	seq.s32 s7, s2  }
0x1e: {  	s7 =	smul.u32 @!p0 $0xF7A, s2;
	p2 =	seq.s32 @!p0 s5, $0x0  }
0x1f: {  	s9 =	smul.u32 $0xF7A, s1;
	s8 =	simm.s32 @!p0 $0x1BF5;
	p2 =	por !p2, p0  }
0x20: {  	[sflag:s8] =	ssyncset.s32 @!p0 $0xFFFFF086;
	s6 =	sadd.s32 @!p0 s3, s7;
	s7 =	simm.s32 @!p0 $0x108  }
0x21: {  	s3 =	sadd.s32 s3, s9;
	s6 =	sadd.s32 @!p0 $0x88, s6;
	s7 =	simm.s32 @p2 $0x1082  }
0x22: {  	[simem:s7], [sflag:s8] =	dma.local @!p0 [hbm:s6], $0xF7A  }
0x23: {  	s9 =	sor.u32 $0xD0000000, s2;
	s6 =	simm.s32 $0x108;
	_ =	swait.ge @!p0 [sflag:s8], $0x0  }
0x24: {  	s3 =	sadd.s32 $0x88, s3;
	s6 =	simm.s32 @!p1 $0x1082;
	[sflag:s4] =	ssyncset.s32 $0xFFFFF086  }
0x25: {  	[simem:s6], [sflag:s4] =	dma.local [hbm:s3], $0xF7A  }
0x26: {  	[smem:$0x3F9B] =	sst s1;
	(tag) =	ssettag s2;
	_ =	strace s9  }
0x27: {  	s1 =	sld [smem:$0x3FAB]  }
0x28: {  	s2 =	sld [smem:$0x3FAC]  }
0x29: {  	s4 =	sld [smem:$0x3FAE]  }
0x2a: {  	p0 =	seq.s32 s5, $0x0;
	s5 =	sld [smem:$0x3FAF]  }
0x2b: {  	s6 =	sld [smem:$0x3FB0]  }
0x2c: {  	s7 =	sld [smem:$0x3FB1]  }
0x2d: {  	s3 =	simm.s32 $0x108;
	s8 =	sld [smem:$0x3FB2]  }
0x2e: {  	s3 =	simm.s32 @!p0 $0x1082;
	s9 =	sld [smem:$0x3FB3]  }
0x2f: {  	lr =	sadd.s32 s0, s3;
	s0 =	sld [smem:$0x3FAA]  }
0x30: {  	s3 =	sld [smem:$0x3FAD]  }
0x31: {  	[smem:$0x3FB6] =	sst s10  }
0x32: {  	s10 =	sld [smem:$0x3FB4];
	_ =	sdelay $0x3  }
0x33: {  	p0 =	seq.s32 s10, $0x1;
	s10 =	sld [smem:$0x3FB6];
	_ =	sdelay $0x3  }
0x34: {  	[smem:$0x3FB6] =	sst s10  }
0x35: {  	s10 =	sld [smem:$0x3FB5];
	_ =	sdelay $0x3  }
0x36: {  	p1 =	seq.s32 s10, $0x1;
	s10 =	sld [smem:$0x3FB6];
	_ =	sdelay $0x3  }
0x37: {  	[smem:$0x3FB6] =	sst s10  }
0x38: {  	s10 =	sld [smem:$0x3FB7]  }
0x39: {  	_ = 	snop;
	(pc) =	sbr.ind lr, $3  }
0x3a: {  	_ = 	snop  }
0x3b: {  	_ = 	snop  }
0x3c: {  	p2 =	seq.s32 s10, $0x1;
	s10 =	sld [smem:$0x3FB6]  }
0x3d: {  	_ =	shalt  }
0x3e: {  	_ =	shalt  }
0x3f: {  	_ =	shalt  }
0x40: {  	_ =	shalt  }
0x41: {  	_ =	shalt  }
0x42: {  	_ =	shalt  }
0x43: {  	_ =	shalt  }
0x44: {  	_ =	shalt  }
0x45: {  	_ =	shalt  }
0x46: {  	_ =	shalt  }
0x47: {  	_ =	shalt  }
0x48: {  	_ =	shalt  }
0x49: {  	_ =	shalt  }
0x4a: {  	_ =	shalt  }
0x4b: {  	_ =	shalt  }
0x4c: {  	_ =	shalt  }
0x4d: {  	_ =	shalt  }
0x4e: {  	_ =	shalt  }
0x4f: {  	_ =	shalt  }
0x50: {  	_ =	shalt  }
0x51: {  	_ =	shalt  }
0x52: {  	_ =	shalt  }
0x53: {  	_ =	shalt  }
0x54: {  	_ =	shalt  }
0x55: {  	_ =	shalt  }
0x56: {  	_ =	shalt  }
0x57: {  	_ =	shalt  }
0x58: {  	_ =	shalt  }
0x59: {  	_ =	shalt  }
0x5a: {  	_ =	shalt  }
0x5b: {  	_ =	shalt  }
0x5c: {  	_ =	shalt  }
0x5d: {  	_ =	shalt  }
0x5e: {  	_ =	shalt  }
0x5f: {  	_ =	shalt  }
0x60: {  	_ =	shalt  }
0x61: {  	_ =	shalt  }
0x62: {  	_ =	shalt  }
0x63: {  	_ =	shalt  }
0x64: {  	_ =	shalt  }
0x65: {  	_ =	shalt  }
0x66: {  	_ =	shalt  }
0x67: {  	_ =	shalt  }
0x68: {  	_ =	shalt  }
0x69: {  	_ =	shalt  }
0x6a: {  	_ =	shalt  }
0x6b: {  	_ =	shalt  }
0x6c: {  	_ =	shalt  }
0x6d: {  	_ =	shalt  }
0x6e: {  	_ =	shalt  }
0x6f: {  	_ =	shalt  }
0x70: {  	_ =	shalt  }
0x71: {  	_ =	shalt  }
0x72: {  	_ =	shalt  }
0x73: {  	_ =	shalt  }
0x74: {  	_ =	shalt  }
0x75: {  	_ =	shalt  }
0x76: {  	_ =	shalt  }
0x77: {  	_ =	shalt  }
0x78: {  	_ =	shalt  }
0x79: {  	_ =	shalt  }
0x7a: {  	_ =	shalt  }
0x7b: {  	_ =	shalt  }
0x7c: {  	_ =	shalt  }
0x7d: {  	_ =	shalt  }
0x7e: {  	_ =	shalt  }
0x7f: {  	_ =	shalt  }
0x80: {  	_ =	shalt  }
0x81: {  	_ =	shalt  }
0x82: {  	_ =	shalt  }
0x83: {  	_ =	shalt  }
0x84: {  	_ =	shalt  }
0x85: {  	_ =	shalt  }
0x86: {  	_ =	shalt  }
0x87: {  	_ =	shalt  }
.Lfunc_end0:
.L_simem_size_0:
called_computation_lowered:
.L_overlay_start_0:
0x88: {  	s2 =	sld [smem:$0x3FD9]  }
0x89: {  	s3 =	sld [smem:$0x3FFE];
	_ =	sdelay $0x1  }
0x8a: {  	s1 =	srdreg.scid  }
0x8b: {  	s0 =	sand.u32 $0x1, s1  }
0x8c: {  	s16 =	sshll.u32 s0, $0xA;
	s2 =	sadd.s32 s3, s2  }
0x8d: {  	s2 =	sadd.s32 s2, s16  }
0x8e: {  	[smem:$0x3FC2] =	sst s2  }
0x8f: {  	_ = 	snop  }
0x90: {  	(tm) =	ssettm $0x1  }
0x91: {  	s17 =	sld [smem:$0x3FFB];
	_ =	sdelay $0x3  }
0x92: {  	_ =	strace s17  }
0x93: {  	s2 =	sld [smem:$0x3FFC];
	_ =	sdelay $0x3  }
0x94: {  	_ =	strace s2  }
0x95: {  	s2 =	sld [smem:$0x3FFD];
	_ =	sdelay $0x3  }
0x96: {  	_ =	strace s2  }
0x97: {  	_ =	strace $0x8FFFFFFF  }
0x98: {  	s18 =	sld [smem:$0x3FDB];
	_ =	sdelay $0x1  }
0x99: {  	s19 =	simm.s32 $_scs_section_size  }
0x9a: {  	s4 =	simm.s32 $_size__tile_overlayer_lowered;
	s5 =	simm.s32 $_tile_overlayer_lowered  }
0x9b: {  	s22 =	simm.s32 $0x1BFF;
	s21 =	sshll.u32 s5, $0x1;
	s2 =	sadd.s32 s19, s18  }
0x9c: {  	s6 =	simm.s32 $0x0;
	s20 =	sshll.u32 s4, $0x1;
	s4 =	sadd.s32 s21, s2  }
0x9d: {  	[timem:s6], [sflag:s22] =	dma.local [hbm:s4], s20  }
0x9e: {  	_ =	swait.ge [sflag:s22], s20  }
0x9f: {  	s3 =	ssub.s32 $0x0, s20;
	[sflag:s22] =	ssyncset.done $0x0  }
0xa0: {  	[sflag:s22] =	ssyncadd.s32 s3;
	_ =	sdelay $0x1  }
0xa1: {  	s23 =	simm.s32 $0x1B8B  }
0xa2: {  	_ =	swait.ge [sflag:s23], $0x1  }
0xa3: {  	[sflag:s23] =	ssyncset.done $0x0  }
0xa4: {  	s25 =	simm.s32 $0x1B8E;
	s24 =	sld [smem:$0x3FFE];
	[sflag:s23] =	ssyncadd.s32 $0xFFFFFFFF  }
0xa5: {  	s26 =	simm.s32 $execute0_lowered;
	[smem:$0x3FD2] =	sst s25  }
0xa6: {  	s4 =	sshll.u32 s26, $0x1;
	_ =	strace $0x80000046;
	[dreg:$0x1] =	wrdreg $0xFFFFFFFF  }
0xa7: {  	s28 =	simm.s32 $_size_execute0_lowered;
	s2 =	sadd.s32 s2, s4;
	[dreg:$0x0] =	wrdreg $0x0  }
0xa8: {  	s4 =	sshll.u32 s28, $0x1;
	[dreg:$0x2] =	wrdreg s2  }
0xa9: {  	[dreg:$0x3] =	wrdreg s4  }
0xaa: {  	[dreg:$0x4] =	wrdreg $0xC0  }
0xab: {  	_ =	task [dreg:s6], $0x5FFFF  }
0xac: {  	[dreg:$0x1] =	wrdreg $0xFFFFFFFF  }
0xad: {  	[dreg:$0x0] =	wrdreg $0x60  }
0xae: {  	[dreg:$0x2] =	wrdreg s24  }
0xaf: {  	[dreg:$0x3] =	wrdreg $0x38000  }
0xb0: {  	[dreg:$0x4] =	wrdreg $0x9  }
0xb1: {  	_ =	task.clear_ibuf [dreg:s6], $0x5FFFF;
	_ =	strace $0x90000046  }
0xb2: {  	s29 =	simm.s32 $0x9;
	_ =	strace $0x80000048  }
0xb3: {  	_ =	swait.ge [sflag:s29], $0x1  }
0xb4: {  	[sflag:s29] =	ssyncadd.s32 $0xFFFFFFFF  }
0xb5: {  	_ =	strace $0x90000048  }
0xb6: {  	_ =	sfence  }
0xb7: {  	s30 =	sld [smem:$0x0];
	_ =	sdelay $0x2  }
0xb8: {  	s31 =	sshll.u32 s1, $0xD;
	s1 =	sshrl.u32 s1, $0x2  }
0xb9: {  	s3 =	sand.u32 $0x4000, s31;
	s1 =	sadd.s32 s1, s30  }
0xba: {  	s0 =	sor.u32 s3, s0;
	s1 =	sshll.u32 s1, $0x11  }
0xbb: {  	s0 =	sor.u32 s1, s0  }
0xbc: {  	s0 =	sadd.s32 $0x8F2B, s0  }
0xbd: {  	[sflag:s0] =	ssyncadd.remote.s32 $0x1  }
0xbe: {  	_ =	sfence.sel $0xFFFF  }
0xbf: {  	[dreg:$0x0] =	wrdreg $0xFFFFFFFF;
	(pc) =	sbr.abs _section_cstart, $3  }
0xc0: {  	[dreg:$0x1] =	wrdreg $0xFFFFFFFF  }
0xc1: {  	_ =	task.clear_ibuf [dreg:s6], $0x2FFFF;
	_ =	strace $0x9FFFFFFF  }
0xc2: {  	(tm) =	ssettm $0x7FFFFFFF  }
0xc3: {  	_ =	shalt  }
tec
execute0_lowered:
.L_overlay_start_1:
0x0: {  	(tag) =	ssettag $0x1  }
0x1: {  	s1 =	srdreg.scid  }
0x2: {  	s0 =	stileid.u32;
	s5 =	rddreg [dreg:$0x0]  }
0x3: {  	s2 =	rddreg [dreg:$0x1];
	s3 =	simm.s32 $0x0;
	s12 =	simm.s32 $0x3000  }
0x4: {  	s13 =	simm.s32 $0x1;
	s14 =	simm.s32 $0x80;
	s15 =	simm.s32 $0x2800  }
0x5: {  	s4 =	sand.u32 $0x1, s1;
	s31 =	sshll.u32 s0, $0x1;
	s8 =	smul.u32 $0x2800, s0  }
0x6: {  	[smem:$0x7FF] =	sst s3;
	s9 =	smul.u32 $0xA000, s0;
	s16 =	sshll.u32 s0, $0x6  }
0x7: {  	s1 =	sor.u32 s4, s31;
	s7 =	smul.u32 $0x28000, s4;
	s4 =	ssub.s32 $0x2, s4  }
0x8: {  	s16 =	sor.u32 $0x1C01, s16;
	s6 =	smul.u32 $0x500, s1;
	s1 =	rddreg [dreg:$0x2]  }
0x9: {  	_ =	strace $0x80000047;
	s10 =	sshrl.u32 s4, $0x1;
	s9 =	sshrl.u32 s9, $0x2  }
0xa: {  	s17 =	sadd.s32 s8, s2;
	s7 =	sadd.s32 s8, s7;
	s10 =	ssub.s32 s4, s10  }
0xb: {  	s4 =	sadd.s32 s9, s2;
	s17 =	sshrl.u32 s17, $0x3;
	s6 =	sadd.s32 s6, s5  }
0xc: {  	s7 =	sshrl.u32 s7, $0x3;
	s8 =	sadd.s32 $0x800, s4;
	s9 =	sadd.s32 $0x1000, s4  }
0xd: {  	s11 =	sadd.s32 $0x2000, s4;
	s7 =	sadd.s32 s7, s5;
	s5 =	sadd.s32 $0x1800, s6  }
0xe: {  	v0 =	vimm.f32 $0.0e+00;
	v1 =	vimm.f32 $6.250000000e-02;
	s6 =	sadd.s32 $0xB800, s7;
	s7 =	smax.u32 s10, $0x1;
	s10 =	sadd.s32 $0x1800, s4  }
.LBB2_1:
0xf: {  	s18 =	simm.s32 $0x0  }
.LBB2_2:
0x10: {  	p0 =	sne.s32 s18, $0x1FC0  }
.Ltmp0:
0x11: {  	_ = 	snop;
	(pc) =	sbr.rel @p0 .LBB2_2-.Ltmp0, $3  }
0x12: {  	_ =	sdelay $0x1  }
0x13: {  	s19 =	sshra.s32 s18, $0x2  }
0x14: {  	s18 =	sadd.s32 $0x40, s18;
	[tilespmem:s19+$0x3000] =	vst v0  }
0x15: {  	s18 =	simm.s32 $0x40;
	s19 =	simm.s32 $0x0  }
.LBB2_4:
0x16: {  	p0 =	sne.s32 s18, $0x1FC0;
	[tilespmem:s19+$0x2800] =	vst v1;
	s19 =	smov.u32 s18;
	s18 =	sadd.s32 $0x40, s18  }
.Ltmp1:
0x17: {  	(pc) =	sbr.rel @p0 .LBB2_4-.Ltmp1, $2  }
0x18: {  	_ =	sdelay $0x2  }
0x19: {  	s19 =	sshra.s32 s19, $0x2  }
0x1a: {  	[tilespmem:s19+$0x2800] =	vst v1  }
0x1b: {  	[spmem:s4] =	stream.linear.scatter [tilespmem:s12], [sflag:$0x1], $0x800, $0x38;
	[tilespmem:$0x6000] =	vst v63  }
0x1c: {  	_ =	swait.ge [sflag:s13], $0x800  }
0x1d: {  	[sflag:s13] =	ssyncset.done $0x0  }
0x1e: {  	[sflag:s13] =	ssyncadd.s32 $0xFFFFF800  }
0x1f: {  	[spmem:s8] =	stream.linear.scatter [tilespmem:s12], [sflag:$0x1], $0x800, $0x38;
	[tilespmem:$0x6000] =	vst v63  }
0x20: {  	_ =	swait.ge [sflag:s13], $0x800  }
0x21: {  	[sflag:s13] =	ssyncset.done $0x0  }
0x22: {  	[sflag:s13] =	ssyncadd.s32 $0xFFFFF800  }
0x23: {  	[spmem:s9] =	stream.linear.scatter [tilespmem:s12], [sflag:$0x1], $0x800, $0x38;
	[tilespmem:$0x6000] =	vst v63  }
0x24: {  	_ =	swait.ge [sflag:s13], $0x800  }
0x25: {  	[sflag:s13] =	ssyncset.done $0x0  }
0x26: {  	[sflag:s13] =	ssyncadd.s32 $0xFFFFF800  }
0x27: {  	[spmem:s10] =	stream.linear.scatter [tilespmem:s12], [sflag:$0x1], $0x800, $0x38;
	[tilespmem:$0x6000] =	vst v63  }
0x28: {  	_ =	swait.ge [sflag:s13], $0x800  }
0x29: {  	[sflag:s13] =	ssyncset.done $0x0  }
0x2a: {  	[sflag:s13] =	ssyncadd.s32 $0xFFFFF800  }
0x2b: {  	[spmem:s11] =	stream.linear.scatter [tilespmem:s12], [sflag:$0x1], $0x800, $0x38;
	[tilespmem:$0x6000] =	vst v63  }
0x2c: {  	_ =	swait.ge [sflag:s13], $0x800  }
0x2d: {  	[sflag:s13] =	ssyncset.done $0x0  }
0x2e: {  	s18 =	simm.s32 $0x0;
	[sflag:s13] =	ssyncadd.s32 $0xFFFFF800  }
0x2f: {  	[tilespmem:s18], [sflag:$0x1] =	stream.linear.gather [hbm4b:s5+s18], $0x2800, $0x38;
	[tilespmem:$0x6000] =	vst v63  }
0x30: {  	_ =	swait.ge [sflag:s13], $0x2800  }
0x31: {  	[sflag:s13] =	ssyncset.done $0x0  }
0x32: {  	[sflag:s13] =	ssyncadd.s32 $0xFFFFD800  }
0x33: {  	s31 =	simm.s32 $0x0;
	[bflag:$0x0] =	sbarrier.arrive $0xFFFF  }
0x34: {  	[spmem:s2] =	stream.indirect.scatter.add.f32 [tilespmem:s15], [sflag:$0x1], $0x10, s31, s14, $0xb8;
	[tilespmem:$0x6000] =	vst v63  }
0x35: {  	_ =	swait.ge [sflag:s13], $0x800  }
0x36: {  	s18 =	simm.s32 $0x200;
	[sflag:s13] =	ssyncset.done $0x0  }
.LBB2_6:
0x37: {  	s19 =	sshra.s32 s18, $0x2;
	[sflag:s13] =	ssyncadd.s32 $0xFFFFF800;
	p0 =	sne.s32 s18, $0x9E00  }
0x38: {  	[spmem:s2] =	stream.indirect.scatter.add.f32 [tilespmem:s15], [sflag:$0x1], $0x10, s19, s14, $0xb8;
	[tilespmem:$0x6000] =	vst v63  }
.Ltmp2:
0x39: {  	_ = 	snop;
	(pc) =	sbr.rel @p0 .LBB2_6-.Ltmp2, $4  }
0x3a: {  	_ = 	snop  }
0x3b: {  	s18 =	sadd.s32 $0x200, s18  }
0x3c: {  	_ =	swait.ge [sflag:s13], $0x800  }
0x3d: {  	[sflag:s13] =	ssyncset.done $0x0  }
0x3e: {  	s3 =	sadd.s32 $0x1, s3  }
0x3f: {  	[sflag:s13] =	ssyncadd.s32 $0xFFFFF800;
	p0 =	sne.s32 s3, s7  }
.Ltmp3:
0x40: {  	[bflag:$0x0] =	sbarrier.arrive $0xFFFF;
	(pc) =	sbr.rel @p0 .LBB2_1-.Ltmp3, $4  }
0x41: {  	[hbm:s6], [sflag:s16] =	dma.local [spmem:s17], $0x500  }
0x42: {  	_ =	swait.ge [sflag:s13], $0x500  }
0x43: {  	[sflag:s13] =	ssyncset.done $0x0  }
0x44: {  	[sflag:s13] =	ssyncadd.s32 $0xFFFFFB00  }
0x45: {  	_ =	sfence.sel $0x180000  }
0x46: {  	[bflag:$0x0] =	sbarrier.arrive $0xFFFF  }
0x47: {  	p0 =	sne.s32 s0, $0x0;
	_ =	strace $0x90000047  }
0x48: {  	s0 =	sadd.s32 @!p0 $0x100000, s1;
	[bflag:$0x2] =	sbarrier.arrive $0xFFFF  }
0x49: {  	[sflag:s0] =	ssyncadd.tile.s32 @!p0 $0x1;
	_ =	shalt  }
.Lfunc_end2:
_tile_overlayer_lowered:
.L_overlay_start_2:
0x4a: {  	(tag) =	ssettag $0x2  }
0x4b: {  	s0 =	rddreg [dreg:$0x0];
	s2 =	stileid.u32  }
0x4c: {  	s1 =	rddreg [dreg:$0x1];
	p0 =	sne.s32 s2, $0x0  }
0x4d: {  	s3 =	rddreg [dreg:$0x2];
	[bflag:$0x3] =	sbarrier.arrive $0xFFFF;
	s2 =	simm.s32 @!p0 $0x1C01  }
0x4e: {  	[timem:s3], [sflag:s2] =	dma.local @!p0 [hbm:s0], s1  }
0x4f: {  	s0 =	simm.s32 @!p0 $0x1  }
0x50: {  	_ =	swait.ge @!p0 [sflag:s0], s1  }
0x51: {  	s1 =	ssub.s32 @!p0 $0x0, s1;
	[sflag:s0] =	ssyncset.done @!p0 $0x0  }
0x52: {  	[sflag:s0] =	ssyncadd.s32 @!p0 s1  }
0x53: {  	[bflag:$0x3] =	sbarrier.arrive $0xFFFF  }
0x54: {  	_ =	shalt  }

</sc_bundles>
